<compile_context>
chip_gen: v7x
topology: tpu7x:2x2x1
jax: 0.10.2.dev20260603
libtpu: 0.0.44.dev20260713+nightly
codegen_flags: <defaults>
</compile_context>

<pallas_src>
import functools

import jax
import jax.numpy as jnp
from jax import lax
from jax.experimental import pallas as pl
from jax.experimental.pallas import tpu as pltpu
from jax.experimental.pallas import tpu_sc as plsc

VOCAB = 100000
EMB = 64
SCALE = 8.0

B, L = 4096, 200
NC, NS = 2, 16
NW = NC * NS
BB = B // NW

NBUF = 4
LAG = 2
NGROUP = L // NBUF


_MESH = plsc.VectorSubcoreMesh(core_axis_name="c", subcore_axis_name="s")


@functools.partial(
    pl.kernel,
    mesh=_MESH,
    out_type=jax.ShapeDtypeStruct((L, 8, NW, 8, BB), jnp.float32),
    scratch_types=[
        pltpu.VMEM((L, BB), jnp.int32),
        pltpu.VMEM((NBUF, BB, EMB), jnp.float32),
        pltpu.VMEM((NBUF, 8, 8, BB + 1), jnp.float32),
        pltpu.SemaphoreType.DMA((NBUF,)),
        pltpu.SemaphoreType.DMA((NBUF,)),
    ],
    compiler_params=pltpu.CompilerParams(
        use_tc_tiling_on_sc=False, needs_layout_passes=False,
        disable_bounds_checks=True),
)
def _gather_t(table_hbm, idx_hbm, out_hbm, idx_v, rows, trows, gsem, wsem):
    wid = lax.axis_index("s") * NC + lax.axis_index("c")
    pltpu.sync_copy(idx_hbm.at[wid], idx_v)

    iota = lax.iota(jnp.int32, 16)
    iota_div8 = lax.shift_right_logical(iota, 3)
    iota_mod8_x128 = lax.shift_left(
        lax.bitwise_and(iota, jnp.full((16,), 7, jnp.int32)), 7)

    def issue_g(l, b):
        pltpu.async_copy(table_hbm.at[idx_v.at[l]], rows.at[b], gsem.at[b])

    def wait_g(l, b):
        pltpu.make_async_copy(
            table_hbm.at[idx_v.at[l]], rows.at[b], gsem.at[b]).wait()

    row_sel = [iota_div8 + 2 * k for k in range(EMB // 16)]
    sub_sel = lax.bitwise_and(iota, jnp.full((16,), 7, jnp.int32))
    zeros16 = jnp.full((16,), 0, jnp.int32)

    def transpose_scale(b):
        def rbody(r):
            col = zeros16 + r
            for k in range(EMB // 16):
                v = rows[b, r, pl.ds(16 * k, 16)]
                plsc.store_scatter(trows.at[b], [row_sel[k], sub_sel, col],
                                   v * SCALE)
        plsc.parallel_loop(0, BB, 1, unroll=2)(rbody)

    def issue_w(l, b):
        pltpu.async_copy(trows.at[b, :, :, pl.ds(0, BB)],
                         out_hbm.at[l, :, wid], wsem.at[b])

    def wait_w(l, b):
        pltpu.make_async_copy(trows.at[b, :, :, pl.ds(0, BB)],
                              out_hbm.at[l, :, wid], wsem.at[b]).wait()

    for j in range(NBUF):
        issue_g(j, j)
        if j >= LAG:
            wait_g(j - LAG, j - LAG)
            transpose_scale(j - LAG)
            issue_w(j - LAG, j - LAG)

    def outer(g, carry):
        for b in range(NBUF):
            j = g * NBUF + b
            wait_w(j - NBUF, b)
            issue_g(j, b)
            b2 = (b + NBUF - LAG) % NBUF
            wait_g(j - LAG, b2)
            transpose_scale(b2)
            issue_w(j - LAG, b2)
        return carry

    lax.fori_loop(1, NGROUP, outer, 0)

    for j in range(L, L + LAG):
        b2 = (j - LAG) % NBUF
        wait_g(j - LAG, b2)
        transpose_scale(b2)
        issue_w(j - LAG, b2)
    for l in range(L - NBUF, L):
        wait_w(l, l % NBUF)


def kernel(tokens, word_vectors):
    idx = tokens.reshape(NW, BB, L).transpose(0, 2, 1)
    out_t = _gather_t(word_vectors, idx)
    return out_t.transpose(2, 4, 0, 1, 3).reshape(B, L, EMB)

# --- scband reference (transcript-rebuilt; emitter-appended) ---
"""Pipeline reference for scband-word2-vec-token-embedding-8735963480230 (READ-ONLY COPY).

The authoritative reference and input builder live on the scoring server;
editing this copy changes nothing except your own understanding.
"""

import math
import jax, jax.numpy as jnp
import numpy as np

VOCAB = 100000
EMB = 64
PAD = 0
B, L = 4096, 200


def setup_inputs(seed: int = 0) -> dict:
    key = jax.random.key(seed)
    k1, k2 = jax.random.split(key)
    tokens = jax.random.randint(k1, (B, L), 0, VOCAB, dtype=jnp.int32)
    word_vectors = jax.random.normal(k2, (VOCAB, EMB), dtype=jnp.float32)
    # padding_idx row is zero, matching nn.Embedding.from_pretrained(padding_idx=PAD)
    word_vectors = word_vectors.at[PAD].set(0.0)
    return {"tokens": tokens, "word_vectors": word_vectors}


def reference(tokens, word_vectors):
    # embedding lookup (gather) scaled by sqrt(emb_size)
    emb = jnp.take(word_vectors, tokens, axis=0)
    return emb * math.sqrt(EMB)

if __name__ == "__main__":
    import jax
    _d = setup_inputs()
    print(jax.jit(kernel)(*tuple(_d.values())))

</pallas_src>

<mosaic_0001>
#map = affine_map<(d0, d1) -> (0, 0)>
#map1 = affine_map<(d0, d1) -> (0, 0, 0)>
#map2 = affine_map<(d0, d1) -> (0, 0, 0, 0, 0)>
module attributes {stable_mosaic.version = 14 : i64} {
  func.func @_gather_t(%arg0: i32, %arg1: i32, %arg2: memref<100000x64xf32, #tpu.memory_space<hbm>>, %arg3: memref<32x200x128xi32, #tpu.memory_space<hbm>>, %arg4: memref<200x8x32x8x128xf32, #tpu.memory_space<hbm>>, %arg5: memref<200x128xi32, #tpu.memory_space<vmem>>, %arg6: memref<4x128x64xf32, #tpu.memory_space<vmem>>, %arg7: memref<4x8x8x129xf32, #tpu.memory_space<vmem>>, %arg8: memref<4x!tpu.dma_semaphore, #tpu.memory_space<semaphore_mem>>, %arg9: memref<4x!tpu.dma_semaphore, #tpu.memory_space<semaphore_mem>>) attributes {dimension_semantics = [#tpu.dimension_semantics<core_parallel>, #tpu.dimension_semantics<subcore_parallel>], iteration_bounds = array<i64: 2, 16>, scalar_prefetch = 0 : i64, scratch_operands = 5 : i64, tpu.core_type = #tpu.core_type<sc_vector_subcore>, window_params = [{transform_indices = #map}, {transform_indices = #map1}, {transform_indices = #map2}]} {
    %mul3A = arith.constant 2 : i32
    %mul3A_0 = arith.muli %arg1, %mul3A : i32
    %add3A = arith.addi %mul3A_0, %arg0 : i32
    "tpu.region"() ({
      %run_scoped3A = tpu.sem_alloc : memref<!tpu.dma_semaphore, #tpu.memory_space<semaphore_mem>>
      %dma_start3A_357 = arith.constant 0 : i32
      %dma_start3A_358 = arith.constant 0 : i32
      %dma_start3A_359 = tpu.memref_slice %arg3[%add3A, %dma_start3A_357, %dma_start3A_358] : memref<32x200x128xi32, #tpu.memory_space<hbm>> -> memref<1x200x128xi32, #tpu.memory_space<hbm>>
      %dma_start3A_360 = tpu.memref_squeeze %dma_start3A_359 : memref<1x200x128xi32, #tpu.memory_space<hbm>> -> memref<200x128xi32, #tpu.memory_space<hbm>>
      %dma_start3A_361 = arith.constant 0 : i32
      %dma_start3A_362 = arith.constant 0 : i32
      %dma_start3A_363 = tpu.memref_slice %arg3[%add3A, %dma_start3A_361, %dma_start3A_362] : memref<32x200x128xi32, #tpu.memory_space<hbm>> -> memref<1x200x128xi32, #tpu.memory_space<hbm>>
      %dma_start3A_364 = tpu.memref_squeeze %dma_start3A_363 : memref<1x200x128xi32, #tpu.memory_space<hbm>> -> memref<200x128xi32, #tpu.memory_space<hbm>>
      tpu.enqueue_dma source(%dma_start3A_364 : memref<200x128xi32, #tpu.memory_space<hbm>>) target(%arg5 : memref<200x128xi32, #tpu.memory_space<vmem>>) target_semaphore(%run_scoped3A : memref<!tpu.dma_semaphore, #tpu.memory_space<semaphore_mem>>)
      %dma_wait3A_365 = arith.constant 0 : i32
      %dma_wait3A_366 = arith.constant 0 : i32
      %dma_wait3A_367 = tpu.memref_slice %arg3[%add3A, %dma_wait3A_365, %dma_wait3A_366] : memref<32x200x128xi32, #tpu.memory_space<hbm>> -> memref<1x200x128xi32, #tpu.memory_space<hbm>>
      %dma_wait3A_368 = tpu.memref_squeeze %dma_wait3A_367 : memref<1x200x128xi32, #tpu.memory_space<hbm>> -> memref<200x128xi32, #tpu.memory_space<hbm>>
      %dma_wait3A_369 = arith.constant 0 : i32
      %dma_wait3A_370 = arith.constant 0 : i32
      %dma_wait3A_371 = tpu.memref_slice %arg3[%add3A, %dma_wait3A_369, %dma_wait3A_370] : memref<32x200x128xi32, #tpu.memory_space<hbm>> -> memref<1x200x128xi32, #tpu.memory_space<hbm>>
      %dma_wait3A_372 = tpu.memref_squeeze %dma_wait3A_371 : memref<1x200x128xi32, #tpu.memory_space<hbm>> -> memref<200x128xi32, #tpu.memory_space<hbm>>
      tpu.wait_dma2 semaphore(%run_scoped3A : memref<!tpu.dma_semaphore, #tpu.memory_space<semaphore_mem>>) src(%dma_wait3A_372 : memref<200x128xi32, #tpu.memory_space<hbm>>) dst(%arg5 : memref<200x128xi32, #tpu.memory_space<vmem>>)
      tpu.yield
    }) : () -> ()
    %iota3A = tpu.iota {dimensions = array<i32: 0>} : vector<16xi32>
    %shift_right_logical3A = arith.constant 3 : i32
    %shift_right_logical3A_1 = vector.broadcast %shift_right_logical3A : i32 to vector<16xi32>
    %shift_right_logical3A_2 = arith.shrui %iota3A, %shift_right_logical3A_1 : vector<16xi32>
    %broadcast_in_dim3A = arith.constant 7 : i32
    %broadcast_in_dim3A_3 = vector.broadcast %broadcast_in_dim3A : i32 to vector<16xi32>
    %and3A = arith.andi %iota3A, %broadcast_in_dim3A_3 : vector<16xi32>
    %shift_left3A = arith.constant 7 : i32
    %shift_left3A_4 = vector.broadcast %shift_left3A : i32 to vector<16xi32>
    %shift_left3A_5 = arith.shli %and3A, %shift_left3A_4 : vector<16xi32>
    %add3A_6 = arith.constant 0 : i32
    %add3A_7 = vector.broadcast %add3A_6 : i32 to vector<16xi32>
    %add3A_8 = arith.addi %shift_right_logical3A_2, %add3A_7 : vector<16xi32>
    %add3A_9 = arith.constant 2 : i32
    %add3A_10 = vector.broadcast %add3A_9 : i32 to vector<16xi32>
    %add3A_11 = arith.addi %shift_right_logical3A_2, %add3A_10 : vector<16xi32>
    %add3A_12 = arith.constant 4 : i32
    %add3A_13 = vector.broadcast %add3A_12 : i32 to vector<16xi32>
    %add3A_14 = arith.addi %shift_right_logical3A_2, %add3A_13 : vector<16xi32>
    %add3A_15 = arith.constant 6 : i32
    %add3A_16 = vector.broadcast %add3A_15 : i32 to vector<16xi32>
    %add3A_17 = arith.addi %shift_right_logical3A_2, %add3A_16 : vector<16xi32>
    %broadcast_in_dim3A_18 = arith.constant 7 : i32
    %broadcast_in_dim3A_19 = vector.broadcast %broadcast_in_dim3A_18 : i32 to vector<16xi32>
    %and3A_20 = arith.andi %iota3A, %broadcast_in_dim3A_19 : vector<16xi32>
    %broadcast_in_dim3A_21 = arith.constant 0 : i32
    %broadcast_in_dim3A_22 = vector.broadcast %broadcast_in_dim3A_21 : i32 to vector<16xi32>
    %dma_start3A = arith.constant 0 : i32
    %dma_start3A_23 = arith.constant 0 : i32
    %dma_start3A_24 = arith.constant 0 : i32
    %dma_start3A_25 = arith.constant 0 : i32
    %dma_start3A_26 = arith.constant 0 : i32
    %dma_start3A_27 = tpu.memref_slice %arg6[%dma_start3A_23, %dma_start3A_25, %dma_start3A_26] : memref<4x128x64xf32, #tpu.memory_space<vmem>> -> memref<1x128x64xf32, #tpu.memory_space<vmem>>
    %dma_start3A_28 = tpu.memref_squeeze %dma_start3A_27 : memref<1x128x64xf32, #tpu.memory_space<vmem>> -> memref<128x64xf32, #tpu.memory_space<vmem>>
    %dma_start3A_29 = arith.constant 0 : i32
    %dma_start3A_30 = tpu.memref_slice %arg5[%dma_start3A, %dma_start3A_29] : memref<200x128xi32, #tpu.memory_space<vmem>> -> memref<1x128xi32, #tpu.memory_space<vmem>>
    %dma_start3A_31 = tpu.memref_squeeze %dma_start3A_30 : memref<1x128xi32, #tpu.memory_space<vmem>> -> memref<128xi32, #tpu.memory_space<vmem>>
    %dma_start3A_32 = arith.constant 0 : i32
    %dma_start3A_33 = arith.constant 0 : i32
    %dma_start3A_34 = tpu.memref_slice %arg2[%dma_start3A_32, %dma_start3A_33] : memref<100000x64xf32, #tpu.memory_space<hbm>> -> memref<100000x64xf32, #tpu.memory_space<hbm>>
    %dma_start3A_35 = tpu.memref_slice %arg8[%dma_start3A_24] : memref<4x!tpu.dma_semaphore, #tpu.memory_space<semaphore_mem>> -> memref<1x!tpu.dma_semaphore, #tpu.memory_space<semaphore_mem>>
    %dma_start3A_36 = tpu.memref_squeeze %dma_start3A_35 : memref<1x!tpu.dma_semaphore, #tpu.memory_space<semaphore_mem>> -> memref<!tpu.dma_semaphore, #tpu.memory_space<semaphore_mem>>
    tpu.enqueue_indirect_dma source(%dma_start3A_34 : memref<100000x64xf32, #tpu.memory_space<hbm>>) target(%dma_start3A_28 : memref<128x64xf32, #tpu.memory_space<vmem>>) offsets(%dma_start3A_31 : memref<128xi32, #tpu.memory_space<vmem>>) semaphore(%dma_start3A_36 : memref<!tpu.dma_semaphore, #tpu.memory_space<semaphore_mem>>)
    %dma_start3A_37 = arith.constant 1 : i32
    %dma_start3A_38 = arith.constant 1 : i32
    %dma_start3A_39 = arith.constant 1 : i32
    %dma_start3A_40 = arith.constant 0 : i32
    %dma_start3A_41 = arith.constant 0 : i32
    %dma_start3A_42 = tpu.memref_slice %arg6[%dma_start3A_38, %dma_start3A_40, %dma_start3A_41] : memref<4x128x64xf32, #tpu.memory_space<vmem>> -> memref<1x128x64xf32, #tpu.memory_space<vmem>>
    %dma_start3A_43 = tpu.memref_squeeze %dma_start3A_42 : memref<1x128x64xf32, #tpu.memory_space<vmem>> -> memref<128x64xf32, #tpu.memory_space<vmem>>
    %dma_start3A_44 = arith.constant 0 : i32
    %dma_start3A_45 = tpu.memref_slice %arg5[%dma_start3A_37, %dma_start3A_44] : memref<200x128xi32, #tpu.memory_space<vmem>> -> memref<1x128xi32, #tpu.memory_space<vmem>>
    %dma_start3A_46 = tpu.memref_squeeze %dma_start3A_45 : memref<1x128xi32, #tpu.memory_space<vmem>> -> memref<128xi32, #tpu.memory_space<vmem>>
    %dma_start3A_47 = arith.constant 0 : i32
    %dma_start3A_48 = arith.constant 0 : i32
    %dma_start3A_49 = tpu.memref_slice %arg2[%dma_start3A_47, %dma_start3A_48] : memref<100000x64xf32, #tpu.memory_space<hbm>> -> memref<100000x64xf32, #tpu.memory_space<hbm>>
    %dma_start3A_50 = tpu.memref_slice %arg8[%dma_start3A_39] : memref<4x!tpu.dma_semaphore, #tpu.memory_space<semaphore_mem>> -> memref<1x!tpu.dma_semaphore, #tpu.memory_space<semaphore_mem>>
    %dma_start3A_51 = tpu.memref_squeeze %dma_start3A_50 : memref<1x!tpu.dma_semaphore, #tpu.memory_space<semaphore_mem>> -> memref<!tpu.dma_semaphore, #tpu.memory_space<semaphore_mem>>
    tpu.enqueue_indirect_dma source(%dma_start3A_49 : memref<100000x64xf32, #tpu.memory_space<hbm>>) target(%dma_start3A_43 : memref<128x64xf32, #tpu.memory_space<vmem>>) offsets(%dma_start3A_46 : memref<128xi32, #tpu.memory_space<vmem>>) semaphore(%dma_start3A_51 : memref<!tpu.dma_semaphore, #tpu.memory_space<semaphore_mem>>)
    %dma_start3A_52 = arith.constant 2 : i32
    %dma_start3A_53 = arith.constant 2 : i32
    %dma_start3A_54 = arith.constant 2 : i32
    %dma_start3A_55 = arith.constant 0 : i32
    %dma_start3A_56 = arith.constant 0 : i32
    %dma_start3A_57 = tpu.memref_slice %arg6[%dma_start3A_53, %dma_start3A_55, %dma_start3A_56] : memref<4x128x64xf32, #tpu.memory_space<vmem>> -> memref<1x128x64xf32, #tpu.memory_space<vmem>>
    %dma_start3A_58 = tpu.memref_squeeze %dma_start3A_57 : memref<1x128x64xf32, #tpu.memory_space<vmem>> -> memref<128x64xf32, #tpu.memory_space<vmem>>
    %dma_start3A_59 = arith.constant 0 : i32
    %dma_start3A_60 = tpu.memref_slice %arg5[%dma_start3A_52, %dma_start3A_59] : memref<200x128xi32, #tpu.memory_space<vmem>> -> memref<1x128xi32, #tpu.memory_space<vmem>>
    %dma_start3A_61 = tpu.memref_squeeze %dma_start3A_60 : memref<1x128xi32, #tpu.memory_space<vmem>> -> memref<128xi32, #tpu.memory_space<vmem>>
    %dma_start3A_62 = arith.constant 0 : i32
    %dma_start3A_63 = arith.constant 0 : i32
    %dma_start3A_64 = tpu.memref_slice %arg2[%dma_start3A_62, %dma_start3A_63] : memref<100000x64xf32, #tpu.memory_space<hbm>> -> memref<100000x64xf32, #tpu.memory_space<hbm>>
    %dma_start3A_65 = tpu.memref_slice %arg8[%dma_start3A_54] : memref<4x!tpu.dma_semaphore, #tpu.memory_space<semaphore_mem>> -> memref<1x!tpu.dma_semaphore, #tpu.memory_space<semaphore_mem>>
    %dma_start3A_66 = tpu.memref_squeeze %dma_start3A_65 : memref<1x!tpu.dma_semaphore, #tpu.memory_space<semaphore_mem>> -> memref<!tpu.dma_semaphore, #tpu.memory_space<semaphore_mem>>
    tpu.enqueue_indirect_dma source(%dma_start3A_64 : memref<100000x64xf32, #tpu.memory_space<hbm>>) target(%dma_start3A_58 : memref<128x64xf32, #tpu.memory_space<vmem>>) offsets(%dma_start3A_61 : memref<128xi32, #tpu.memory_space<vmem>>) semaphore(%dma_start3A_66 : memref<!tpu.dma_semaphore, #tpu.memory_space<semaphore_mem>>)
    %dma_wait3A = arith.constant 0 : i32
    %dma_wait3A_67 = arith.constant 0 : i32
    %dma_wait3A_68 = arith.constant 0 : i32
    %dma_wait3A_69 = arith.constant 0 : i32
    %dma_wait3A_70 = arith.constant 0 : i32
    %dma_wait3A_71 = tpu.memref_slice %arg6[%dma_wait3A_67, %dma_wait3A_69, %dma_wait3A_70] : memref<4x128x64xf32, #tpu.memory_space<vmem>> -> memref<1x128x64xf32, #tpu.memory_space<vmem>>
    %dma_wait3A_72 = tpu.memref_squeeze %dma_wait3A_71 : memref<1x128x64xf32, #tpu.memory_space<vmem>> -> memref<128x64xf32, #tpu.memory_space<vmem>>
    %dma_wait3A_73 = arith.constant 0 : i32
    %dma_wait3A_74 = tpu.memref_slice %arg5[%dma_wait3A, %dma_wait3A_73] : memref<200x128xi32, #tpu.memory_space<vmem>> -> memref<1x128xi32, #tpu.memory_space<vmem>>
    %dma_wait3A_75 = tpu.memref_squeeze %dma_wait3A_74 : memref<1x128xi32, #tpu.memory_space<vmem>> -> memref<128xi32, #tpu.memory_space<vmem>>
    %dma_wait3A_76 = arith.constant 0 : i32
    %dma_wait3A_77 = arith.constant 0 : i32
    %dma_wait3A_78 = tpu.memref_slice %arg2[%dma_wait3A_76, %dma_wait3A_77] : memref<100000x64xf32, #tpu.memory_space<hbm>> -> memref<100000x64xf32, #tpu.memory_space<hbm>>
    %dma_wait3A_79 = tpu.memref_slice %arg8[%dma_wait3A_68] : memref<4x!tpu.dma_semaphore, #tpu.memory_space<semaphore_mem>> -> memref<1x!tpu.dma_semaphore, #tpu.memory_space<semaphore_mem>>
    %dma_wait3A_80 = tpu.memref_squeeze %dma_wait3A_79 : memref<1x!tpu.dma_semaphore, #tpu.memory_space<semaphore_mem>> -> memref<!tpu.dma_semaphore, #tpu.memory_space<semaphore_mem>>
    tpu.wait_indirect_dma semaphore(%dma_wait3A_80 : memref<!tpu.dma_semaphore, #tpu.memory_space<semaphore_mem>>) src(%dma_wait3A_78 : memref<100000x64xf32, #tpu.memory_space<hbm>>) dst(%dma_wait3A_72 : memref<128x64xf32, #tpu.memory_space<vmem>>)
    %parallel_loop3A = arith.constant 0 : i32
    %parallel_loop3A_81 = arith.constant 128 : i32
    %parallel_loop3A_82 = arith.constant 1 : i32
    scf.for %parallel_loop3A_357 = %parallel_loop3A to %parallel_loop3A_81 step %parallel_loop3A_82  : i32 {
      %parallel_loop3A_358 = vector.broadcast %parallel_loop3A_357 : i32 to vector<16xi32>
      %parallel_loop3A_359 = arith.addi %broadcast_in_dim3A_22, %parallel_loop3A_358 : vector<16xi32>
      %parallel_loop3A_360 = arith.constant 0 : i32
      %parallel_loop3A_361 = arith.index_cast %parallel_loop3A_360 : i32 to index
      %parallel_loop3A_362 = arith.index_cast %parallel_loop3A_357 : i32 to index
      %parallel_loop3A_363 = arith.constant 0 : index
      %parallel_loop3A_364 = tpu.vector_load %arg6[%parallel_loop3A_361, %parallel_loop3A_362, %parallel_loop3A_363] {strides = array<i32>} : memref<4x128x64xf32, #tpu.memory_space<vmem>>, vector<16xf32>,
      %parallel_loop3A_365 = arith.constant 8.000000e+00 : f32
      %parallel_loop3A_366 = vector.broadcast %parallel_loop3A_365 : f32 to vector<16xf32>
      %parallel_loop3A_367 = arith.mulf %parallel_loop3A_364, %parallel_loop3A_366 : vector<16xf32>
      %parallel_loop3A_368 = arith.constant 0 : i32
      %parallel_loop3A_369 = arith.constant 0 : i32
      %parallel_loop3A_370 = arith.constant 0 : i32
      %parallel_loop3A_371 = arith.constant 0 : i32
      %parallel_loop3A_372 = tpu.memref_slice %arg7[%parallel_loop3A_368, %parallel_loop3A_369, %parallel_loop3A_370, %parallel_loop3A_371] : memref<4x8x8x129xf32, #tpu.memory_space<vmem>> -> memref<1x8x8x129xf32, #tpu.memory_space<vmem>>
      %parallel_loop3A_373 = tpu.memref_squeeze %parallel_loop3A_372 : memref<1x8x8x129xf32, #tpu.memory_space<vmem>> -> memref<8x8x129xf32, #tpu.memory_space<vmem>>
      tpu.vector_store_idx %parallel_loop3A_373[%add3A_8, %and3A_20, %parallel_loop3A_359], %parallel_loop3A_367 : memref<8x8x129xf32, #tpu.memory_space<vmem>>[vector<16xi32>, vector<16xi32>, vector<16xi32>], vector<16xf32>,
      %parallel_loop3A_374 = arith.constant 0 : i32
      %parallel_loop3A_375 = arith.index_cast %parallel_loop3A_374 : i32 to index
      %parallel_loop3A_376 = arith.index_cast %parallel_loop3A_357 : i32 to index
      %parallel_loop3A_377 = arith.constant 16 : index
      %parallel_loop3A_378 = tpu.vector_load %arg6[%parallel_loop3A_375, %parallel_loop3A_376, %parallel_loop3A_377] {strides = array<i32>} : memref<4x128x64xf32, #tpu.memory_space<vmem>>, vector<16xf32>,
      %parallel_loop3A_379 = arith.constant 8.000000e+00 : f32
      %parallel_loop3A_380 = vector.broadcast %parallel_loop3A_379 : f32 to vector<16xf32>
      %parallel_loop3A_381 = arith.mulf %parallel_loop3A_378, %parallel_loop3A_380 : vector<16xf32>
      %parallel_loop3A_382 = arith.constant 0 : i32
      %parallel_loop3A_383 = arith.constant 0 : i32
      %parallel_loop3A_384 = arith.constant 0 : i32
      %parallel_loop3A_385 = arith.constant 0 : i32
      %parallel_loop3A_386 = tpu.memref_slice %arg7[%parallel_loop3A_382, %parallel_loop3A_383, %parallel_loop3A_384, %parallel_loop3A_385] : memref<4x8x8x129xf32, #tpu.memory_space<vmem>> -> memref<1x8x8x129xf32, #tpu.memory_space<vmem>>
      %parallel_loop3A_387 = tpu.memref_squeeze %parallel_loop3A_386 : memref<1x8x8x129xf32, #tpu.memory_space<vmem>> -> memref<8x8x129xf32, #tpu.memory_space<vmem>>
      tpu.vector_store_idx %parallel_loop3A_387[%add3A_11, %and3A_20, %parallel_loop3A_359], %parallel_loop3A_381 : memref<8x8x129xf32, #tpu.memory_space<vmem>>[vector<16xi32>, vector<16xi32>, vector<16xi32>], vector<16xf32>,
      %parallel_loop3A_388 = arith.constant 0 : i32
      %parallel_loop3A_389 = arith.index_cast %parallel_loop3A_388 : i32 to index
      %parallel_loop3A_390 = arith.index_cast %parallel_loop3A_357 : i32 to index
      %parallel_loop3A_391 = arith.constant 32 : index
      %parallel_loop3A_392 = tpu.vector_load %arg6[%parallel_loop3A_389, %parallel_loop3A_390, %parallel_loop3A_391] {strides = array<i32>} : memref<4x128x64xf32, #tpu.memory_space<vmem>>, vector<16xf32>,
      %parallel_loop3A_393 = arith.constant 8.000000e+00 : f32
      %parallel_loop3A_394 = vector.broadcast %parallel_loop3A_393 : f32 to vector<16xf32>
      %parallel_loop3A_395 = arith.mulf %parallel_loop3A_392, %parallel_loop3A_394 : vector<16xf32>
      %parallel_loop3A_396 = arith.constant 0 : i32
      %parallel_loop3A_397 = arith.constant 0 : i32
      %parallel_loop3A_398 = arith.constant 0 : i32
      %parallel_loop3A_399 = arith.constant 0 : i32
      %parallel_loop3A_400 = tpu.memref_slice %arg7[%parallel_loop3A_396, %parallel_loop3A_397, %parallel_loop3A_398, %parallel_loop3A_399] : memref<4x8x8x129xf32, #tpu.memory_space<vmem>> -> memref<1x8x8x129xf32, #tpu.memory_space<vmem>>
      %parallel_loop3A_401 = tpu.memref_squeeze %parallel_loop3A_400 : memref<1x8x8x129xf32, #tpu.memory_space<vmem>> -> memref<8x8x129xf32, #tpu.memory_space<vmem>>
      tpu.vector_store_idx %parallel_loop3A_401[%add3A_14, %and3A_20, %parallel_loop3A_359], %parallel_loop3A_395 : memref<8x8x129xf32, #tpu.memory_space<vmem>>[vector<16xi32>, vector<16xi32>, vector<16xi32>], vector<16xf32>,
      %parallel_loop3A_402 = arith.constant 0 : i32
      %parallel_loop3A_403 = arith.index_cast %parallel_loop3A_402 : i32 to index
      %parallel_loop3A_404 = arith.index_cast %parallel_loop3A_357 : i32 to index
      %parallel_loop3A_405 = arith.constant 48 : index
      %parallel_loop3A_406 = tpu.vector_load %arg6[%parallel_loop3A_403, %parallel_loop3A_404, %parallel_loop3A_405] {strides = array<i32>} : memref<4x128x64xf32, #tpu.memory_space<vmem>>, vector<16xf32>,
      %parallel_loop3A_407 = arith.constant 8.000000e+00 : f32
      %parallel_loop3A_408 = vector.broadcast %parallel_loop3A_407 : f32 to vector<16xf32>
      %parallel_loop3A_409 = arith.mulf %parallel_loop3A_406, %parallel_loop3A_408 : vector<16xf32>
      %parallel_loop3A_410 = arith.constant 0 : i32
      %parallel_loop3A_411 = arith.constant 0 : i32
      %parallel_loop3A_412 = arith.constant 0 : i32
      %parallel_loop3A_413 = arith.constant 0 : i32
      %parallel_loop3A_414 = tpu.memref_slice %arg7[%parallel_loop3A_410, %parallel_loop3A_411, %parallel_loop3A_412, %parallel_loop3A_413] : memref<4x8x8x129xf32, #tpu.memory_space<vmem>> -> memref<1x8x8x129xf32, #tpu.memory_space<vmem>>
      %parallel_loop3A_415 = tpu.memref_squeeze %parallel_loop3A_414 : memref<1x8x8x129xf32, #tpu.memory_space<vmem>> -> memref<8x8x129xf32, #tpu.memory_space<vmem>>
      tpu.vector_store_idx %parallel_loop3A_415[%add3A_17, %and3A_20, %parallel_loop3A_359], %parallel_loop3A_409 : memref<8x8x129xf32, #tpu.memory_space<vmem>>[vector<16xi32>, vector<16xi32>, vector<16xi32>], vector<16xf32>,
    } {sc.loop_unroll_factor = 2 : i64, sc.parallel_access}
    %dma_start3A_83 = arith.constant 0 : i32
    %dma_start3A_84 = arith.constant 0 : i32
    %dma_start3A_85 = arith.constant 0 : i32
    %dma_start3A_86 = arith.constant 0 : i32
    %dma_start3A_87 = arith.constant 0 : i32
    %dma_start3A_88 = arith.constant 0 : i32
    %dma_start3A_89 = tpu.memref_slice %arg7[%dma_start3A_83, %dma_start3A_86, %dma_start3A_87, %dma_start3A_88] : memref<4x8x8x129xf32, #tpu.memory_space<vmem>> -> memref<1x8x8x128xf32, #tpu.memory_space<vmem>>
    %dma_start3A_90 = tpu.memref_squeeze %dma_start3A_89 : memref<1x8x8x128xf32, #tpu.memory_space<vmem>> -> memref<8x8x128xf32, #tpu.memory_space<vmem>>
    %dma_start3A_91 = arith.constant 0 : i32
    %dma_start3A_92 = arith.constant 0 : i32
    %dma_start3A_93 = arith.constant 0 : i32
    %dma_start3A_94 = tpu.memref_slice %arg4[%dma_start3A_84, %dma_start3A_91, %add3A, %dma_start3A_92, %dma_start3A_93] : memref<200x8x32x8x128xf32, #tpu.memory_space<hbm>> -> memref<1x8x1x8x128xf32, #tpu.memory_space<hbm>>
    %dma_start3A_95 = tpu.memref_squeeze %dma_start3A_94 : memref<1x8x1x8x128xf32, #tpu.memory_space<hbm>> -> memref<8x8x128xf32, #tpu.memory_space<hbm>>
    %dma_start3A_96 = tpu.memref_slice %arg9[%dma_start3A_85] : memref<4x!tpu.dma_semaphore, #tpu.memory_space<semaphore_mem>> -> memref<1x!tpu.dma_semaphore, #tpu.memory_space<semaphore_mem>>
    %dma_start3A_97 = tpu.memref_squeeze %dma_start3A_96 : memref<1x!tpu.dma_semaphore, #tpu.memory_space<semaphore_mem>> -> memref<!tpu.dma_semaphore, #tpu.memory_space<semaphore_mem>>
    %dma_start3A_98 = arith.constant 0 : i32
    %dma_start3A_99 = arith.constant 0 : i32
    %dma_start3A_100 = arith.constant 0 : i32
    %dma_start3A_101 = tpu.memref_slice %arg4[%dma_start3A_84, %dma_start3A_98, %add3A, %dma_start3A_99, %dma_start3A_100] : memref<200x8x32x8x128xf32, #tpu.memory_space<hbm>> -> memref<1x8x1x8x128xf32, #tpu.memory_space<hbm>>
    %dma_start3A_102 = tpu.memref_squeeze %dma_start3A_101 : memref<1x8x1x8x128xf32, #tpu.memory_space<hbm>> -> memref<8x8x128xf32, #tpu.memory_space<hbm>>
    %dma_start3A_103 = arith.constant 0 : i32
    %dma_start3A_104 = arith.constant 0 : i32
    %dma_start3A_105 = arith.constant 0 : i32
    %dma_start3A_106 = tpu.memref_slice %arg7[%dma_start3A_83, %dma_start3A_103, %dma_start3A_104, %dma_start3A_105] : memref<4x8x8x129xf32, #tpu.memory_space<vmem>> -> memref<1x8x8x128xf32, #tpu.memory_space<vmem>>
    %dma_start3A_107 = tpu.memref_squeeze %dma_start3A_106 : memref<1x8x8x128xf32, #tpu.memory_space<vmem>> -> memref<8x8x128xf32, #tpu.memory_space<vmem>>
    tpu.enqueue_dma source(%dma_start3A_107 : memref<8x8x128xf32, #tpu.memory_space<vmem>>) target(%dma_start3A_102 : memref<8x8x128xf32, #tpu.memory_space<hbm>>) target_semaphore(%dma_start3A_97 : memref<!tpu.dma_semaphore, #tpu.memory_space<semaphore_mem>>)
    %dma_start3A_108 = arith.constant 3 : i32
    %dma_start3A_109 = arith.constant 3 : i32
    %dma_start3A_110 = arith.constant 3 : i32
    %dma_start3A_111 = arith.constant 0 : i32
    %dma_start3A_112 = arith.constant 0 : i32
    %dma_start3A_113 = tpu.memref_slice %arg6[%dma_start3A_109, %dma_start3A_111, %dma_start3A_112] : memref<4x128x64xf32, #tpu.memory_space<vmem>> -> memref<1x128x64xf32, #tpu.memory_space<vmem>>
    %dma_start3A_114 = tpu.memref_squeeze %dma_start3A_113 : memref<1x128x64xf32, #tpu.memory_space<vmem>> -> memref<128x64xf32, #tpu.memory_space<vmem>>
    %dma_start3A_115 = arith.constant 0 : i32
    %dma_start3A_116 = tpu.memref_slice %arg5[%dma_start3A_108, %dma_start3A_115] : memref<200x128xi32, #tpu.memory_space<vmem>> -> memref<1x128xi32, #tpu.memory_space<vmem>>
    %dma_start3A_117 = tpu.memref_squeeze %dma_start3A_116 : memref<1x128xi32, #tpu.memory_space<vmem>> -> memref<128xi32, #tpu.memory_space<vmem>>
    %dma_start3A_118 = arith.constant 0 : i32
    %dma_start3A_119 = arith.constant 0 : i32
    %dma_start3A_120 = tpu.memref_slice %arg2[%dma_start3A_118, %dma_start3A_119] : memref<100000x64xf32, #tpu.memory_space<hbm>> -> memref<100000x64xf32, #tpu.memory_space<hbm>>
    %dma_start3A_121 = tpu.memref_slice %arg8[%dma_start3A_110] : memref<4x!tpu.dma_semaphore, #tpu.memory_space<semaphore_mem>> -> memref<1x!tpu.dma_semaphore, #tpu.memory_space<semaphore_mem>>
    %dma_start3A_122 = tpu.memref_squeeze %dma_start3A_121 : memref<1x!tpu.dma_semaphore, #tpu.memory_space<semaphore_mem>> -> memref<!tpu.dma_semaphore, #tpu.memory_space<semaphore_mem>>
    tpu.enqueue_indirect_dma source(%dma_start3A_120 : memref<100000x64xf32, #tpu.memory_space<hbm>>) target(%dma_start3A_114 : memref<128x64xf32, #tpu.memory_space<vmem>>) offsets(%dma_start3A_117 : memref<128xi32, #tpu.memory_space<vmem>>) semaphore(%dma_start3A_122 : memref<!tpu.dma_semaphore, #tpu.memory_space<semaphore_mem>>)
    %dma_wait3A_123 = arith.constant 1 : i32
    %dma_wait3A_124 = arith.constant 1 : i32
    %dma_wait3A_125 = arith.constant 1 : i32
    %dma_wait3A_126 = arith.constant 0 : i32
    %dma_wait3A_127 = arith.constant 0 : i32
    %dma_wait3A_128 = tpu.memref_slice %arg6[%dma_wait3A_124, %dma_wait3A_126, %dma_wait3A_127] : memref<4x128x64xf32, #tpu.memory_space<vmem>> -> memref<1x128x64xf32, #tpu.memory_space<vmem>>
    %dma_wait3A_129 = tpu.memref_squeeze %dma_wait3A_128 : memref<1x128x64xf32, #tpu.memory_space<vmem>> -> memref<128x64xf32, #tpu.memory_space<vmem>>
    %dma_wait3A_130 = arith.constant 0 : i32
    %dma_wait3A_131 = tpu.memref_slice %arg5[%dma_wait3A_123, %dma_wait3A_130] : memref<200x128xi32, #tpu.memory_space<vmem>> -> memref<1x128xi32, #tpu.memory_space<vmem>>
    %dma_wait3A_132 = tpu.memref_squeeze %dma_wait3A_131 : memref<1x128xi32, #tpu.memory_space<vmem>> -> memref<128xi32, #tpu.memory_space<vmem>>
    %dma_wait3A_133 = arith.constant 0 : i32
    %dma_wait3A_134 = arith.constant 0 : i32
    %dma_wait3A_135 = tpu.memref_slice %arg2[%dma_wait3A_133, %dma_wait3A_134] : memref<100000x64xf32, #tpu.memory_space<hbm>> -> memref<100000x64xf32, #tpu.memory_space<hbm>>
    %dma_wait3A_136 = tpu.memref_slice %arg8[%dma_wait3A_125] : memref<4x!tpu.dma_semaphore, #tpu.memory_space<semaphore_mem>> -> memref<1x!tpu.dma_semaphore, #tpu.memory_space<semaphore_mem>>
    %dma_wait3A_137 = tpu.memref_squeeze %dma_wait3A_136 : memref<1x!tpu.dma_semaphore, #tpu.memory_space<semaphore_mem>> -> memref<!tpu.dma_semaphore, #tpu.memory_space<semaphore_mem>>
    tpu.wait_indirect_dma semaphore(%dma_wait3A_137 : memref<!tpu.dma_semaphore, #tpu.memory_space<semaphore_mem>>) src(%dma_wait3A_135 : memref<100000x64xf32, #tpu.memory_space<hbm>>) dst(%dma_wait3A_129 : memref<128x64xf32, #tpu.memory_space<vmem>>)
    %parallel_loop3A_138 = arith.constant 0 : i32
    %parallel_loop3A_139 = arith.constant 128 : i32
    %parallel_loop3A_140 = arith.constant 1 : i32
    scf.for %parallel_loop3A_357 = %parallel_loop3A_138 to %parallel_loop3A_139 step %parallel_loop3A_140  : i32 {
      %parallel_loop3A_358 = vector.broadcast %parallel_loop3A_357 : i32 to vector<16xi32>
      %parallel_loop3A_359 = arith.addi %broadcast_in_dim3A_22, %parallel_loop3A_358 : vector<16xi32>
      %parallel_loop3A_360 = arith.constant 1 : i32
      %parallel_loop3A_361 = arith.index_cast %parallel_loop3A_360 : i32 to index
      %parallel_loop3A_362 = arith.index_cast %parallel_loop3A_357 : i32 to index
      %parallel_loop3A_363 = arith.constant 0 : index
      %parallel_loop3A_364 = tpu.vector_load %arg6[%parallel_loop3A_361, %parallel_loop3A_362, %parallel_loop3A_363] {strides = array<i32>} : memref<4x128x64xf32, #tpu.memory_space<vmem>>, vector<16xf32>,
      %parallel_loop3A_365 = arith.constant 8.000000e+00 : f32
      %parallel_loop3A_366 = vector.broadcast %parallel_loop3A_365 : f32 to vector<16xf32>
      %parallel_loop3A_367 = arith.mulf %parallel_loop3A_364, %parallel_loop3A_366 : vector<16xf32>
      %parallel_loop3A_368 = arith.constant 1 : i32
      %parallel_loop3A_369 = arith.constant 0 : i32
      %parallel_loop3A_370 = arith.constant 0 : i32
      %parallel_loop3A_371 = arith.constant 0 : i32
      %parallel_loop3A_372 = tpu.memref_slice %arg7[%parallel_loop3A_368, %parallel_loop3A_369, %parallel_loop3A_370, %parallel_loop3A_371] : memref<4x8x8x129xf32, #tpu.memory_space<vmem>> -> memref<1x8x8x129xf32, #tpu.memory_space<vmem>>
      %parallel_loop3A_373 = tpu.memref_squeeze %parallel_loop3A_372 : memref<1x8x8x129xf32, #tpu.memory_space<vmem>> -> memref<8x8x129xf32, #tpu.memory_space<vmem>>
      tpu.vector_store_idx %parallel_loop3A_373[%add3A_8, %and3A_20, %parallel_loop3A_359], %parallel_loop3A_367 : memref<8x8x129xf32, #tpu.memory_space<vmem>>[vector<16xi32>, vector<16xi32>, vector<16xi32>], vector<16xf32>,
      %parallel_loop3A_374 = arith.constant 1 : i32
      %parallel_loop3A_375 = arith.index_cast %parallel_loop3A_374 : i32 to index
      %parallel_loop3A_376 = arith.index_cast %parallel_loop3A_357 : i32 to index
      %parallel_loop3A_377 = arith.constant 16 : index
      %parallel_loop3A_378 = tpu.vector_load %arg6[%parallel_loop3A_375, %parallel_loop3A_376, %parallel_loop3A_377] {strides = array<i32>} : memref<4x128x64xf32, #tpu.memory_space<vmem>>, vector<16xf32>,
      %parallel_loop3A_379 = arith.constant 8.000000e+00 : f32
      %parallel_loop3A_380 = vector.broadcast %parallel_loop3A_379 : f32 to vector<16xf32>
      %parallel_loop3A_381 = arith.mulf %parallel_loop3A_378, %parallel_loop3A_380 : vector<16xf32>
      %parallel_loop3A_382 = arith.constant 1 : i32
      %parallel_loop3A_383 = arith.constant 0 : i32
      %parallel_loop3A_384 = arith.constant 0 : i32
      %parallel_loop3A_385 = arith.constant 0 : i32
      %parallel_loop3A_386 = tpu.memref_slice %arg7[%parallel_loop3A_382, %parallel_loop3A_383, %parallel_loop3A_384, %parallel_loop3A_385] : memref<4x8x8x129xf32, #tpu.memory_space<vmem>> -> memref<1x8x8x129xf32, #tpu.memory_space<vmem>>
      %parallel_loop3A_387 = tpu.memref_squeeze %parallel_loop3A_386 : memref<1x8x8x129xf32, #tpu.memory_space<vmem>> -> memref<8x8x129xf32, #tpu.memory_space<vmem>>
      tpu.vector_store_idx %parallel_loop3A_387[%add3A_11, %and3A_20, %parallel_loop3A_359], %parallel_loop3A_381 : memref<8x8x129xf32, #tpu.memory_space<vmem>>[vector<16xi32>, vector<16xi32>, vector<16xi32>], vector<16xf32>,
      %parallel_loop3A_388 = arith.constant 1 : i32
      %parallel_loop3A_389 = arith.index_cast %parallel_loop3A_388 : i32 to index
      %parallel_loop3A_390 = arith.index_cast %parallel_loop3A_357 : i32 to index
      %parallel_loop3A_391 = arith.constant 32 : index
      %parallel_loop3A_392 = tpu.vector_load %arg6[%parallel_loop3A_389, %parallel_loop3A_390, %parallel_loop3A_391] {strides = array<i32>} : memref<4x128x64xf32, #tpu.memory_space<vmem>>, vector<16xf32>,
      %parallel_loop3A_393 = arith.constant 8.000000e+00 : f32
      %parallel_loop3A_394 = vector.broadcast %parallel_loop3A_393 : f32 to vector<16xf32>
      %parallel_loop3A_395 = arith.mulf %parallel_loop3A_392, %parallel_loop3A_394 : vector<16xf32>
      %parallel_loop3A_396 = arith.constant 1 : i32
      %parallel_loop3A_397 = arith.constant 0 : i32
      %parallel_loop3A_398 = arith.constant 0 : i32
      %parallel_loop3A_399 = arith.constant 0 : i32
      %parallel_loop3A_400 = tpu.memref_slice %arg7[%parallel_loop3A_396, %parallel_loop3A_397, %parallel_loop3A_398, %parallel_loop3A_399] : memref<4x8x8x129xf32, #tpu.memory_space<vmem>> -> memref<1x8x8x129xf32, #tpu.memory_space<vmem>>
      %parallel_loop3A_401 = tpu.memref_squeeze %parallel_loop3A_400 : memref<1x8x8x129xf32, #tpu.memory_space<vmem>> -> memref<8x8x129xf32, #tpu.memory_space<vmem>>
      tpu.vector_store_idx %parallel_loop3A_401[%add3A_14, %and3A_20, %parallel_loop3A_359], %parallel_loop3A_395 : memref<8x8x129xf32, #tpu.memory_space<vmem>>[vector<16xi32>, vector<16xi32>, vector<16xi32>], vector<16xf32>,
      %parallel_loop3A_402 = arith.constant 1 : i32
      %parallel_loop3A_403 = arith.index_cast %parallel_loop3A_402 : i32 to index
      %parallel_loop3A_404 = arith.index_cast %parallel_loop3A_357 : i32 to index
      %parallel_loop3A_405 = arith.constant 48 : index
      %parallel_loop3A_406 = tpu.vector_load %arg6[%parallel_loop3A_403, %parallel_loop3A_404, %parallel_loop3A_405] {strides = array<i32>} : memref<4x128x64xf32, #tpu.memory_space<vmem>>, vector<16xf32>,
      %parallel_loop3A_407 = arith.constant 8.000000e+00 : f32
      %parallel_loop3A_408 = vector.broadcast %parallel_loop3A_407 : f32 to vector<16xf32>
      %parallel_loop3A_409 = arith.mulf %parallel_loop3A_406, %parallel_loop3A_408 : vector<16xf32>
      %parallel_loop3A_410 = arith.constant 1 : i32
      %parallel_loop3A_411 = arith.constant 0 : i32
      %parallel_loop3A_412 = arith.constant 0 : i32
      %parallel_loop3A_413 = arith.constant 0 : i32
      %parallel_loop3A_414 = tpu.memref_slice %arg7[%parallel_loop3A_410, %parallel_loop3A_411, %parallel_loop3A_412, %parallel_loop3A_413] : memref<4x8x8x129xf32, #tpu.memory_space<vmem>> -> memref<1x8x8x129xf32, #tpu.memory_space<vmem>>
      %parallel_loop3A_415 = tpu.memref_squeeze %parallel_loop3A_414 : memref<1x8x8x129xf32, #tpu.memory_space<vmem>> -> memref<8x8x129xf32, #tpu.memory_space<vmem>>
      tpu.vector_store_idx %parallel_loop3A_415[%add3A_17, %and3A_20, %parallel_loop3A_359], %parallel_loop3A_409 : memref<8x8x129xf32, #tpu.memory_space<vmem>>[vector<16xi32>, vector<16xi32>, vector<16xi32>], vector<16xf32>,
    } {sc.loop_unroll_factor = 2 : i64, sc.parallel_access}
    %dma_start3A_141 = arith.constant 1 : i32
    %dma_start3A_142 = arith.constant 1 : i32
    %dma_start3A_143 = arith.constant 1 : i32
    %dma_start3A_144 = arith.constant 0 : i32
    %dma_start3A_145 = arith.constant 0 : i32
    %dma_start3A_146 = arith.constant 0 : i32
    %dma_start3A_147 = tpu.memref_slice %arg7[%dma_start3A_141, %dma_start3A_144, %dma_start3A_145, %dma_start3A_146] : memref<4x8x8x129xf32, #tpu.memory_space<vmem>> -> memref<1x8x8x128xf32, #tpu.memory_space<vmem>>
    %dma_start3A_148 = tpu.memref_squeeze %dma_start3A_147 : memref<1x8x8x128xf32, #tpu.memory_space<vmem>> -> memref<8x8x128xf32, #tpu.memory_space<vmem>>
    %dma_start3A_149 = arith.constant 0 : i32
    %dma_start3A_150 = arith.constant 0 : i32
    %dma_start3A_151 = arith.constant 0 : i32
    %dma_start3A_152 = tpu.memref_slice %arg4[%dma_start3A_142, %dma_start3A_149, %add3A, %dma_start3A_150, %dma_start3A_151] : memref<200x8x32x8x128xf32, #tpu.memory_space<hbm>> -> memref<1x8x1x8x128xf32, #tpu.memory_space<hbm>>
    %dma_start3A_153 = tpu.memref_squeeze %dma_start3A_152 : memref<1x8x1x8x128xf32, #tpu.memory_space<hbm>> -> memref<8x8x128xf32, #tpu.memory_space<hbm>>
    %dma_start3A_154 = tpu.memref_slice %arg9[%dma_start3A_143] : memref<4x!tpu.dma_semaphore, #tpu.memory_space<semaphore_mem>> -> memref<1x!tpu.dma_semaphore, #tpu.memory_space<semaphore_mem>>
    %dma_start3A_155 = tpu.memref_squeeze %dma_start3A_154 : memref<1x!tpu.dma_semaphore, #tpu.memory_space<semaphore_mem>> -> memref<!tpu.dma_semaphore, #tpu.memory_space<semaphore_mem>>
    %dma_start3A_156 = arith.constant 0 : i32
    %dma_start3A_157 = arith.constant 0 : i32
    %dma_start3A_158 = arith.constant 0 : i32
    %dma_start3A_159 = tpu.memref_slice %arg4[%dma_start3A_142, %dma_start3A_156, %add3A, %dma_start3A_157, %dma_start3A_158] : memref<200x8x32x8x128xf32, #tpu.memory_space<hbm>> -> memref<1x8x1x8x128xf32, #tpu.memory_space<hbm>>
    %dma_start3A_160 = tpu.memref_squeeze %dma_start3A_159 : memref<1x8x1x8x128xf32, #tpu.memory_space<hbm>> -> memref<8x8x128xf32, #tpu.memory_space<hbm>>
    %dma_start3A_161 = arith.constant 0 : i32
    %dma_start3A_162 = arith.constant 0 : i32
    %dma_start3A_163 = arith.constant 0 : i32
    %dma_start3A_164 = tpu.memref_slice %arg7[%dma_start3A_141, %dma_start3A_161, %dma_start3A_162, %dma_start3A_163] : memref<4x8x8x129xf32, #tpu.memory_space<vmem>> -> memref<1x8x8x128xf32, #tpu.memory_space<vmem>>
    %dma_start3A_165 = tpu.memref_squeeze %dma_start3A_164 : memref<1x8x8x128xf32, #tpu.memory_space<vmem>> -> memref<8x8x128xf32, #tpu.memory_space<vmem>>
    tpu.enqueue_dma source(%dma_start3A_165 : memref<8x8x128xf32, #tpu.memory_space<vmem>>) target(%dma_start3A_160 : memref<8x8x128xf32, #tpu.memory_space<hbm>>) target_semaphore(%dma_start3A_155 : memref<!tpu.dma_semaphore, #tpu.memory_space<semaphore_mem>>)
    %scan3A = arith.constant 0 : i32
    %scan3A_166 = arith.constant 1 : i32
    %scan3A_167 = arith.constant 49 : i32
    %scan3A_168 = arith.addi %scan3A_166, %scan3A_167 : i32
    %scan3A_169 = arith.constant 1 : i32
    scf.for %scan3A_357 = %scan3A_166 to %scan3A_168 step %scan3A_169  : i32 {
      %mul3A_358 = arith.constant 4 : i32
      %mul3A_359 = arith.muli %scan3A_357, %mul3A_358 : i32
      %add3A_360 = arith.constant 0 : i32
      %add3A_361 = arith.addi %mul3A_359, %add3A_360 : i32
      %sub3A = arith.constant 4 : i32
      %sub3A_362 = arith.subi %add3A_361, %sub3A : i32
      %dma_wait3A_363 = arith.constant 0 : i32
      %dma_wait3A_364 = arith.constant 0 : i32
      %dma_wait3A_365 = arith.constant 0 : i32
      %dma_wait3A_366 = arith.constant 0 : i32
      %dma_wait3A_367 = arith.constant 0 : i32
      %dma_wait3A_368 = tpu.memref_slice %arg7[%dma_wait3A_363, %dma_wait3A_365, %dma_wait3A_366, %dma_wait3A_367] : memref<4x8x8x129xf32, #tpu.memory_space<vmem>> -> memref<1x8x8x128xf32, #tpu.memory_space<vmem>>
      %dma_wait3A_369 = tpu.memref_squeeze %dma_wait3A_368 : memref<1x8x8x128xf32, #tpu.memory_space<vmem>> -> memref<8x8x128xf32, #tpu.memory_space<vmem>>
      %dma_wait3A_370 = arith.constant 0 : i32
      %dma_wait3A_371 = arith.constant 0 : i32
      %dma_wait3A_372 = arith.constant 0 : i32
      %dma_wait3A_373 = tpu.memref_slice %arg4[%sub3A_362, %dma_wait3A_370, %add3A, %dma_wait3A_371, %dma_wait3A_372] : memref<200x8x32x8x128xf32, #tpu.memory_space<hbm>> -> memref<1x8x1x8x128xf32, #tpu.memory_space<hbm>>
      %dma_wait3A_374 = tpu.memref_squeeze %dma_wait3A_373 : memref<1x8x1x8x128xf32, #tpu.memory_space<hbm>> -> memref<8x8x128xf32, #tpu.memory_space<hbm>>
      %dma_wait3A_375 = tpu.memref_slice %arg9[%dma_wait3A_364] : memref<4x!tpu.dma_semaphore, #tpu.memory_space<semaphore_mem>> -> memref<1x!tpu.dma_semaphore, #tpu.memory_space<semaphore_mem>>
      %dma_wait3A_376 = tpu.memref_squeeze %dma_wait3A_375 : memref<1x!tpu.dma_semaphore, #tpu.memory_space<semaphore_mem>> -> memref<!tpu.dma_semaphore, #tpu.memory_space<semaphore_mem>>
      %dma_wait3A_377 = arith.constant 0 : i32
      %dma_wait3A_378 = arith.constant 0 : i32
      %dma_wait3A_379 = arith.constant 0 : i32
      %dma_wait3A_380 = tpu.memref_slice %arg4[%sub3A_362, %dma_wait3A_377, %add3A, %dma_wait3A_378, %dma_wait3A_379] : memref<200x8x32x8x128xf32, #tpu.memory_space<hbm>> -> memref<1x8x1x8x128xf32, #tpu.memory_space<hbm>>
      %dma_wait3A_381 = tpu.memref_squeeze %dma_wait3A_380 : memref<1x8x1x8x128xf32, #tpu.memory_space<hbm>> -> memref<8x8x128xf32, #tpu.memory_space<hbm>>
      %dma_wait3A_382 = arith.constant 0 : i32
      %dma_wait3A_383 = arith.constant 0 : i32
      %dma_wait3A_384 = arith.constant 0 : i32
      %dma_wait3A_385 = tpu.memref_slice %arg7[%dma_wait3A_363, %dma_wait3A_382, %dma_wait3A_383, %dma_wait3A_384] : memref<4x8x8x129xf32, #tpu.memory_space<vmem>> -> memref<1x8x8x128xf32, #tpu.memory_space<vmem>>
      %dma_wait3A_386 = tpu.memref_squeeze %dma_wait3A_385 : memref<1x8x8x128xf32, #tpu.memory_space<vmem>> -> memref<8x8x128xf32, #tpu.memory_space<vmem>>
      tpu.wait_dma2 semaphore(%dma_wait3A_376 : memref<!tpu.dma_semaphore, #tpu.memory_space<semaphore_mem>>) src(%dma_wait3A_386 : memref<8x8x128xf32, #tpu.memory_space<vmem>>) dst(%dma_wait3A_381 : memref<8x8x128xf32, #tpu.memory_space<hbm>>)
      %dma_start3A_387 = arith.constant 0 : i32
      %dma_start3A_388 = arith.constant 0 : i32
      %dma_start3A_389 = arith.constant 0 : i32
      %dma_start3A_390 = arith.constant 0 : i32
      %dma_start3A_391 = tpu.memref_slice %arg6[%dma_start3A_387, %dma_start3A_389, %dma_start3A_390] : memref<4x128x64xf32, #tpu.memory_space<vmem>> -> memref<1x128x64xf32, #tpu.memory_space<vmem>>
      %dma_start3A_392 = tpu.memref_squeeze %dma_start3A_391 : memref<1x128x64xf32, #tpu.memory_space<vmem>> -> memref<128x64xf32, #tpu.memory_space<vmem>>
      %dma_start3A_393 = arith.constant 0 : i32
      %dma_start3A_394 = tpu.memref_slice %arg5[%add3A_361, %dma_start3A_393] : memref<200x128xi32, #tpu.memory_space<vmem>> -> memref<1x128xi32, #tpu.memory_space<vmem>>
      %dma_start3A_395 = tpu.memref_squeeze %dma_start3A_394 : memref<1x128xi32, #tpu.memory_space<vmem>> -> memref<128xi32, #tpu.memory_space<vmem>>
      %dma_start3A_396 = arith.constant 0 : i32
      %dma_start3A_397 = arith.constant 0 : i32
      %dma_start3A_398 = tpu.memref_slice %arg2[%dma_start3A_396, %dma_start3A_397] : memref<100000x64xf32, #tpu.memory_space<hbm>> -> memref<100000x64xf32, #tpu.memory_space<hbm>>
      %dma_start3A_399 = tpu.memref_slice %arg8[%dma_start3A_388] : memref<4x!tpu.dma_semaphore, #tpu.memory_space<semaphore_mem>> -> memref<1x!tpu.dma_semaphore, #tpu.memory_space<semaphore_mem>>
      %dma_start3A_400 = tpu.memref_squeeze %dma_start3A_399 : memref<1x!tpu.dma_semaphore, #tpu.memory_space<semaphore_mem>> -> memref<!tpu.dma_semaphore, #tpu.memory_space<semaphore_mem>>
      tpu.enqueue_indirect_dma source(%dma_start3A_398 : memref<100000x64xf32, #tpu.memory_space<hbm>>) target(%dma_start3A_392 : memref<128x64xf32, #tpu.memory_space<vmem>>) offsets(%dma_start3A_395 : memref<128xi32, #tpu.memory_space<vmem>>) semaphore(%dma_start3A_400 : memref<!tpu.dma_semaphore, #tpu.memory_space<semaphore_mem>>)
      %sub3A_401 = arith.constant 2 : i32
      %sub3A_402 = arith.subi %add3A_361, %sub3A_401 : i32
      %dma_wait3A_403 = arith.constant 2 : i32
      %dma_wait3A_404 = arith.constant 2 : i32
      %dma_wait3A_405 = arith.constant 0 : i32
      %dma_wait3A_406 = arith.constant 0 : i32
      %dma_wait3A_407 = tpu.memref_slice %arg6[%dma_wait3A_403, %dma_wait3A_405, %dma_wait3A_406] : memref<4x128x64xf32, #tpu.memory_space<vmem>> -> memref<1x128x64xf32, #tpu.memory_space<vmem>>
      %dma_wait3A_408 = tpu.memref_squeeze %dma_wait3A_407 : memref<1x128x64xf32, #tpu.memory_space<vmem>> -> memref<128x64xf32, #tpu.memory_space<vmem>>
      %dma_wait3A_409 = arith.constant 0 : i32
      %dma_wait3A_410 = tpu.memref_slice %arg5[%sub3A_402, %dma_wait3A_409] : memref<200x128xi32, #tpu.memory_space<vmem>> -> memref<1x128xi32, #tpu.memory_space<vmem>>
      %dma_wait3A_411 = tpu.memref_squeeze %dma_wait3A_410 : memref<1x128xi32, #tpu.memory_space<vmem>> -> memref<128xi32, #tpu.memory_space<vmem>>
      %dma_wait3A_412 = arith.constant 0 : i32
      %dma_wait3A_413 = arith.constant 0 : i32
      %dma_wait3A_414 = tpu.memref_slice %arg2[%dma_wait3A_412, %dma_wait3A_413] : memref<100000x64xf32, #tpu.memory_space<hbm>> -> memref<100000x64xf32, #tpu.memory_space<hbm>>
      %dma_wait3A_415 = tpu.memref_slice %arg8[%dma_wait3A_404] : memref<4x!tpu.dma_semaphore, #tpu.memory_space<semaphore_mem>> -> memref<1x!tpu.dma_semaphore, #tpu.memory_space<semaphore_mem>>
      %dma_wait3A_416 = tpu.memref_squeeze %dma_wait3A_415 : memref<1x!tpu.dma_semaphore, #tpu.memory_space<semaphore_mem>> -> memref<!tpu.dma_semaphore, #tpu.memory_space<semaphore_mem>>
      tpu.wait_indirect_dma semaphore(%dma_wait3A_416 : memref<!tpu.dma_semaphore, #tpu.memory_space<semaphore_mem>>) src(%dma_wait3A_414 : memref<100000x64xf32, #tpu.memory_space<hbm>>) dst(%dma_wait3A_408 : memref<128x64xf32, #tpu.memory_space<vmem>>)
      %parallel_loop3A_417 = arith.constant 0 : i32
      %parallel_loop3A_418 = arith.constant 128 : i32
      %parallel_loop3A_419 = arith.constant 1 : i32
      scf.for %parallel_loop3A_713 = %parallel_loop3A_417 to %parallel_loop3A_418 step %parallel_loop3A_419  : i32 {
        %parallel_loop3A_714 = vector.broadcast %parallel_loop3A_713 : i32 to vector<16xi32>
        %parallel_loop3A_715 = arith.addi %broadcast_in_dim3A_22, %parallel_loop3A_714 : vector<16xi32>
        %parallel_loop3A_716 = arith.constant 2 : i32
        %parallel_loop3A_717 = arith.index_cast %parallel_loop3A_716 : i32 to index
        %parallel_loop3A_718 = arith.index_cast %parallel_loop3A_713 : i32 to index
        %parallel_loop3A_719 = arith.constant 0 : index
        %parallel_loop3A_720 = tpu.vector_load %arg6[%parallel_loop3A_717, %parallel_loop3A_718, %parallel_loop3A_719] {strides = array<i32>} : memref<4x128x64xf32, #tpu.memory_space<vmem>>, vector<16xf32>,
        %parallel_loop3A_721 = arith.constant 8.000000e+00 : f32
        %parallel_loop3A_722 = vector.broadcast %parallel_loop3A_721 : f32 to vector<16xf32>
        %parallel_loop3A_723 = arith.mulf %parallel_loop3A_720, %parallel_loop3A_722 : vector<16xf32>
        %parallel_loop3A_724 = arith.constant 2 : i32
        %parallel_loop3A_725 = arith.constant 0 : i32
        %parallel_loop3A_726 = arith.constant 0 : i32
        %parallel_loop3A_727 = arith.constant 0 : i32
        %parallel_loop3A_728 = tpu.memref_slice %arg7[%parallel_loop3A_724, %parallel_loop3A_725, %parallel_loop3A_726, %parallel_loop3A_727] : memref<4x8x8x129xf32, #tpu.memory_space<vmem>> -> memref<1x8x8x129xf32, #tpu.memory_space<vmem>>
        %parallel_loop3A_729 = tpu.memref_squeeze %parallel_loop3A_728 : memref<1x8x8x129xf32, #tpu.memory_space<vmem>> -> memref<8x8x129xf32, #tpu.memory_space<vmem>>
        tpu.vector_store_idx %parallel_loop3A_729[%add3A_8, %and3A_20, %parallel_loop3A_715], %parallel_loop3A_723 : memref<8x8x129xf32, #tpu.memory_space<vmem>>[vector<16xi32>, vector<16xi32>, vector<16xi32>], vector<16xf32>,
        %parallel_loop3A_730 = arith.constant 2 : i32
        %parallel_loop3A_731 = arith.index_cast %parallel_loop3A_730 : i32 to index
        %parallel_loop3A_732 = arith.index_cast %parallel_loop3A_713 : i32 to index
        %parallel_loop3A_733 = arith.constant 16 : index
        %parallel_loop3A_734 = tpu.vector_load %arg6[%parallel_loop3A_731, %parallel_loop3A_732, %parallel_loop3A_733] {strides = array<i32>} : memref<4x128x64xf32, #tpu.memory_space<vmem>>, vector<16xf32>,
        %parallel_loop3A_735 = arith.constant 8.000000e+00 : f32
        %parallel_loop3A_736 = vector.broadcast %parallel_loop3A_735 : f32 to vector<16xf32>
        %parallel_loop3A_737 = arith.mulf %parallel_loop3A_734, %parallel_loop3A_736 : vector<16xf32>
        %parallel_loop3A_738 = arith.constant 2 : i32
        %parallel_loop3A_739 = arith.constant 0 : i32
        %parallel_loop3A_740 = arith.constant 0 : i32
        %parallel_loop3A_741 = arith.constant 0 : i32
        %parallel_loop3A_742 = tpu.memref_slice %arg7[%parallel_loop3A_738, %parallel_loop3A_739, %parallel_loop3A_740, %parallel_loop3A_741] : memref<4x8x8x129xf32, #tpu.memory_space<vmem>> -> memref<1x8x8x129xf32, #tpu.memory_space<vmem>>
        %parallel_loop3A_743 = tpu.memref_squeeze %parallel_loop3A_742 : memref<1x8x8x129xf32, #tpu.memory_space<vmem>> -> memref<8x8x129xf32, #tpu.memory_space<vmem>>
        tpu.vector_store_idx %parallel_loop3A_743[%add3A_11, %and3A_20, %parallel_loop3A_715], %parallel_loop3A_737 : memref<8x8x129xf32, #tpu.memory_space<vmem>>[vector<16xi32>, vector<16xi32>, vector<16xi32>], vector<16xf32>,
        %parallel_loop3A_744 = arith.constant 2 : i32
        %parallel_loop3A_745 = arith.index_cast %parallel_loop3A_744 : i32 to index
        %parallel_loop3A_746 = arith.index_cast %parallel_loop3A_713 : i32 to index
        %parallel_loop3A_747 = arith.constant 32 : index
        %parallel_loop3A_748 = tpu.vector_load %arg6[%parallel_loop3A_745, %parallel_loop3A_746, %parallel_loop3A_747] {strides = array<i32>} : memref<4x128x64xf32, #tpu.memory_space<vmem>>, vector<16xf32>,
        %parallel_loop3A_749 = arith.constant 8.000000e+00 : f32
        %parallel_loop3A_750 = vector.broadcast %parallel_loop3A_749 : f32 to vector<16xf32>
        %parallel_loop3A_751 = arith.mulf %parallel_loop3A_748, %parallel_loop3A_750 : vector<16xf32>
        %parallel_loop3A_752 = arith.constant 2 : i32
        %parallel_loop3A_753 = arith.constant 0 : i32
        %parallel_loop3A_754 = arith.constant 0 : i32
        %parallel_loop3A_755 = arith.constant 0 : i32
        %parallel_loop3A_756 = tpu.memref_slice %arg7[%parallel_loop3A_752, %parallel_loop3A_753, %parallel_loop3A_754, %parallel_loop3A_755] : memref<4x8x8x129xf32, #tpu.memory_space<vmem>> -> memref<1x8x8x129xf32, #tpu.memory_space<vmem>>
        %parallel_loop3A_757 = tpu.memref_squeeze %parallel_loop3A_756 : memref<1x8x8x129xf32, #tpu.memory_space<vmem>> -> memref<8x8x129xf32, #tpu.memory_space<vmem>>
        tpu.vector_store_idx %parallel_loop3A_757[%add3A_14, %and3A_20, %parallel_loop3A_715], %parallel_loop3A_751 : memref<8x8x129xf32, #tpu.memory_space<vmem>>[vector<16xi32>, vector<16xi32>, vector<16xi32>], vector<16xf32>,
        %parallel_loop3A_758 = arith.constant 2 : i32
        %parallel_loop3A_759 = arith.index_cast %parallel_loop3A_758 : i32 to index
        %parallel_loop3A_760 = arith.index_cast %parallel_loop3A_713 : i32 to index
        %parallel_loop3A_761 = arith.constant 48 : index
        %parallel_loop3A_762 = tpu.vector_load %arg6[%parallel_loop3A_759, %parallel_loop3A_760, %parallel_loop3A_761] {strides = array<i32>} : memref<4x128x64xf32, #tpu.memory_space<vmem>>, vector<16xf32>,
        %parallel_loop3A_763 = arith.constant 8.000000e+00 : f32
        %parallel_loop3A_764 = vector.broadcast %parallel_loop3A_763 : f32 to vector<16xf32>
        %parallel_loop3A_765 = arith.mulf %parallel_loop3A_762, %parallel_loop3A_764 : vector<16xf32>
        %parallel_loop3A_766 = arith.constant 2 : i32
        %parallel_loop3A_767 = arith.constant 0 : i32
        %parallel_loop3A_768 = arith.constant 0 : i32
        %parallel_loop3A_769 = arith.constant 0 : i32
        %parallel_loop3A_770 = tpu.memref_slice %arg7[%parallel_loop3A_766, %parallel_loop3A_767, %parallel_loop3A_768, %parallel_loop3A_769] : memref<4x8x8x129xf32, #tpu.memory_space<vmem>> -> memref<1x8x8x129xf32, #tpu.memory_space<vmem>>
        %parallel_loop3A_771 = tpu.memref_squeeze %parallel_loop3A_770 : memref<1x8x8x129xf32, #tpu.memory_space<vmem>> -> memref<8x8x129xf32, #tpu.memory_space<vmem>>
        tpu.vector_store_idx %parallel_loop3A_771[%add3A_17, %and3A_20, %parallel_loop3A_715], %parallel_loop3A_765 : memref<8x8x129xf32, #tpu.memory_space<vmem>>[vector<16xi32>, vector<16xi32>, vector<16xi32>], vector<16xf32>,
      } {sc.loop_unroll_factor = 2 : i64, sc.parallel_access}
      %sub3A_420 = arith.constant 2 : i32
      %sub3A_421 = arith.subi %add3A_361, %sub3A_420 : i32
      %dma_start3A_422 = arith.constant 2 : i32
      %dma_start3A_423 = arith.constant 2 : i32
      %dma_start3A_424 = arith.constant 0 : i32
      %dma_start3A_425 = arith.constant 0 : i32
      %dma_start3A_426 = arith.constant 0 : i32
      %dma_start3A_427 = tpu.memref_slice %arg7[%dma_start3A_422, %dma_start3A_424, %dma_start3A_425, %dma_start3A_426] : memref<4x8x8x129xf32, #tpu.memory_space<vmem>> -> memref<1x8x8x128xf32, #tpu.memory_space<vmem>>
      %dma_start3A_428 = tpu.memref_squeeze %dma_start3A_427 : memref<1x8x8x128xf32, #tpu.memory_space<vmem>> -> memref<8x8x128xf32, #tpu.memory_space<vmem>>
      %dma_start3A_429 = arith.constant 0 : i32
      %dma_start3A_430 = arith.constant 0 : i32
      %dma_start3A_431 = arith.constant 0 : i32
      %dma_start3A_432 = tpu.memref_slice %arg4[%sub3A_421, %dma_start3A_429, %add3A, %dma_start3A_430, %dma_start3A_431] : memref<200x8x32x8x128xf32, #tpu.memory_space<hbm>> -> memref<1x8x1x8x128xf32, #tpu.memory_space<hbm>>
      %dma_start3A_433 = tpu.memref_squeeze %dma_start3A_432 : memref<1x8x1x8x128xf32, #tpu.memory_space<hbm>> -> memref<8x8x128xf32, #tpu.memory_space<hbm>>
      %dma_start3A_434 = tpu.memref_slice %arg9[%dma_start3A_423] : memref<4x!tpu.dma_semaphore, #tpu.memory_space<semaphore_mem>> -> memref<1x!tpu.dma_semaphore, #tpu.memory_space<semaphore_mem>>
      %dma_start3A_435 = tpu.memref_squeeze %dma_start3A_434 : memref<1x!tpu.dma_semaphore, #tpu.memory_space<semaphore_mem>> -> memref<!tpu.dma_semaphore, #tpu.memory_space<semaphore_mem>>
      %dma_start3A_436 = arith.constant 0 : i32
      %dma_start3A_437 = arith.constant 0 : i32
      %dma_start3A_438 = arith.constant 0 : i32
      %dma_start3A_439 = tpu.memref_slice %arg4[%sub3A_421, %dma_start3A_436, %add3A, %dma_start3A_437, %dma_start3A_438] : memref<200x8x32x8x128xf32, #tpu.memory_space<hbm>> -> memref<1x8x1x8x128xf32, #tpu.memory_space<hbm>>
      %dma_start3A_440 = tpu.memref_squeeze %dma_start3A_439 : memref<1x8x1x8x128xf32, #tpu.memory_space<hbm>> -> memref<8x8x128xf32, #tpu.memory_space<hbm>>
      %dma_start3A_441 = arith.constant 0 : i32
      %dma_start3A_442 = arith.constant 0 : i32
      %dma_start3A_443 = arith.constant 0 : i32
      %dma_start3A_444 = tpu.memref_slice %arg7[%dma_start3A_422, %dma_start3A_441, %dma_start3A_442, %dma_start3A_443] : memref<4x8x8x129xf32, #tpu.memory_space<vmem>> -> memref<1x8x8x128xf32, #tpu.memory_space<vmem>>
      %dma_start3A_445 = tpu.memref_squeeze %dma_start3A_444 : memref<1x8x8x128xf32, #tpu.memory_space<vmem>> -> memref<8x8x128xf32, #tpu.memory_space<vmem>>
      tpu.enqueue_dma source(%dma_start3A_445 : memref<8x8x128xf32, #tpu.memory_space<vmem>>) target(%dma_start3A_440 : memref<8x8x128xf32, #tpu.memory_space<hbm>>) target_semaphore(%dma_start3A_435 : memref<!tpu.dma_semaphore, #tpu.memory_space<semaphore_mem>>)
      %mul3A_446 = arith.constant 4 : i32
      %mul3A_447 = arith.muli %scan3A_357, %mul3A_446 : i32
      %add3A_448 = arith.constant 1 : i32
      %add3A_449 = arith.addi %mul3A_447, %add3A_448 : i32
      %sub3A_450 = arith.constant 4 : i32
      %sub3A_451 = arith.subi %add3A_449, %sub3A_450 : i32
      %dma_wait3A_452 = arith.constant 1 : i32
      %dma_wait3A_453 = arith.constant 1 : i32
      %dma_wait3A_454 = arith.constant 0 : i32
      %dma_wait3A_455 = arith.constant 0 : i32
      %dma_wait3A_456 = arith.constant 0 : i32
      %dma_wait3A_457 = tpu.memref_slice %arg7[%dma_wait3A_452, %dma_wait3A_454, %dma_wait3A_455, %dma_wait3A_456] : memref<4x8x8x129xf32, #tpu.memory_space<vmem>> -> memref<1x8x8x128xf32, #tpu.memory_space<vmem>>
      %dma_wait3A_458 = tpu.memref_squeeze %dma_wait3A_457 : memref<1x8x8x128xf32, #tpu.memory_space<vmem>> -> memref<8x8x128xf32, #tpu.memory_space<vmem>>
      %dma_wait3A_459 = arith.constant 0 : i32
      %dma_wait3A_460 = arith.constant 0 : i32
      %dma_wait3A_461 = arith.constant 0 : i32
      %dma_wait3A_462 = tpu.memref_slice %arg4[%sub3A_451, %dma_wait3A_459, %add3A, %dma_wait3A_460, %dma_wait3A_461] : memref<200x8x32x8x128xf32, #tpu.memory_space<hbm>> -> memref<1x8x1x8x128xf32, #tpu.memory_space<hbm>>
      %dma_wait3A_463 = tpu.memref_squeeze %dma_wait3A_462 : memref<1x8x1x8x128xf32, #tpu.memory_space<hbm>> -> memref<8x8x128xf32, #tpu.memory_space<hbm>>
      %dma_wait3A_464 = tpu.memref_slice %arg9[%dma_wait3A_453] : memref<4x!tpu.dma_semaphore, #tpu.memory_space<semaphore_mem>> -> memref<1x!tpu.dma_semaphore, #tpu.memory_space<semaphore_mem>>
      %dma_wait3A_465 = tpu.memref_squeeze %dma_wait3A_464 : memref<1x!tpu.dma_semaphore, #tpu.memory_space<semaphore_mem>> -> memref<!tpu.dma_semaphore, #tpu.memory_space<semaphore_mem>>
      %dma_wait3A_466 = arith.constant 0 : i32
      %dma_wait3A_467 = arith.constant 0 : i32
      %dma_wait3A_468 = arith.constant 0 : i32
      %dma_wait3A_469 = tpu.memref_slice %arg4[%sub3A_451, %dma_wait3A_466, %add3A, %dma_wait3A_467, %dma_wait3A_468] : memref<200x8x32x8x128xf32, #tpu.memory_space<hbm>> -> memref<1x8x1x8x128xf32, #tpu.memory_space<hbm>>
      %dma_wait3A_470 = tpu.memref_squeeze %dma_wait3A_469 : memref<1x8x1x8x128xf32, #tpu.memory_space<hbm>> -> memref<8x8x128xf32, #tpu.memory_space<hbm>>
      %dma_wait3A_471 = arith.constant 0 : i32
      %dma_wait3A_472 = arith.constant 0 : i32
      %dma_wait3A_473 = arith.constant 0 : i32
      %dma_wait3A_474 = tpu.memref_slice %arg7[%dma_wait3A_452, %dma_wait3A_471, %dma_wait3A_472, %dma_wait3A_473] : memref<4x8x8x129xf32, #tpu.memory_space<vmem>> -> memref<1x8x8x128xf32, #tpu.memory_space<vmem>>
      %dma_wait3A_475 = tpu.memref_squeeze %dma_wait3A_474 : memref<1x8x8x128xf32, #tpu.memory_space<vmem>> -> memref<8x8x128xf32, #tpu.memory_space<vmem>>
      tpu.wait_dma2 semaphore(%dma_wait3A_465 : memref<!tpu.dma_semaphore, #tpu.memory_space<semaphore_mem>>) src(%dma_wait3A_475 : memref<8x8x128xf32, #tpu.memory_space<vmem>>) dst(%dma_wait3A_470 : memref<8x8x128xf32, #tpu.memory_space<hbm>>)
      %dma_start3A_476 = arith.constant 1 : i32
      %dma_start3A_477 = arith.constant 1 : i32
      %dma_start3A_478 = arith.constant 0 : i32
      %dma_start3A_479 = arith.constant 0 : i32
      %dma_start3A_480 = tpu.memref_slice %arg6[%dma_start3A_476, %dma_start3A_478, %dma_start3A_479] : memref<4x128x64xf32, #tpu.memory_space<vmem>> -> memref<1x128x64xf32, #tpu.memory_space<vmem>>
      %dma_start3A_481 = tpu.memref_squeeze %dma_start3A_480 : memref<1x128x64xf32, #tpu.memory_space<vmem>> -> memref<128x64xf32, #tpu.memory_space<vmem>>
      %dma_start3A_482 = arith.constant 0 : i32
      %dma_start3A_483 = tpu.memref_slice %arg5[%add3A_449, %dma_start3A_482] : memref<200x128xi32, #tpu.memory_space<vmem>> -> memref<1x128xi32, #tpu.memory_space<vmem>>
      %dma_start3A_484 = tpu.memref_squeeze %dma_start3A_483 : memref<1x128xi32, #tpu.memory_space<vmem>> -> memref<128xi32, #tpu.memory_space<vmem>>
      %dma_start3A_485 = arith.constant 0 : i32
      %dma_start3A_486 = arith.constant 0 : i32
      %dma_start3A_487 = tpu.memref_slice %arg2[%dma_start3A_485, %dma_start3A_486] : memref<100000x64xf32, #tpu.memory_space<hbm>> -> memref<100000x64xf32, #tpu.memory_space<hbm>>
      %dma_start3A_488 = tpu.memref_slice %arg8[%dma_start3A_477] : memref<4x!tpu.dma_semaphore, #tpu.memory_space<semaphore_mem>> -> memref<1x!tpu.dma_semaphore, #tpu.memory_space<semaphore_mem>>
      %dma_start3A_489 = tpu.memref_squeeze %dma_start3A_488 : memref<1x!tpu.dma_semaphore, #tpu.memory_space<semaphore_mem>> -> memref<!tpu.dma_semaphore, #tpu.memory_space<semaphore_mem>>
      tpu.enqueue_indirect_dma source(%dma_start3A_487 : memref<100000x64xf32, #tpu.memory_space<hbm>>) target(%dma_start3A_481 : memref<128x64xf32, #tpu.memory_space<vmem>>) offsets(%dma_start3A_484 : memref<128xi32, #tpu.memory_space<vmem>>) semaphore(%dma_start3A_489 : memref<!tpu.dma_semaphore, #tpu.memory_space<semaphore_mem>>)
      %sub3A_490 = arith.constant 2 : i32
      %sub3A_491 = arith.subi %add3A_449, %sub3A_490 : i32
      %dma_wait3A_492 = arith.constant 3 : i32
      %dma_wait3A_493 = arith.constant 3 : i32
      %dma_wait3A_494 = arith.constant 0 : i32
      %dma_wait3A_495 = arith.constant 0 : i32
      %dma_wait3A_496 = tpu.memref_slice %arg6[%dma_wait3A_492, %dma_wait3A_494, %dma_wait3A_495] : memref<4x128x64xf32, #tpu.memory_space<vmem>> -> memref<1x128x64xf32, #tpu.memory_space<vmem>>
      %dma_wait3A_497 = tpu.memref_squeeze %dma_wait3A_496 : memref<1x128x64xf32, #tpu.memory_space<vmem>> -> memref<128x64xf32, #tpu.memory_space<vmem>>
      %dma_wait3A_498 = arith.constant 0 : i32
      %dma_wait3A_499 = tpu.memref_slice %arg5[%sub3A_491, %dma_wait3A_498] : memref<200x128xi32, #tpu.memory_space<vmem>> -> memref<1x128xi32, #tpu.memory_space<vmem>>
      %dma_wait3A_500 = tpu.memref_squeeze %dma_wait3A_499 : memref<1x128xi32, #tpu.memory_space<vmem>> -> memref<128xi32, #tpu.memory_space<vmem>>
      %dma_wait3A_501 = arith.constant 0 : i32
      %dma_wait3A_502 = arith.constant 0 : i32
      %dma_wait3A_503 = tpu.memref_slice %arg2[%dma_wait3A_501, %dma_wait3A_502] : memref<100000x64xf32, #tpu.memory_space<hbm>> -> memref<100000x64xf32, #tpu.memory_space<hbm>>
      %dma_wait3A_504 = tpu.memref_slice %arg8[%dma_wait3A_493] : memref<4x!tpu.dma_semaphore, #tpu.memory_space<semaphore_mem>> -> memref<1x!tpu.dma_semaphore, #tpu.memory_space<semaphore_mem>>
      %dma_wait3A_505 = tpu.memref_squeeze %dma_wait3A_504 : memref<1x!tpu.dma_semaphore, #tpu.memory_space<semaphore_mem>> -> memref<!tpu.dma_semaphore, #tpu.memory_space<semaphore_mem>>
      tpu.wait_indirect_dma semaphore(%dma_wait3A_505 : memref<!tpu.dma_semaphore, #tpu.memory_space<semaphore_mem>>) src(%dma_wait3A_503 : memref<100000x64xf32, #tpu.memory_space<hbm>>) dst(%dma_wait3A_497 : memref<128x64xf32, #tpu.memory_space<vmem>>)
      %parallel_loop3A_506 = arith.constant 0 : i32
      %parallel_loop3A_507 = arith.constant 128 : i32
      %parallel_loop3A_508 = arith.constant 1 : i32
      scf.for %parallel_loop3A_713 = %parallel_loop3A_506 to %parallel_loop3A_507 step %parallel_loop3A_508  : i32 {
        %parallel_loop3A_714 = vector.broadcast %parallel_loop3A_713 : i32 to vector<16xi32>
        %parallel_loop3A_715 = arith.addi %broadcast_in_dim3A_22, %parallel_loop3A_714 : vector<16xi32>
        %parallel_loop3A_716 = arith.constant 3 : i32
        %parallel_loop3A_717 = arith.index_cast %parallel_loop3A_716 : i32 to index
        %parallel_loop3A_718 = arith.index_cast %parallel_loop3A_713 : i32 to index
        %parallel_loop3A_719 = arith.constant 0 : index
        %parallel_loop3A_720 = tpu.vector_load %arg6[%parallel_loop3A_717, %parallel_loop3A_718, %parallel_loop3A_719] {strides = array<i32>} : memref<4x128x64xf32, #tpu.memory_space<vmem>>, vector<16xf32>,
        %parallel_loop3A_721 = arith.constant 8.000000e+00 : f32
        %parallel_loop3A_722 = vector.broadcast %parallel_loop3A_721 : f32 to vector<16xf32>
        %parallel_loop3A_723 = arith.mulf %parallel_loop3A_720, %parallel_loop3A_722 : vector<16xf32>
        %parallel_loop3A_724 = arith.constant 3 : i32
        %parallel_loop3A_725 = arith.constant 0 : i32
        %parallel_loop3A_726 = arith.constant 0 : i32
        %parallel_loop3A_727 = arith.constant 0 : i32
        %parallel_loop3A_728 = tpu.memref_slice %arg7[%parallel_loop3A_724, %parallel_loop3A_725, %parallel_loop3A_726, %parallel_loop3A_727] : memref<4x8x8x129xf32, #tpu.memory_space<vmem>> -> memref<1x8x8x129xf32, #tpu.memory_space<vmem>>
        %parallel_loop3A_729 = tpu.memref_squeeze %parallel_loop3A_728 : memref<1x8x8x129xf32, #tpu.memory_space<vmem>> -> memref<8x8x129xf32, #tpu.memory_space<vmem>>
        tpu.vector_store_idx %parallel_loop3A_729[%add3A_8, %and3A_20, %parallel_loop3A_715], %parallel_loop3A_723 : memref<8x8x129xf32, #tpu.memory_space<vmem>>[vector<16xi32>, vector<16xi32>, vector<16xi32>], vector<16xf32>,
        %parallel_loop3A_730 = arith.constant 3 : i32
        %parallel_loop3A_731 = arith.index_cast %parallel_loop3A_730 : i32 to index
        %parallel_loop3A_732 = arith.index_cast %parallel_loop3A_713 : i32 to index
        %parallel_loop3A_733 = arith.constant 16 : index
        %parallel_loop3A_734 = tpu.vector_load %arg6[%parallel_loop3A_731, %parallel_loop3A_732, %parallel_loop3A_733] {strides = array<i32>} : memref<4x128x64xf32, #tpu.memory_space<vmem>>, vector<16xf32>,
        %parallel_loop3A_735 = arith.constant 8.000000e+00 : f32
        %parallel_loop3A_736 = vector.broadcast %parallel_loop3A_735 : f32 to vector<16xf32>
        %parallel_loop3A_737 = arith.mulf %parallel_loop3A_734, %parallel_loop3A_736 : vector<16xf32>
        %parallel_loop3A_738 = arith.constant 3 : i32
        %parallel_loop3A_739 = arith.constant 0 : i32
        %parallel_loop3A_740 = arith.constant 0 : i32
        %parallel_loop3A_741 = arith.constant 0 : i32
        %parallel_loop3A_742 = tpu.memref_slice %arg7[%parallel_loop3A_738, %parallel_loop3A_739, %parallel_loop3A_740, %parallel_loop3A_741] : memref<4x8x8x129xf32, #tpu.memory_space<vmem>> -> memref<1x8x8x129xf32, #tpu.memory_space<vmem>>
        %parallel_loop3A_743 = tpu.memref_squeeze %parallel_loop3A_742 : memref<1x8x8x129xf32, #tpu.memory_space<vmem>> -> memref<8x8x129xf32, #tpu.memory_space<vmem>>
        tpu.vector_store_idx %parallel_loop3A_743[%add3A_11, %and3A_20, %parallel_loop3A_715], %parallel_loop3A_737 : memref<8x8x129xf32, #tpu.memory_space<vmem>>[vector<16xi32>, vector<16xi32>, vector<16xi32>], vector<16xf32>,
        %parallel_loop3A_744 = arith.constant 3 : i32
        %parallel_loop3A_745 = arith.index_cast %parallel_loop3A_744 : i32 to index
        %parallel_loop3A_746 = arith.index_cast %parallel_loop3A_713 : i32 to index
        %parallel_loop3A_747 = arith.constant 32 : index
        %parallel_loop3A_748 = tpu.vector_load %arg6[%parallel_loop3A_745, %parallel_loop3A_746, %parallel_loop3A_747] {strides = array<i32>} : memref<4x128x64xf32, #tpu.memory_space<vmem>>, vector<16xf32>,
        %parallel_loop3A_749 = arith.constant 8.000000e+00 : f32
        %parallel_loop3A_750 = vector.broadcast %parallel_loop3A_749 : f32 to vector<16xf32>
        %parallel_loop3A_751 = arith.mulf %parallel_loop3A_748, %parallel_loop3A_750 : vector<16xf32>
        %parallel_loop3A_752 = arith.constant 3 : i32
        %parallel_loop3A_753 = arith.constant 0 : i32
        %parallel_loop3A_754 = arith.constant 0 : i32
        %parallel_loop3A_755 = arith.constant 0 : i32
        %parallel_loop3A_756 = tpu.memref_slice %arg7[%parallel_loop3A_752, %parallel_loop3A_753, %parallel_loop3A_754, %parallel_loop3A_755] : memref<4x8x8x129xf32, #tpu.memory_space<vmem>> -> memref<1x8x8x129xf32, #tpu.memory_space<vmem>>
        %parallel_loop3A_757 = tpu.memref_squeeze %parallel_loop3A_756 : memref<1x8x8x129xf32, #tpu.memory_space<vmem>> -> memref<8x8x129xf32, #tpu.memory_space<vmem>>
        tpu.vector_store_idx %parallel_loop3A_757[%add3A_14, %and3A_20, %parallel_loop3A_715], %parallel_loop3A_751 : memref<8x8x129xf32, #tpu.memory_space<vmem>>[vector<16xi32>, vector<16xi32>, vector<16xi32>], vector<16xf32>,
        %parallel_loop3A_758 = arith.constant 3 : i32
        %parallel_loop3A_759 = arith.index_cast %parallel_loop3A_758 : i32 to index
        %parallel_loop3A_760 = arith.index_cast %parallel_loop3A_713 : i32 to index
        %parallel_loop3A_761 = arith.constant 48 : index
        %parallel_loop3A_762 = tpu.vector_load %arg6[%parallel_loop3A_759, %parallel_loop3A_760, %parallel_loop3A_761] {strides = array<i32>} : memref<4x128x64xf32, #tpu.memory_space<vmem>>, vector<16xf32>,
        %parallel_loop3A_763 = arith.constant 8.000000e+00 : f32
        %parallel_loop3A_764 = vector.broadcast %parallel_loop3A_763 : f32 to vector<16xf32>
        %parallel_loop3A_765 = arith.mulf %parallel_loop3A_762, %parallel_loop3A_764 : vector<16xf32>
        %parallel_loop3A_766 = arith.constant 3 : i32
        %parallel_loop3A_767 = arith.constant 0 : i32
        %parallel_loop3A_768 = arith.constant 0 : i32
        %parallel_loop3A_769 = arith.constant 0 : i32
        %parallel_loop3A_770 = tpu.memref_slice %arg7[%parallel_loop3A_766, %parallel_loop3A_767, %parallel_loop3A_768, %parallel_loop3A_769] : memref<4x8x8x129xf32, #tpu.memory_space<vmem>> -> memref<1x8x8x129xf32, #tpu.memory_space<vmem>>
        %parallel_loop3A_771 = tpu.memref_squeeze %parallel_loop3A_770 : memref<1x8x8x129xf32, #tpu.memory_space<vmem>> -> memref<8x8x129xf32, #tpu.memory_space<vmem>>
        tpu.vector_store_idx %parallel_loop3A_771[%add3A_17, %and3A_20, %parallel_loop3A_715], %parallel_loop3A_765 : memref<8x8x129xf32, #tpu.memory_space<vmem>>[vector<16xi32>, vector<16xi32>, vector<16xi32>], vector<16xf32>,
      } {sc.loop_unroll_factor = 2 : i64, sc.parallel_access}
      %sub3A_509 = arith.constant 2 : i32
      %sub3A_510 = arith.subi %add3A_449, %sub3A_509 : i32
      %dma_start3A_511 = arith.constant 3 : i32
      %dma_start3A_512 = arith.constant 3 : i32
      %dma_start3A_513 = arith.constant 0 : i32
      %dma_start3A_514 = arith.constant 0 : i32
      %dma_start3A_515 = arith.constant 0 : i32
      %dma_start3A_516 = tpu.memref_slice %arg7[%dma_start3A_511, %dma_start3A_513, %dma_start3A_514, %dma_start3A_515] : memref<4x8x8x129xf32, #tpu.memory_space<vmem>> -> memref<1x8x8x128xf32, #tpu.memory_space<vmem>>
      %dma_start3A_517 = tpu.memref_squeeze %dma_start3A_516 : memref<1x8x8x128xf32, #tpu.memory_space<vmem>> -> memref<8x8x128xf32, #tpu.memory_space<vmem>>
      %dma_start3A_518 = arith.constant 0 : i32
      %dma_start3A_519 = arith.constant 0 : i32
      %dma_start3A_520 = arith.constant 0 : i32
      %dma_start3A_521 = tpu.memref_slice %arg4[%sub3A_510, %dma_start3A_518, %add3A, %dma_start3A_519, %dma_start3A_520] : memref<200x8x32x8x128xf32, #tpu.memory_space<hbm>> -> memref<1x8x1x8x128xf32, #tpu.memory_space<hbm>>
      %dma_start3A_522 = tpu.memref_squeeze %dma_start3A_521 : memref<1x8x1x8x128xf32, #tpu.memory_space<hbm>> -> memref<8x8x128xf32, #tpu.memory_space<hbm>>
      %dma_start3A_523 = tpu.memref_slice %arg9[%dma_start3A_512] : memref<4x!tpu.dma_semaphore, #tpu.memory_space<semaphore_mem>> -> memref<1x!tpu.dma_semaphore, #tpu.memory_space<semaphore_mem>>
      %dma_start3A_524 = tpu.memref_squeeze %dma_start3A_523 : memref<1x!tpu.dma_semaphore, #tpu.memory_space<semaphore_mem>> -> memref<!tpu.dma_semaphore, #tpu.memory_space<semaphore_mem>>
      %dma_start3A_525 = arith.constant 0 : i32
      %dma_start3A_526 = arith.constant 0 : i32
      %dma_start3A_527 = arith.constant 0 : i32
      %dma_start3A_528 = tpu.memref_slice %arg4[%sub3A_510, %dma_start3A_525, %add3A, %dma_start3A_526, %dma_start3A_527] : memref<200x8x32x8x128xf32, #tpu.memory_space<hbm>> -> memref<1x8x1x8x128xf32, #tpu.memory_space<hbm>>
      %dma_start3A_529 = tpu.memref_squeeze %dma_start3A_528 : memref<1x8x1x8x128xf32, #tpu.memory_space<hbm>> -> memref<8x8x128xf32, #tpu.memory_space<hbm>>
      %dma_start3A_530 = arith.constant 0 : i32
      %dma_start3A_531 = arith.constant 0 : i32
      %dma_start3A_532 = arith.constant 0 : i32
      %dma_start3A_533 = tpu.memref_slice %arg7[%dma_start3A_511, %dma_start3A_530, %dma_start3A_531, %dma_start3A_532] : memref<4x8x8x129xf32, #tpu.memory_space<vmem>> -> memref<1x8x8x128xf32, #tpu.memory_space<vmem>>
      %dma_start3A_534 = tpu.memref_squeeze %dma_start3A_533 : memref<1x8x8x128xf32, #tpu.memory_space<vmem>> -> memref<8x8x128xf32, #tpu.memory_space<vmem>>
      tpu.enqueue_dma source(%dma_start3A_534 : memref<8x8x128xf32, #tpu.memory_space<vmem>>) target(%dma_start3A_529 : memref<8x8x128xf32, #tpu.memory_space<hbm>>) target_semaphore(%dma_start3A_524 : memref<!tpu.dma_semaphore, #tpu.memory_space<semaphore_mem>>)
      %mul3A_535 = arith.constant 4 : i32
      %mul3A_536 = arith.muli %scan3A_357, %mul3A_535 : i32
      %add3A_537 = arith.constant 2 : i32
      %add3A_538 = arith.addi %mul3A_536, %add3A_537 : i32
      %sub3A_539 = arith.constant 4 : i32
      %sub3A_540 = arith.subi %add3A_538, %sub3A_539 : i32
      %dma_wait3A_541 = arith.constant 2 : i32
      %dma_wait3A_542 = arith.constant 2 : i32
      %dma_wait3A_543 = arith.constant 0 : i32
      %dma_wait3A_544 = arith.constant 0 : i32
      %dma_wait3A_545 = arith.constant 0 : i32
      %dma_wait3A_546 = tpu.memref_slice %arg7[%dma_wait3A_541, %dma_wait3A_543, %dma_wait3A_544, %dma_wait3A_545] : memref<4x8x8x129xf32, #tpu.memory_space<vmem>> -> memref<1x8x8x128xf32, #tpu.memory_space<vmem>>
      %dma_wait3A_547 = tpu.memref_squeeze %dma_wait3A_546 : memref<1x8x8x128xf32, #tpu.memory_space<vmem>> -> memref<8x8x128xf32, #tpu.memory_space<vmem>>
      %dma_wait3A_548 = arith.constant 0 : i32
      %dma_wait3A_549 = arith.constant 0 : i32
      %dma_wait3A_550 = arith.constant 0 : i32
      %dma_wait3A_551 = tpu.memref_slice %arg4[%sub3A_540, %dma_wait3A_548, %add3A, %dma_wait3A_549, %dma_wait3A_550] : memref<200x8x32x8x128xf32, #tpu.memory_space<hbm>> -> memref<1x8x1x8x128xf32, #tpu.memory_space<hbm>>
      %dma_wait3A_552 = tpu.memref_squeeze %dma_wait3A_551 : memref<1x8x1x8x128xf32, #tpu.memory_space<hbm>> -> memref<8x8x128xf32, #tpu.memory_space<hbm>>
      %dma_wait3A_553 = tpu.memref_slice %arg9[%dma_wait3A_542] : memref<4x!tpu.dma_semaphore, #tpu.memory_space<semaphore_mem>> -> memref<1x!tpu.dma_semaphore, #tpu.memory_space<semaphore_mem>>
      %dma_wait3A_554 = tpu.memref_squeeze %dma_wait3A_553 : memref<1x!tpu.dma_semaphore, #tpu.memory_space<semaphore_mem>> -> memref<!tpu.dma_semaphore, #tpu.memory_space<semaphore_mem>>
      %dma_wait3A_555 = arith.constant 0 : i32
      %dma_wait3A_556 = arith.constant 0 : i32
      %dma_wait3A_557 = arith.constant 0 : i32
      %dma_wait3A_558 = tpu.memref_slice %arg4[%sub3A_540, %dma_wait3A_555, %add3A, %dma_wait3A_556, %dma_wait3A_557] : memref<200x8x32x8x128xf32, #tpu.memory_space<hbm>> -> memref<1x8x1x8x128xf32, #tpu.memory_space<hbm>>
      %dma_wait3A_559 = tpu.memref_squeeze %dma_wait3A_558 : memref<1x8x1x8x128xf32, #tpu.memory_space<hbm>> -> memref<8x8x128xf32, #tpu.memory_space<hbm>>
      %dma_wait3A_560 = arith.constant 0 : i32
      %dma_wait3A_561 = arith.constant 0 : i32
      %dma_wait3A_562 = arith.constant 0 : i32
      %dma_wait3A_563 = tpu.memref_slice %arg7[%dma_wait3A_541, %dma_wait3A_560, %dma_wait3A_561, %dma_wait3A_562] : memref<4x8x8x129xf32, #tpu.memory_space<vmem>> -> memref<1x8x8x128xf32, #tpu.memory_space<vmem>>
      %dma_wait3A_564 = tpu.memref_squeeze %dma_wait3A_563 : memref<1x8x8x128xf32, #tpu.memory_space<vmem>> -> memref<8x8x128xf32, #tpu.memory_space<vmem>>
      tpu.wait_dma2 semaphore(%dma_wait3A_554 : memref<!tpu.dma_semaphore, #tpu.memory_space<semaphore_mem>>) src(%dma_wait3A_564 : memref<8x8x128xf32, #tpu.memory_space<vmem>>) dst(%dma_wait3A_559 : memref<8x8x128xf32, #tpu.memory_space<hbm>>)
      %dma_start3A_565 = arith.constant 2 : i32
      %dma_start3A_566 = arith.constant 2 : i32
      %dma_start3A_567 = arith.constant 0 : i32
      %dma_start3A_568 = arith.constant 0 : i32
      %dma_start3A_569 = tpu.memref_slice %arg6[%dma_start3A_565, %dma_start3A_567, %dma_start3A_568] : memref<4x128x64xf32, #tpu.memory_space<vmem>> -> memref<1x128x64xf32, #tpu.memory_space<vmem>>
      %dma_start3A_570 = tpu.memref_squeeze %dma_start3A_569 : memref<1x128x64xf32, #tpu.memory_space<vmem>> -> memref<128x64xf32, #tpu.memory_space<vmem>>
      %dma_start3A_571 = arith.constant 0 : i32
      %dma_start3A_572 = tpu.memref_slice %arg5[%add3A_538, %dma_start3A_571] : memref<200x128xi32, #tpu.memory_space<vmem>> -> memref<1x128xi32, #tpu.memory_space<vmem>>
      %dma_start3A_573 = tpu.memref_squeeze %dma_start3A_572 : memref<1x128xi32, #tpu.memory_space<vmem>> -> memref<128xi32, #tpu.memory_space<vmem>>
      %dma_start3A_574 = arith.constant 0 : i32
      %dma_start3A_575 = arith.constant 0 : i32
      %dma_start3A_576 = tpu.memref_slice %arg2[%dma_start3A_574, %dma_start3A_575] : memref<100000x64xf32, #tpu.memory_space<hbm>> -> memref<100000x64xf32, #tpu.memory_space<hbm>>
      %dma_start3A_577 = tpu.memref_slice %arg8[%dma_start3A_566] : memref<4x!tpu.dma_semaphore, #tpu.memory_space<semaphore_mem>> -> memref<1x!tpu.dma_semaphore, #tpu.memory_space<semaphore_mem>>
      %dma_start3A_578 = tpu.memref_squeeze %dma_start3A_577 : memref<1x!tpu.dma_semaphore, #tpu.memory_space<semaphore_mem>> -> memref<!tpu.dma_semaphore, #tpu.memory_space<semaphore_mem>>
      tpu.enqueue_indirect_dma source(%dma_start3A_576 : memref<100000x64xf32, #tpu.memory_space<hbm>>) target(%dma_start3A_570 : memref<128x64xf32, #tpu.memory_space<vmem>>) offsets(%dma_start3A_573 : memref<128xi32, #tpu.memory_space<vmem>>) semaphore(%dma_start3A_578 : memref<!tpu.dma_semaphore, #tpu.memory_space<semaphore_mem>>)
      %sub3A_579 = arith.constant 2 : i32
      %sub3A_580 = arith.subi %add3A_538, %sub3A_579 : i32
      %dma_wait3A_581 = arith.constant 0 : i32
      %dma_wait3A_582 = arith.constant 0 : i32
      %dma_wait3A_583 = arith.constant 0 : i32
      %dma_wait3A_584 = arith.constant 0 : i32
      %dma_wait3A_585 = tpu.memref_slice %arg6[%dma_wait3A_581, %dma_wait3A_583, %dma_wait3A_584] : memref<4x128x64xf32, #tpu.memory_space<vmem>> -> memref<1x128x64xf32, #tpu.memory_space<vmem>>
      %dma_wait3A_586 = tpu.memref_squeeze %dma_wait3A_585 : memref<1x128x64xf32, #tpu.memory_space<vmem>> -> memref<128x64xf32, #tpu.memory_space<vmem>>
      %dma_wait3A_587 = arith.constant 0 : i32
      %dma_wait3A_588 = tpu.memref_slice %arg5[%sub3A_580, %dma_wait3A_587] : memref<200x128xi32, #tpu.memory_space<vmem>> -> memref<1x128xi32, #tpu.memory_space<vmem>>
      %dma_wait3A_589 = tpu.memref_squeeze %dma_wait3A_588 : memref<1x128xi32, #tpu.memory_space<vmem>> -> memref<128xi32, #tpu.memory_space<vmem>>
      %dma_wait3A_590 = arith.constant 0 : i32
      %dma_wait3A_591 = arith.constant 0 : i32
      %dma_wait3A_592 = tpu.memref_slice %arg2[%dma_wait3A_590, %dma_wait3A_591] : memref<100000x64xf32, #tpu.memory_space<hbm>> -> memref<100000x64xf32, #tpu.memory_space<hbm>>
      %dma_wait3A_593 = tpu.memref_slice %arg8[%dma_wait3A_582] : memref<4x!tpu.dma_semaphore, #tpu.memory_space<semaphore_mem>> -> memref<1x!tpu.dma_semaphore, #tpu.memory_space<semaphore_mem>>
      %dma_wait3A_594 = tpu.memref_squeeze %dma_wait3A_593 : memref<1x!tpu.dma_semaphore, #tpu.memory_space<semaphore_mem>> -> memref<!tpu.dma_semaphore, #tpu.memory_space<semaphore_mem>>
      tpu.wait_indirect_dma semaphore(%dma_wait3A_594 : memref<!tpu.dma_semaphore, #tpu.memory_space<semaphore_mem>>) src(%dma_wait3A_592 : memref<100000x64xf32, #tpu.memory_space<hbm>>) dst(%dma_wait3A_586 : memref<128x64xf32, #tpu.memory_space<vmem>>)
      %parallel_loop3A_595 = arith.constant 0 : i32
      %parallel_loop3A_596 = arith.constant 128 : i32
      %parallel_loop3A_597 = arith.constant 1 : i32
      scf.for %parallel_loop3A_713 = %parallel_loop3A_595 to %parallel_loop3A_596 step %parallel_loop3A_597  : i32 {
        %parallel_loop3A_714 = vector.broadcast %parallel_loop3A_713 : i32 to vector<16xi32>
        %parallel_loop3A_715 = arith.addi %broadcast_in_dim3A_22, %parallel_loop3A_714 : vector<16xi32>
        %parallel_loop3A_716 = arith.constant 0 : i32
        %parallel_loop3A_717 = arith.index_cast %parallel_loop3A_716 : i32 to index
        %parallel_loop3A_718 = arith.index_cast %parallel_loop3A_713 : i32 to index
        %parallel_loop3A_719 = arith.constant 0 : index
        %parallel_loop3A_720 = tpu.vector_load %arg6[%parallel_loop3A_717, %parallel_loop3A_718, %parallel_loop3A_719] {strides = array<i32>} : memref<4x128x64xf32, #tpu.memory_space<vmem>>, vector<16xf32>,
        %parallel_loop3A_721 = arith.constant 8.000000e+00 : f32
        %parallel_loop3A_722 = vector.broadcast %parallel_loop3A_721 : f32 to vector<16xf32>
        %parallel_loop3A_723 = arith.mulf %parallel_loop3A_720, %parallel_loop3A_722 : vector<16xf32>
        %parallel_loop3A_724 = arith.constant 0 : i32
        %parallel_loop3A_725 = arith.constant 0 : i32
        %parallel_loop3A_726 = arith.constant 0 : i32
        %parallel_loop3A_727 = arith.constant 0 : i32
        %parallel_loop3A_728 = tpu.memref_slice %arg7[%parallel_loop3A_724, %parallel_loop3A_725, %parallel_loop3A_726, %parallel_loop3A_727] : memref<4x8x8x129xf32, #tpu.memory_space<vmem>> -> memref<1x8x8x129xf32, #tpu.memory_space<vmem>>
        %parallel_loop3A_729 = tpu.memref_squeeze %parallel_loop3A_728 : memref<1x8x8x129xf32, #tpu.memory_space<vmem>> -> memref<8x8x129xf32, #tpu.memory_space<vmem>>
        tpu.vector_store_idx %parallel_loop3A_729[%add3A_8, %and3A_20, %parallel_loop3A_715], %parallel_loop3A_723 : memref<8x8x129xf32, #tpu.memory_space<vmem>>[vector<16xi32>, vector<16xi32>, vector<16xi32>], vector<16xf32>,
        %parallel_loop3A_730 = arith.constant 0 : i32
        %parallel_loop3A_731 = arith.index_cast %parallel_loop3A_730 : i32 to index
        %parallel_loop3A_732 = arith.index_cast %parallel_loop3A_713 : i32 to index
        %parallel_loop3A_733 = arith.constant 16 : index
        %parallel_loop3A_734 = tpu.vector_load %arg6[%parallel_loop3A_731, %parallel_loop3A_732, %parallel_loop3A_733] {strides = array<i32>} : memref<4x128x64xf32, #tpu.memory_space<vmem>>, vector<16xf32>,
        %parallel_loop3A_735 = arith.constant 8.000000e+00 : f32
        %parallel_loop3A_736 = vector.broadcast %parallel_loop3A_735 : f32 to vector<16xf32>
        %parallel_loop3A_737 = arith.mulf %parallel_loop3A_734, %parallel_loop3A_736 : vector<16xf32>
        %parallel_loop3A_738 = arith.constant 0 : i32
        %parallel_loop3A_739 = arith.constant 0 : i32
        %parallel_loop3A_740 = arith.constant 0 : i32
        %parallel_loop3A_741 = arith.constant 0 : i32
        %parallel_loop3A_742 = tpu.memref_slice %arg7[%parallel_loop3A_738, %parallel_loop3A_739, %parallel_loop3A_740, %parallel_loop3A_741] : memref<4x8x8x129xf32, #tpu.memory_space<vmem>> -> memref<1x8x8x129xf32, #tpu.memory_space<vmem>>
        %parallel_loop3A_743 = tpu.memref_squeeze %parallel_loop3A_742 : memref<1x8x8x129xf32, #tpu.memory_space<vmem>> -> memref<8x8x129xf32, #tpu.memory_space<vmem>>
        tpu.vector_store_idx %parallel_loop3A_743[%add3A_11, %and3A_20, %parallel_loop3A_715], %parallel_loop3A_737 : memref<8x8x129xf32, #tpu.memory_space<vmem>>[vector<16xi32>, vector<16xi32>, vector<16xi32>], vector<16xf32>,
        %parallel_loop3A_744 = arith.constant 0 : i32
        %parallel_loop3A_745 = arith.index_cast %parallel_loop3A_744 : i32 to index
        %parallel_loop3A_746 = arith.index_cast %parallel_loop3A_713 : i32 to index
        %parallel_loop3A_747 = arith.constant 32 : index
        %parallel_loop3A_748 = tpu.vector_load %arg6[%parallel_loop3A_745, %parallel_loop3A_746, %parallel_loop3A_747] {strides = array<i32>} : memref<4x128x64xf32, #tpu.memory_space<vmem>>, vector<16xf32>,
        %parallel_loop3A_749 = arith.constant 8.000000e+00 : f32
        %parallel_loop3A_750 = vector.broadcast %parallel_loop3A_749 : f32 to vector<16xf32>
        %parallel_loop3A_751 = arith.mulf %parallel_loop3A_748, %parallel_loop3A_750 : vector<16xf32>
        %parallel_loop3A_752 = arith.constant 0 : i32
        %parallel_loop3A_753 = arith.constant 0 : i32
        %parallel_loop3A_754 = arith.constant 0 : i32
        %parallel_loop3A_755 = arith.constant 0 : i32
        %parallel_loop3A_756 = tpu.memref_slice %arg7[%parallel_loop3A_752, %parallel_loop3A_753, %parallel_loop3A_754, %parallel_loop3A_755] : memref<4x8x8x129xf32, #tpu.memory_space<vmem>> -> memref<1x8x8x129xf32, #tpu.memory_space<vmem>>
        %parallel_loop3A_757 = tpu.memref_squeeze %parallel_loop3A_756 : memref<1x8x8x129xf32, #tpu.memory_space<vmem>> -> memref<8x8x129xf32, #tpu.memory_space<vmem>>
        tpu.vector_store_idx %parallel_loop3A_757[%add3A_14, %and3A_20, %parallel_loop3A_715], %parallel_loop3A_751 : memref<8x8x129xf32, #tpu.memory_space<vmem>>[vector<16xi32>, vector<16xi32>, vector<16xi32>], vector<16xf32>,
        %parallel_loop3A_758 = arith.constant 0 : i32
        %parallel_loop3A_759 = arith.index_cast %parallel_loop3A_758 : i32 to index
        %parallel_loop3A_760 = arith.index_cast %parallel_loop3A_713 : i32 to index
        %parallel_loop3A_761 = arith.constant 48 : index
        %parallel_loop3A_762 = tpu.vector_load %arg6[%parallel_loop3A_759, %parallel_loop3A_760, %parallel_loop3A_761] {strides = array<i32>} : memref<4x128x64xf32, #tpu.memory_space<vmem>>, vector<16xf32>,
        %parallel_loop3A_763 = arith.constant 8.000000e+00 : f32
        %parallel_loop3A_764 = vector.broadcast %parallel_loop3A_763 : f32 to vector<16xf32>
        %parallel_loop3A_765 = arith.mulf %parallel_loop3A_762, %parallel_loop3A_764 : vector<16xf32>
        %parallel_loop3A_766 = arith.constant 0 : i32
        %parallel_loop3A_767 = arith.constant 0 : i32
        %parallel_loop3A_768 = arith.constant 0 : i32
        %parallel_loop3A_769 = arith.constant 0 : i32
        %parallel_loop3A_770 = tpu.memref_slice %arg7[%parallel_loop3A_766, %parallel_loop3A_767, %parallel_loop3A_768, %parallel_loop3A_769] : memref<4x8x8x129xf32, #tpu.memory_space<vmem>> -> memref<1x8x8x129xf32, #tpu.memory_space<vmem>>
        %parallel_loop3A_771 = tpu.memref_squeeze %parallel_loop3A_770 : memref<1x8x8x129xf32, #tpu.memory_space<vmem>> -> memref<8x8x129xf32, #tpu.memory_space<vmem>>
        tpu.vector_store_idx %parallel_loop3A_771[%add3A_17, %and3A_20, %parallel_loop3A_715], %parallel_loop3A_765 : memref<8x8x129xf32, #tpu.memory_space<vmem>>[vector<16xi32>, vector<16xi32>, vector<16xi32>], vector<16xf32>,
      } {sc.loop_unroll_factor = 2 : i64, sc.parallel_access}
      %sub3A_598 = arith.constant 2 : i32
      %sub3A_599 = arith.subi %add3A_538, %sub3A_598 : i32
      %dma_start3A_600 = arith.constant 0 : i32
      %dma_start3A_601 = arith.constant 0 : i32
      %dma_start3A_602 = arith.constant 0 : i32
      %dma_start3A_603 = arith.constant 0 : i32
      %dma_start3A_604 = arith.constant 0 : i32
      %dma_start3A_605 = tpu.memref_slice %arg7[%dma_start3A_600, %dma_start3A_602, %dma_start3A_603, %dma_start3A_604] : memref<4x8x8x129xf32, #tpu.memory_space<vmem>> -> memref<1x8x8x128xf32, #tpu.memory_space<vmem>>
      %dma_start3A_606 = tpu.memref_squeeze %dma_start3A_605 : memref<1x8x8x128xf32, #tpu.memory_space<vmem>> -> memref<8x8x128xf32, #tpu.memory_space<vmem>>
      %dma_start3A_607 = arith.constant 0 : i32
      %dma_start3A_608 = arith.constant 0 : i32
      %dma_start3A_609 = arith.constant 0 : i32
      %dma_start3A_610 = tpu.memref_slice %arg4[%sub3A_599, %dma_start3A_607, %add3A, %dma_start3A_608, %dma_start3A_609] : memref<200x8x32x8x128xf32, #tpu.memory_space<hbm>> -> memref<1x8x1x8x128xf32, #tpu.memory_space<hbm>>
      %dma_start3A_611 = tpu.memref_squeeze %dma_start3A_610 : memref<1x8x1x8x128xf32, #tpu.memory_space<hbm>> -> memref<8x8x128xf32, #tpu.memory_space<hbm>>
      %dma_start3A_612 = tpu.memref_slice %arg9[%dma_start3A_601] : memref<4x!tpu.dma_semaphore, #tpu.memory_space<semaphore_mem>> -> memref<1x!tpu.dma_semaphore, #tpu.memory_space<semaphore_mem>>
      %dma_start3A_613 = tpu.memref_squeeze %dma_start3A_612 : memref<1x!tpu.dma_semaphore, #tpu.memory_space<semaphore_mem>> -> memref<!tpu.dma_semaphore, #tpu.memory_space<semaphore_mem>>
      %dma_start3A_614 = arith.constant 0 : i32
      %dma_start3A_615 = arith.constant 0 : i32
      %dma_start3A_616 = arith.constant 0 : i32
      %dma_start3A_617 = tpu.memref_slice %arg4[%sub3A_599, %dma_start3A_614, %add3A, %dma_start3A_615, %dma_start3A_616] : memref<200x8x32x8x128xf32, #tpu.memory_space<hbm>> -> memref<1x8x1x8x128xf32, #tpu.memory_space<hbm>>
      %dma_start3A_618 = tpu.memref_squeeze %dma_start3A_617 : memref<1x8x1x8x128xf32, #tpu.memory_space<hbm>> -> memref<8x8x128xf32, #tpu.memory_space<hbm>>
      %dma_start3A_619 = arith.constant 0 : i32
      %dma_start3A_620 = arith.constant 0 : i32
      %dma_start3A_621 = arith.constant 0 : i32
      %dma_start3A_622 = tpu.memref_slice %arg7[%dma_start3A_600, %dma_start3A_619, %dma_start3A_620, %dma_start3A_621] : memref<4x8x8x129xf32, #tpu.memory_space<vmem>> -> memref<1x8x8x128xf32, #tpu.memory_space<vmem>>
      %dma_start3A_623 = tpu.memref_squeeze %dma_start3A_622 : memref<1x8x8x128xf32, #tpu.memory_space<vmem>> -> memref<8x8x128xf32, #tpu.memory_space<vmem>>
      tpu.enqueue_dma source(%dma_start3A_623 : memref<8x8x128xf32, #tpu.memory_space<vmem>>) target(%dma_start3A_618 : memref<8x8x128xf32, #tpu.memory_space<hbm>>) target_semaphore(%dma_start3A_613 : memref<!tpu.dma_semaphore, #tpu.memory_space<semaphore_mem>>)
      %mul3A_624 = arith.constant 4 : i32
      %mul3A_625 = arith.muli %scan3A_357, %mul3A_624 : i32
      %add3A_626 = arith.constant 3 : i32
      %add3A_627 = arith.addi %mul3A_625, %add3A_626 : i32
      %sub3A_628 = arith.constant 4 : i32
      %sub3A_629 = arith.subi %add3A_627, %sub3A_628 : i32
      %dma_wait3A_630 = arith.constant 3 : i32
      %dma_wait3A_631 = arith.constant 3 : i32
      %dma_wait3A_632 = arith.constant 0 : i32
      %dma_wait3A_633 = arith.constant 0 : i32
      %dma_wait3A_634 = arith.constant 0 : i32
      %dma_wait3A_635 = tpu.memref_slice %arg7[%dma_wait3A_630, %dma_wait3A_632, %dma_wait3A_633, %dma_wait3A_634] : memref<4x8x8x129xf32, #tpu.memory_space<vmem>> -> memref<1x8x8x128xf32, #tpu.memory_space<vmem>>
      %dma_wait3A_636 = tpu.memref_squeeze %dma_wait3A_635 : memref<1x8x8x128xf32, #tpu.memory_space<vmem>> -> memref<8x8x128xf32, #tpu.memory_space<vmem>>
      %dma_wait3A_637 = arith.constant 0 : i32
      %dma_wait3A_638 = arith.constant 0 : i32
      %dma_wait3A_639 = arith.constant 0 : i32
      %dma_wait3A_640 = tpu.memref_slice %arg4[%sub3A_629, %dma_wait3A_637, %add3A, %dma_wait3A_638, %dma_wait3A_639] : memref<200x8x32x8x128xf32, #tpu.memory_space<hbm>> -> memref<1x8x1x8x128xf32, #tpu.memory_space<hbm>>
      %dma_wait3A_641 = tpu.memref_squeeze %dma_wait3A_640 : memref<1x8x1x8x128xf32, #tpu.memory_space<hbm>> -> memref<8x8x128xf32, #tpu.memory_space<hbm>>
      %dma_wait3A_642 = tpu.memref_slice %arg9[%dma_wait3A_631] : memref<4x!tpu.dma_semaphore, #tpu.memory_space<semaphore_mem>> -> memref<1x!tpu.dma_semaphore, #tpu.memory_space<semaphore_mem>>
      %dma_wait3A_643 = tpu.memref_squeeze %dma_wait3A_642 : memref<1x!tpu.dma_semaphore, #tpu.memory_space<semaphore_mem>> -> memref<!tpu.dma_semaphore, #tpu.memory_space<semaphore_mem>>
      %dma_wait3A_644 = arith.constant 0 : i32
      %dma_wait3A_645 = arith.constant 0 : i32
      %dma_wait3A_646 = arith.constant 0 : i32
      %dma_wait3A_647 = tpu.memref_slice %arg4[%sub3A_629, %dma_wait3A_644, %add3A, %dma_wait3A_645, %dma_wait3A_646] : memref<200x8x32x8x128xf32, #tpu.memory_space<hbm>> -> memref<1x8x1x8x128xf32, #tpu.memory_space<hbm>>
      %dma_wait3A_648 = tpu.memref_squeeze %dma_wait3A_647 : memref<1x8x1x8x128xf32, #tpu.memory_space<hbm>> -> memref<8x8x128xf32, #tpu.memory_space<hbm>>
      %dma_wait3A_649 = arith.constant 0 : i32
      %dma_wait3A_650 = arith.constant 0 : i32
      %dma_wait3A_651 = arith.constant 0 : i32
      %dma_wait3A_652 = tpu.memref_slice %arg7[%dma_wait3A_630, %dma_wait3A_649, %dma_wait3A_650, %dma_wait3A_651] : memref<4x8x8x129xf32, #tpu.memory_space<vmem>> -> memref<1x8x8x128xf32, #tpu.memory_space<vmem>>
      %dma_wait3A_653 = tpu.memref_squeeze %dma_wait3A_652 : memref<1x8x8x128xf32, #tpu.memory_space<vmem>> -> memref<8x8x128xf32, #tpu.memory_space<vmem>>
      tpu.wait_dma2 semaphore(%dma_wait3A_643 : memref<!tpu.dma_semaphore, #tpu.memory_space<semaphore_mem>>) src(%dma_wait3A_653 : memref<8x8x128xf32, #tpu.memory_space<vmem>>) dst(%dma_wait3A_648 : memref<8x8x128xf32, #tpu.memory_space<hbm>>)
      %dma_start3A_654 = arith.constant 3 : i32
      %dma_start3A_655 = arith.constant 3 : i32
      %dma_start3A_656 = arith.constant 0 : i32
      %dma_start3A_657 = arith.constant 0 : i32
      %dma_start3A_658 = tpu.memref_slice %arg6[%dma_start3A_654, %dma_start3A_656, %dma_start3A_657] : memref<4x128x64xf32, #tpu.memory_space<vmem>> -> memref<1x128x64xf32, #tpu.memory_space<vmem>>
      %dma_start3A_659 = tpu.memref_squeeze %dma_start3A_658 : memref<1x128x64xf32, #tpu.memory_space<vmem>> -> memref<128x64xf32, #tpu.memory_space<vmem>>
      %dma_start3A_660 = arith.constant 0 : i32
      %dma_start3A_661 = tpu.memref_slice %arg5[%add3A_627, %dma_start3A_660] : memref<200x128xi32, #tpu.memory_space<vmem>> -> memref<1x128xi32, #tpu.memory_space<vmem>>
      %dma_start3A_662 = tpu.memref_squeeze %dma_start3A_661 : memref<1x128xi32, #tpu.memory_space<vmem>> -> memref<128xi32, #tpu.memory_space<vmem>>
      %dma_start3A_663 = arith.constant 0 : i32
      %dma_start3A_664 = arith.constant 0 : i32
      %dma_start3A_665 = tpu.memref_slice %arg2[%dma_start3A_663, %dma_start3A_664] : memref<100000x64xf32, #tpu.memory_space<hbm>> -> memref<100000x64xf32, #tpu.memory_space<hbm>>
      %dma_start3A_666 = tpu.memref_slice %arg8[%dma_start3A_655] : memref<4x!tpu.dma_semaphore, #tpu.memory_space<semaphore_mem>> -> memref<1x!tpu.dma_semaphore, #tpu.memory_space<semaphore_mem>>
      %dma_start3A_667 = tpu.memref_squeeze %dma_start3A_666 : memref<1x!tpu.dma_semaphore, #tpu.memory_space<semaphore_mem>> -> memref<!tpu.dma_semaphore, #tpu.memory_space<semaphore_mem>>
      tpu.enqueue_indirect_dma source(%dma_start3A_665 : memref<100000x64xf32, #tpu.memory_space<hbm>>) target(%dma_start3A_659 : memref<128x64xf32, #tpu.memory_space<vmem>>) offsets(%dma_start3A_662 : memref<128xi32, #tpu.memory_space<vmem>>) semaphore(%dma_start3A_667 : memref<!tpu.dma_semaphore, #tpu.memory_space<semaphore_mem>>)
      %sub3A_668 = arith.constant 2 : i32
      %sub3A_669 = arith.subi %add3A_627, %sub3A_668 : i32
      %dma_wait3A_670 = arith.constant 1 : i32
      %dma_wait3A_671 = arith.constant 1 : i32
      %dma_wait3A_672 = arith.constant 0 : i32
      %dma_wait3A_673 = arith.constant 0 : i32
      %dma_wait3A_674 = tpu.memref_slice %arg6[%dma_wait3A_670, %dma_wait3A_672, %dma_wait3A_673] : memref<4x128x64xf32, #tpu.memory_space<vmem>> -> memref<1x128x64xf32, #tpu.memory_space<vmem>>
      %dma_wait3A_675 = tpu.memref_squeeze %dma_wait3A_674 : memref<1x128x64xf32, #tpu.memory_space<vmem>> -> memref<128x64xf32, #tpu.memory_space<vmem>>
      %dma_wait3A_676 = arith.constant 0 : i32
      %dma_wait3A_677 = tpu.memref_slice %arg5[%sub3A_669, %dma_wait3A_676] : memref<200x128xi32, #tpu.memory_space<vmem>> -> memref<1x128xi32, #tpu.memory_space<vmem>>
      %dma_wait3A_678 = tpu.memref_squeeze %dma_wait3A_677 : memref<1x128xi32, #tpu.memory_space<vmem>> -> memref<128xi32, #tpu.memory_space<vmem>>
      %dma_wait3A_679 = arith.constant 0 : i32
      %dma_wait3A_680 = arith.constant 0 : i32
      %dma_wait3A_681 = tpu.memref_slice %arg2[%dma_wait3A_679, %dma_wait3A_680] : memref<100000x64xf32, #tpu.memory_space<hbm>> -> memref<100000x64xf32, #tpu.memory_space<hbm>>
      %dma_wait3A_682 = tpu.memref_slice %arg8[%dma_wait3A_671] : memref<4x!tpu.dma_semaphore, #tpu.memory_space<semaphore_mem>> -> memref<1x!tpu.dma_semaphore, #tpu.memory_space<semaphore_mem>>
      %dma_wait3A_683 = tpu.memref_squeeze %dma_wait3A_682 : memref<1x!tpu.dma_semaphore, #tpu.memory_space<semaphore_mem>> -> memref<!tpu.dma_semaphore, #tpu.memory_space<semaphore_mem>>
      tpu.wait_indirect_dma semaphore(%dma_wait3A_683 : memref<!tpu.dma_semaphore, #tpu.memory_space<semaphore_mem>>) src(%dma_wait3A_681 : memref<100000x64xf32, #tpu.memory_space<hbm>>) dst(%dma_wait3A_675 : memref<128x64xf32, #tpu.memory_space<vmem>>)
      %parallel_loop3A_684 = arith.constant 0 : i32
      %parallel_loop3A_685 = arith.constant 128 : i32
      %parallel_loop3A_686 = arith.constant 1 : i32
      scf.for %parallel_loop3A_713 = %parallel_loop3A_684 to %parallel_loop3A_685 step %parallel_loop3A_686  : i32 {
        %parallel_loop3A_714 = vector.broadcast %parallel_loop3A_713 : i32 to vector<16xi32>
        %parallel_loop3A_715 = arith.addi %broadcast_in_dim3A_22, %parallel_loop3A_714 : vector<16xi32>
        %parallel_loop3A_716 = arith.constant 1 : i32
        %parallel_loop3A_717 = arith.index_cast %parallel_loop3A_716 : i32 to index
        %parallel_loop3A_718 = arith.index_cast %parallel_loop3A_713 : i32 to index
        %parallel_loop3A_719 = arith.constant 0 : index
        %parallel_loop3A_720 = tpu.vector_load %arg6[%parallel_loop3A_717, %parallel_loop3A_718, %parallel_loop3A_719] {strides = array<i32>} : memref<4x128x64xf32, #tpu.memory_space<vmem>>, vector<16xf32>,
        %parallel_loop3A_721 = arith.constant 8.000000e+00 : f32
        %parallel_loop3A_722 = vector.broadcast %parallel_loop3A_721 : f32 to vector<16xf32>
        %parallel_loop3A_723 = arith.mulf %parallel_loop3A_720, %parallel_loop3A_722 : vector<16xf32>
        %parallel_loop3A_724 = arith.constant 1 : i32
        %parallel_loop3A_725 = arith.constant 0 : i32
        %parallel_loop3A_726 = arith.constant 0 : i32
        %parallel_loop3A_727 = arith.constant 0 : i32
        %parallel_loop3A_728 = tpu.memref_slice %arg7[%parallel_loop3A_724, %parallel_loop3A_725, %parallel_loop3A_726, %parallel_loop3A_727] : memref<4x8x8x129xf32, #tpu.memory_space<vmem>> -> memref<1x8x8x129xf32, #tpu.memory_space<vmem>>
        %parallel_loop3A_729 = tpu.memref_squeeze %parallel_loop3A_728 : memref<1x8x8x129xf32, #tpu.memory_space<vmem>> -> memref<8x8x129xf32, #tpu.memory_space<vmem>>
        tpu.vector_store_idx %parallel_loop3A_729[%add3A_8, %and3A_20, %parallel_loop3A_715], %parallel_loop3A_723 : memref<8x8x129xf32, #tpu.memory_space<vmem>>[vector<16xi32>, vector<16xi32>, vector<16xi32>], vector<16xf32>,
        %parallel_loop3A_730 = arith.constant 1 : i32
        %parallel_loop3A_731 = arith.index_cast %parallel_loop3A_730 : i32 to index
        %parallel_loop3A_732 = arith.index_cast %parallel_loop3A_713 : i32 to index
        %parallel_loop3A_733 = arith.constant 16 : index
        %parallel_loop3A_734 = tpu.vector_load %arg6[%parallel_loop3A_731, %parallel_loop3A_732, %parallel_loop3A_733] {strides = array<i32>} : memref<4x128x64xf32, #tpu.memory_space<vmem>>, vector<16xf32>,
        %parallel_loop3A_735 = arith.constant 8.000000e+00 : f32
        %parallel_loop3A_736 = vector.broadcast %parallel_loop3A_735 : f32 to vector<16xf32>
        %parallel_loop3A_737 = arith.mulf %parallel_loop3A_734, %parallel_loop3A_736 : vector<16xf32>
        %parallel_loop3A_738 = arith.constant 1 : i32
        %parallel_loop3A_739 = arith.constant 0 : i32
        %parallel_loop3A_740 = arith.constant 0 : i32
        %parallel_loop3A_741 = arith.constant 0 : i32
        %parallel_loop3A_742 = tpu.memref_slice %arg7[%parallel_loop3A_738, %parallel_loop3A_739, %parallel_loop3A_740, %parallel_loop3A_741] : memref<4x8x8x129xf32, #tpu.memory_space<vmem>> -> memref<1x8x8x129xf32, #tpu.memory_space<vmem>>
        %parallel_loop3A_743 = tpu.memref_squeeze %parallel_loop3A_742 : memref<1x8x8x129xf32, #tpu.memory_space<vmem>> -> memref<8x8x129xf32, #tpu.memory_space<vmem>>
        tpu.vector_store_idx %parallel_loop3A_743[%add3A_11, %and3A_20, %parallel_loop3A_715], %parallel_loop3A_737 : memref<8x8x129xf32, #tpu.memory_space<vmem>>[vector<16xi32>, vector<16xi32>, vector<16xi32>], vector<16xf32>,
        %parallel_loop3A_744 = arith.constant 1 : i32
        %parallel_loop3A_745 = arith.index_cast %parallel_loop3A_744 : i32 to index
        %parallel_loop3A_746 = arith.index_cast %parallel_loop3A_713 : i32 to index
        %parallel_loop3A_747 = arith.constant 32 : index
        %parallel_loop3A_748 = tpu.vector_load %arg6[%parallel_loop3A_745, %parallel_loop3A_746, %parallel_loop3A_747] {strides = array<i32>} : memref<4x128x64xf32, #tpu.memory_space<vmem>>, vector<16xf32>,
        %parallel_loop3A_749 = arith.constant 8.000000e+00 : f32
        %parallel_loop3A_750 = vector.broadcast %parallel_loop3A_749 : f32 to vector<16xf32>
        %parallel_loop3A_751 = arith.mulf %parallel_loop3A_748, %parallel_loop3A_750 : vector<16xf32>
        %parallel_loop3A_752 = arith.constant 1 : i32
        %parallel_loop3A_753 = arith.constant 0 : i32
        %parallel_loop3A_754 = arith.constant 0 : i32
        %parallel_loop3A_755 = arith.constant 0 : i32
        %parallel_loop3A_756 = tpu.memref_slice %arg7[%parallel_loop3A_752, %parallel_loop3A_753, %parallel_loop3A_754, %parallel_loop3A_755] : memref<4x8x8x129xf32, #tpu.memory_space<vmem>> -> memref<1x8x8x129xf32, #tpu.memory_space<vmem>>
        %parallel_loop3A_757 = tpu.memref_squeeze %parallel_loop3A_756 : memref<1x8x8x129xf32, #tpu.memory_space<vmem>> -> memref<8x8x129xf32, #tpu.memory_space<vmem>>
        tpu.vector_store_idx %parallel_loop3A_757[%add3A_14, %and3A_20, %parallel_loop3A_715], %parallel_loop3A_751 : memref<8x8x129xf32, #tpu.memory_space<vmem>>[vector<16xi32>, vector<16xi32>, vector<16xi32>], vector<16xf32>,
        %parallel_loop3A_758 = arith.constant 1 : i32
        %parallel_loop3A_759 = arith.index_cast %parallel_loop3A_758 : i32 to index
        %parallel_loop3A_760 = arith.index_cast %parallel_loop3A_713 : i32 to index
        %parallel_loop3A_761 = arith.constant 48 : index
        %parallel_loop3A_762 = tpu.vector_load %arg6[%parallel_loop3A_759, %parallel_loop3A_760, %parallel_loop3A_761] {strides = array<i32>} : memref<4x128x64xf32, #tpu.memory_space<vmem>>, vector<16xf32>,
        %parallel_loop3A_763 = arith.constant 8.000000e+00 : f32
        %parallel_loop3A_764 = vector.broadcast %parallel_loop3A_763 : f32 to vector<16xf32>
        %parallel_loop3A_765 = arith.mulf %parallel_loop3A_762, %parallel_loop3A_764 : vector<16xf32>
        %parallel_loop3A_766 = arith.constant 1 : i32
        %parallel_loop3A_767 = arith.constant 0 : i32
        %parallel_loop3A_768 = arith.constant 0 : i32
        %parallel_loop3A_769 = arith.constant 0 : i32
        %parallel_loop3A_770 = tpu.memref_slice %arg7[%parallel_loop3A_766, %parallel_loop3A_767, %parallel_loop3A_768, %parallel_loop3A_769] : memref<4x8x8x129xf32, #tpu.memory_space<vmem>> -> memref<1x8x8x129xf32, #tpu.memory_space<vmem>>
        %parallel_loop3A_771 = tpu.memref_squeeze %parallel_loop3A_770 : memref<1x8x8x129xf32, #tpu.memory_space<vmem>> -> memref<8x8x129xf32, #tpu.memory_space<vmem>>
        tpu.vector_store_idx %parallel_loop3A_771[%add3A_17, %and3A_20, %parallel_loop3A_715], %parallel_loop3A_765 : memref<8x8x129xf32, #tpu.memory_space<vmem>>[vector<16xi32>, vector<16xi32>, vector<16xi32>], vector<16xf32>,
      } {sc.loop_unroll_factor = 2 : i64, sc.parallel_access}
      %sub3A_687 = arith.constant 2 : i32
      %sub3A_688 = arith.subi %add3A_627, %sub3A_687 : i32
      %dma_start3A_689 = arith.constant 1 : i32
      %dma_start3A_690 = arith.constant 1 : i32
      %dma_start3A_691 = arith.constant 0 : i32
      %dma_start3A_692 = arith.constant 0 : i32
      %dma_start3A_693 = arith.constant 0 : i32
      %dma_start3A_694 = tpu.memref_slice %arg7[%dma_start3A_689, %dma_start3A_691, %dma_start3A_692, %dma_start3A_693] : memref<4x8x8x129xf32, #tpu.memory_space<vmem>> -> memref<1x8x8x128xf32, #tpu.memory_space<vmem>>
      %dma_start3A_695 = tpu.memref_squeeze %dma_start3A_694 : memref<1x8x8x128xf32, #tpu.memory_space<vmem>> -> memref<8x8x128xf32, #tpu.memory_space<vmem>>
      %dma_start3A_696 = arith.constant 0 : i32
      %dma_start3A_697 = arith.constant 0 : i32
      %dma_start3A_698 = arith.constant 0 : i32
      %dma_start3A_699 = tpu.memref_slice %arg4[%sub3A_688, %dma_start3A_696, %add3A, %dma_start3A_697, %dma_start3A_698] : memref<200x8x32x8x128xf32, #tpu.memory_space<hbm>> -> memref<1x8x1x8x128xf32, #tpu.memory_space<hbm>>
      %dma_start3A_700 = tpu.memref_squeeze %dma_start3A_699 : memref<1x8x1x8x128xf32, #tpu.memory_space<hbm>> -> memref<8x8x128xf32, #tpu.memory_space<hbm>>
      %dma_start3A_701 = tpu.memref_slice %arg9[%dma_start3A_690] : memref<4x!tpu.dma_semaphore, #tpu.memory_space<semaphore_mem>> -> memref<1x!tpu.dma_semaphore, #tpu.memory_space<semaphore_mem>>
      %dma_start3A_702 = tpu.memref_squeeze %dma_start3A_701 : memref<1x!tpu.dma_semaphore, #tpu.memory_space<semaphore_mem>> -> memref<!tpu.dma_semaphore, #tpu.memory_space<semaphore_mem>>
      %dma_start3A_703 = arith.constant 0 : i32
      %dma_start3A_704 = arith.constant 0 : i32
      %dma_start3A_705 = arith.constant 0 : i32
      %dma_start3A_706 = tpu.memref_slice %arg4[%sub3A_688, %dma_start3A_703, %add3A, %dma_start3A_704, %dma_start3A_705] : memref<200x8x32x8x128xf32, #tpu.memory_space<hbm>> -> memref<1x8x1x8x128xf32, #tpu.memory_space<hbm>>
      %dma_start3A_707 = tpu.memref_squeeze %dma_start3A_706 : memref<1x8x1x8x128xf32, #tpu.memory_space<hbm>> -> memref<8x8x128xf32, #tpu.memory_space<hbm>>
      %dma_start3A_708 = arith.constant 0 : i32
      %dma_start3A_709 = arith.constant 0 : i32
      %dma_start3A_710 = arith.constant 0 : i32
      %dma_start3A_711 = tpu.memref_slice %arg7[%dma_start3A_689, %dma_start3A_708, %dma_start3A_709, %dma_start3A_710] : memref<4x8x8x129xf32, #tpu.memory_space<vmem>> -> memref<1x8x8x128xf32, #tpu.memory_space<vmem>>
      %dma_start3A_712 = tpu.memref_squeeze %dma_start3A_711 : memref<1x8x8x128xf32, #tpu.memory_space<vmem>> -> memref<8x8x128xf32, #tpu.memory_space<vmem>>
      tpu.enqueue_dma source(%dma_start3A_712 : memref<8x8x128xf32, #tpu.memory_space<vmem>>) target(%dma_start3A_707 : memref<8x8x128xf32, #tpu.memory_space<hbm>>) target_semaphore(%dma_start3A_702 : memref<!tpu.dma_semaphore, #tpu.memory_space<semaphore_mem>>)
    }
    %scan3A_170 = arith.constant 49 : i32
    %dma_wait3A_171 = arith.constant 198 : i32
    %dma_wait3A_172 = arith.constant 2 : i32
    %dma_wait3A_173 = arith.constant 2 : i32
    %dma_wait3A_174 = arith.constant 0 : i32
    %dma_wait3A_175 = arith.constant 0 : i32
    %dma_wait3A_176 = tpu.memref_slice %arg6[%dma_wait3A_172, %dma_wait3A_174, %dma_wait3A_175] : memref<4x128x64xf32, #tpu.memory_space<vmem>> -> memref<1x128x64xf32, #tpu.memory_space<vmem>>
    %dma_wait3A_177 = tpu.memref_squeeze %dma_wait3A_176 : memref<1x128x64xf32, #tpu.memory_space<vmem>> -> memref<128x64xf32, #tpu.memory_space<vmem>>
    %dma_wait3A_178 = arith.constant 0 : i32
    %dma_wait3A_179 = tpu.memref_slice %arg5[%dma_wait3A_171, %dma_wait3A_178] : memref<200x128xi32, #tpu.memory_space<vmem>> -> memref<1x128xi32, #tpu.memory_space<vmem>>
    %dma_wait3A_180 = tpu.memref_squeeze %dma_wait3A_179 : memref<1x128xi32, #tpu.memory_space<vmem>> -> memref<128xi32, #tpu.memory_space<vmem>>
    %dma_wait3A_181 = arith.constant 0 : i32
    %dma_wait3A_182 = arith.constant 0 : i32
    %dma_wait3A_183 = tpu.memref_slice %arg2[%dma_wait3A_181, %dma_wait3A_182] : memref<100000x64xf32, #tpu.memory_space<hbm>> -> memref<100000x64xf32, #tpu.memory_space<hbm>>
    %dma_wait3A_184 = tpu.memref_slice %arg8[%dma_wait3A_173] : memref<4x!tpu.dma_semaphore, #tpu.memory_space<semaphore_mem>> -> memref<1x!tpu.dma_semaphore, #tpu.memory_space<semaphore_mem>>
    %dma_wait3A_185 = tpu.memref_squeeze %dma_wait3A_184 : memref<1x!tpu.dma_semaphore, #tpu.memory_space<semaphore_mem>> -> memref<!tpu.dma_semaphore, #tpu.memory_space<semaphore_mem>>
    tpu.wait_indirect_dma semaphore(%dma_wait3A_185 : memref<!tpu.dma_semaphore, #tpu.memory_space<semaphore_mem>>) src(%dma_wait3A_183 : memref<100000x64xf32, #tpu.memory_space<hbm>>) dst(%dma_wait3A_177 : memref<128x64xf32, #tpu.memory_space<vmem>>)
    %parallel_loop3A_186 = arith.constant 0 : i32
    %parallel_loop3A_187 = arith.constant 128 : i32
    %parallel_loop3A_188 = arith.constant 1 : i32
    scf.for %parallel_loop3A_357 = %parallel_loop3A_186 to %parallel_loop3A_187 step %parallel_loop3A_188  : i32 {
      %parallel_loop3A_358 = vector.broadcast %parallel_loop3A_357 : i32 to vector<16xi32>
      %parallel_loop3A_359 = arith.addi %broadcast_in_dim3A_22, %parallel_loop3A_358 : vector<16xi32>
      %parallel_loop3A_360 = arith.constant 2 : i32
      %parallel_loop3A_361 = arith.index_cast %parallel_loop3A_360 : i32 to index
      %parallel_loop3A_362 = arith.index_cast %parallel_loop3A_357 : i32 to index
      %parallel_loop3A_363 = arith.constant 0 : index
      %parallel_loop3A_364 = tpu.vector_load %arg6[%parallel_loop3A_361, %parallel_loop3A_362, %parallel_loop3A_363] {strides = array<i32>} : memref<4x128x64xf32, #tpu.memory_space<vmem>>, vector<16xf32>,
      %parallel_loop3A_365 = arith.constant 8.000000e+00 : f32
      %parallel_loop3A_366 = vector.broadcast %parallel_loop3A_365 : f32 to vector<16xf32>
      %parallel_loop3A_367 = arith.mulf %parallel_loop3A_364, %parallel_loop3A_366 : vector<16xf32>
      %parallel_loop3A_368 = arith.constant 2 : i32
      %parallel_loop3A_369 = arith.constant 0 : i32
      %parallel_loop3A_370 = arith.constant 0 : i32
      %parallel_loop3A_371 = arith.constant 0 : i32
      %parallel_loop3A_372 = tpu.memref_slice %arg7[%parallel_loop3A_368, %parallel_loop3A_369, %parallel_loop3A_370, %parallel_loop3A_371] : memref<4x8x8x129xf32, #tpu.memory_space<vmem>> -> memref<1x8x8x129xf32, #tpu.memory_space<vmem>>
      %parallel_loop3A_373 = tpu.memref_squeeze %parallel_loop3A_372 : memref<1x8x8x129xf32, #tpu.memory_space<vmem>> -> memref<8x8x129xf32, #tpu.memory_space<vmem>>
      tpu.vector_store_idx %parallel_loop3A_373[%add3A_8, %and3A_20, %parallel_loop3A_359], %parallel_loop3A_367 : memref<8x8x129xf32, #tpu.memory_space<vmem>>[vector<16xi32>, vector<16xi32>, vector<16xi32>], vector<16xf32>,
      %parallel_loop3A_374 = arith.constant 2 : i32
      %parallel_loop3A_375 = arith.index_cast %parallel_loop3A_374 : i32 to index
      %parallel_loop3A_376 = arith.index_cast %parallel_loop3A_357 : i32 to index
      %parallel_loop3A_377 = arith.constant 16 : index
      %parallel_loop3A_378 = tpu.vector_load %arg6[%parallel_loop3A_375, %parallel_loop3A_376, %parallel_loop3A_377] {strides = array<i32>} : memref<4x128x64xf32, #tpu.memory_space<vmem>>, vector<16xf32>,
      %parallel_loop3A_379 = arith.constant 8.000000e+00 : f32
      %parallel_loop3A_380 = vector.broadcast %parallel_loop3A_379 : f32 to vector<16xf32>
      %parallel_loop3A_381 = arith.mulf %parallel_loop3A_378, %parallel_loop3A_380 : vector<16xf32>
      %parallel_loop3A_382 = arith.constant 2 : i32
      %parallel_loop3A_383 = arith.constant 0 : i32
      %parallel_loop3A_384 = arith.constant 0 : i32
      %parallel_loop3A_385 = arith.constant 0 : i32
      %parallel_loop3A_386 = tpu.memref_slice %arg7[%parallel_loop3A_382, %parallel_loop3A_383, %parallel_loop3A_384, %parallel_loop3A_385] : memref<4x8x8x129xf32, #tpu.memory_space<vmem>> -> memref<1x8x8x129xf32, #tpu.memory_space<vmem>>
      %parallel_loop3A_387 = tpu.memref_squeeze %parallel_loop3A_386 : memref<1x8x8x129xf32, #tpu.memory_space<vmem>> -> memref<8x8x129xf32, #tpu.memory_space<vmem>>
      tpu.vector_store_idx %parallel_loop3A_387[%add3A_11, %and3A_20, %parallel_loop3A_359], %parallel_loop3A_381 : memref<8x8x129xf32, #tpu.memory_space<vmem>>[vector<16xi32>, vector<16xi32>, vector<16xi32>], vector<16xf32>,
      %parallel_loop3A_388 = arith.constant 2 : i32
      %parallel_loop3A_389 = arith.index_cast %parallel_loop3A_388 : i32 to index
      %parallel_loop3A_390 = arith.index_cast %parallel_loop3A_357 : i32 to index
      %parallel_loop3A_391 = arith.constant 32 : index
      %parallel_loop3A_392 = tpu.vector_load %arg6[%parallel_loop3A_389, %parallel_loop3A_390, %parallel_loop3A_391] {strides = array<i32>} : memref<4x128x64xf32, #tpu.memory_space<vmem>>, vector<16xf32>,
      %parallel_loop3A_393 = arith.constant 8.000000e+00 : f32
      %parallel_loop3A_394 = vector.broadcast %parallel_loop3A_393 : f32 to vector<16xf32>
      %parallel_loop3A_395 = arith.mulf %parallel_loop3A_392, %parallel_loop3A_394 : vector<16xf32>
      %parallel_loop3A_396 = arith.constant 2 : i32
      %parallel_loop3A_397 = arith.constant 0 : i32
      %parallel_loop3A_398 = arith.constant 0 : i32
      %parallel_loop3A_399 = arith.constant 0 : i32
      %parallel_loop3A_400 = tpu.memref_slice %arg7[%parallel_loop3A_396, %parallel_loop3A_397, %parallel_loop3A_398, %parallel_loop3A_399] : memref<4x8x8x129xf32, #tpu.memory_space<vmem>> -> memref<1x8x8x129xf32, #tpu.memory_space<vmem>>
      %parallel_loop3A_401 = tpu.memref_squeeze %parallel_loop3A_400 : memref<1x8x8x129xf32, #tpu.memory_space<vmem>> -> memref<8x8x129xf32, #tpu.memory_space<vmem>>
      tpu.vector_store_idx %parallel_loop3A_401[%add3A_14, %and3A_20, %parallel_loop3A_359], %parallel_loop3A_395 : memref<8x8x129xf32, #tpu.memory_space<vmem>>[vector<16xi32>, vector<16xi32>, vector<16xi32>], vector<16xf32>,
      %parallel_loop3A_402 = arith.constant 2 : i32
      %parallel_loop3A_403 = arith.index_cast %parallel_loop3A_402 : i32 to index
      %parallel_loop3A_404 = arith.index_cast %parallel_loop3A_357 : i32 to index
      %parallel_loop3A_405 = arith.constant 48 : index
      %parallel_loop3A_406 = tpu.vector_load %arg6[%parallel_loop3A_403, %parallel_loop3A_404, %parallel_loop3A_405] {strides = array<i32>} : memref<4x128x64xf32, #tpu.memory_space<vmem>>, vector<16xf32>,
      %parallel_loop3A_407 = arith.constant 8.000000e+00 : f32
      %parallel_loop3A_408 = vector.broadcast %parallel_loop3A_407 : f32 to vector<16xf32>
      %parallel_loop3A_409 = arith.mulf %parallel_loop3A_406, %parallel_loop3A_408 : vector<16xf32>
      %parallel_loop3A_410 = arith.constant 2 : i32
      %parallel_loop3A_411 = arith.constant 0 : i32
      %parallel_loop3A_412 = arith.constant 0 : i32
      %parallel_loop3A_413 = arith.constant 0 : i32
      %parallel_loop3A_414 = tpu.memref_slice %arg7[%parallel_loop3A_410, %parallel_loop3A_411, %parallel_loop3A_412, %parallel_loop3A_413] : memref<4x8x8x129xf32, #tpu.memory_space<vmem>> -> memref<1x8x8x129xf32, #tpu.memory_space<vmem>>
      %parallel_loop3A_415 = tpu.memref_squeeze %parallel_loop3A_414 : memref<1x8x8x129xf32, #tpu.memory_space<vmem>> -> memref<8x8x129xf32, #tpu.memory_space<vmem>>
      tpu.vector_store_idx %parallel_loop3A_415[%add3A_17, %and3A_20, %parallel_loop3A_359], %parallel_loop3A_409 : memref<8x8x129xf32, #tpu.memory_space<vmem>>[vector<16xi32>, vector<16xi32>, vector<16xi32>], vector<16xf32>,
    } {sc.loop_unroll_factor = 2 : i64, sc.parallel_access}
    %dma_start3A_189 = arith.constant 2 : i32
    %dma_start3A_190 = arith.constant 198 : i32
    %dma_start3A_191 = arith.constant 2 : i32
    %dma_start3A_192 = arith.constant 0 : i32
    %dma_start3A_193 = arith.constant 0 : i32
    %dma_start3A_194 = arith.constant 0 : i32
    %dma_start3A_195 = tpu.memref_slice %arg7[%dma_start3A_189, %dma_start3A_192, %dma_start3A_193, %dma_start3A_194] : memref<4x8x8x129xf32, #tpu.memory_space<vmem>> -> memref<1x8x8x128xf32, #tpu.memory_space<vmem>>
    %dma_start3A_196 = tpu.memref_squeeze %dma_start3A_195 : memref<1x8x8x128xf32, #tpu.memory_space<vmem>> -> memref<8x8x128xf32, #tpu.memory_space<vmem>>
    %dma_start3A_197 = arith.constant 0 : i32
    %dma_start3A_198 = arith.constant 0 : i32
    %dma_start3A_199 = arith.constant 0 : i32
    %dma_start3A_200 = tpu.memref_slice %arg4[%dma_start3A_190, %dma_start3A_197, %add3A, %dma_start3A_198, %dma_start3A_199] : memref<200x8x32x8x128xf32, #tpu.memory_space<hbm>> -> memref<1x8x1x8x128xf32, #tpu.memory_space<hbm>>
    %dma_start3A_201 = tpu.memref_squeeze %dma_start3A_200 : memref<1x8x1x8x128xf32, #tpu.memory_space<hbm>> -> memref<8x8x128xf32, #tpu.memory_space<hbm>>
    %dma_start3A_202 = tpu.memref_slice %arg9[%dma_start3A_191] : memref<4x!tpu.dma_semaphore, #tpu.memory_space<semaphore_mem>> -> memref<1x!tpu.dma_semaphore, #tpu.memory_space<semaphore_mem>>
    %dma_start3A_203 = tpu.memref_squeeze %dma_start3A_202 : memref<1x!tpu.dma_semaphore, #tpu.memory_space<semaphore_mem>> -> memref<!tpu.dma_semaphore, #tpu.memory_space<semaphore_mem>>
    %dma_start3A_204 = arith.constant 0 : i32
    %dma_start3A_205 = arith.constant 0 : i32
    %dma_start3A_206 = arith.constant 0 : i32
    %dma_start3A_207 = tpu.memref_slice %arg4[%dma_start3A_190, %dma_start3A_204, %add3A, %dma_start3A_205, %dma_start3A_206] : memref<200x8x32x8x128xf32, #tpu.memory_space<hbm>> -> memref<1x8x1x8x128xf32, #tpu.memory_space<hbm>>
    %dma_start3A_208 = tpu.memref_squeeze %dma_start3A_207 : memref<1x8x1x8x128xf32, #tpu.memory_space<hbm>> -> memref<8x8x128xf32, #tpu.memory_space<hbm>>
    %dma_start3A_209 = arith.constant 0 : i32
    %dma_start3A_210 = arith.constant 0 : i32
    %dma_start3A_211 = arith.constant 0 : i32
    %dma_start3A_212 = tpu.memref_slice %arg7[%dma_start3A_189, %dma_start3A_209, %dma_start3A_210, %dma_start3A_211] : memref<4x8x8x129xf32, #tpu.memory_space<vmem>> -> memref<1x8x8x128xf32, #tpu.memory_space<vmem>>
    %dma_start3A_213 = tpu.memref_squeeze %dma_start3A_212 : memref<1x8x8x128xf32, #tpu.memory_space<vmem>> -> memref<8x8x128xf32, #tpu.memory_space<vmem>>
    tpu.enqueue_dma source(%dma_start3A_213 : memref<8x8x128xf32, #tpu.memory_space<vmem>>) target(%dma_start3A_208 : memref<8x8x128xf32, #tpu.memory_space<hbm>>) target_semaphore(%dma_start3A_203 : memref<!tpu.dma_semaphore, #tpu.memory_space<semaphore_mem>>)
    %dma_wait3A_214 = arith.constant 199 : i32
    %dma_wait3A_215 = arith.constant 3 : i32
    %dma_wait3A_216 = arith.constant 3 : i32
    %dma_wait3A_217 = arith.constant 0 : i32
    %dma_wait3A_218 = arith.constant 0 : i32
    %dma_wait3A_219 = tpu.memref_slice %arg6[%dma_wait3A_215, %dma_wait3A_217, %dma_wait3A_218] : memref<4x128x64xf32, #tpu.memory_space<vmem>> -> memref<1x128x64xf32, #tpu.memory_space<vmem>>
    %dma_wait3A_220 = tpu.memref_squeeze %dma_wait3A_219 : memref<1x128x64xf32, #tpu.memory_space<vmem>> -> memref<128x64xf32, #tpu.memory_space<vmem>>
    %dma_wait3A_221 = arith.constant 0 : i32
    %dma_wait3A_222 = tpu.memref_slice %arg5[%dma_wait3A_214, %dma_wait3A_221] : memref<200x128xi32, #tpu.memory_space<vmem>> -> memref<1x128xi32, #tpu.memory_space<vmem>>
    %dma_wait3A_223 = tpu.memref_squeeze %dma_wait3A_222 : memref<1x128xi32, #tpu.memory_space<vmem>> -> memref<128xi32, #tpu.memory_space<vmem>>
    %dma_wait3A_224 = arith.constant 0 : i32
    %dma_wait3A_225 = arith.constant 0 : i32
    %dma_wait3A_226 = tpu.memref_slice %arg2[%dma_wait3A_224, %dma_wait3A_225] : memref<100000x64xf32, #tpu.memory_space<hbm>> -> memref<100000x64xf32, #tpu.memory_space<hbm>>
    %dma_wait3A_227 = tpu.memref_slice %arg8[%dma_wait3A_216] : memref<4x!tpu.dma_semaphore, #tpu.memory_space<semaphore_mem>> -> memref<1x!tpu.dma_semaphore, #tpu.memory_space<semaphore_mem>>
    %dma_wait3A_228 = tpu.memref_squeeze %dma_wait3A_227 : memref<1x!tpu.dma_semaphore, #tpu.memory_space<semaphore_mem>> -> memref<!tpu.dma_semaphore, #tpu.memory_space<semaphore_mem>>
    tpu.wait_indirect_dma semaphore(%dma_wait3A_228 : memref<!tpu.dma_semaphore, #tpu.memory_space<semaphore_mem>>) src(%dma_wait3A_226 : memref<100000x64xf32, #tpu.memory_space<hbm>>) dst(%dma_wait3A_220 : memref<128x64xf32, #tpu.memory_space<vmem>>)
    %parallel_loop3A_229 = arith.constant 0 : i32
    %parallel_loop3A_230 = arith.constant 128 : i32
    %parallel_loop3A_231 = arith.constant 1 : i32
    scf.for %parallel_loop3A_357 = %parallel_loop3A_229 to %parallel_loop3A_230 step %parallel_loop3A_231  : i32 {
      %parallel_loop3A_358 = vector.broadcast %parallel_loop3A_357 : i32 to vector<16xi32>
      %parallel_loop3A_359 = arith.addi %broadcast_in_dim3A_22, %parallel_loop3A_358 : vector<16xi32>
      %parallel_loop3A_360 = arith.constant 3 : i32
      %parallel_loop3A_361 = arith.index_cast %parallel_loop3A_360 : i32 to index
      %parallel_loop3A_362 = arith.index_cast %parallel_loop3A_357 : i32 to index
      %parallel_loop3A_363 = arith.constant 0 : index
      %parallel_loop3A_364 = tpu.vector_load %arg6[%parallel_loop3A_361, %parallel_loop3A_362, %parallel_loop3A_363] {strides = array<i32>} : memref<4x128x64xf32, #tpu.memory_space<vmem>>, vector<16xf32>,
      %parallel_loop3A_365 = arith.constant 8.000000e+00 : f32
      %parallel_loop3A_366 = vector.broadcast %parallel_loop3A_365 : f32 to vector<16xf32>
      %parallel_loop3A_367 = arith.mulf %parallel_loop3A_364, %parallel_loop3A_366 : vector<16xf32>
      %parallel_loop3A_368 = arith.constant 3 : i32
      %parallel_loop3A_369 = arith.constant 0 : i32
      %parallel_loop3A_370 = arith.constant 0 : i32
      %parallel_loop3A_371 = arith.constant 0 : i32
      %parallel_loop3A_372 = tpu.memref_slice %arg7[%parallel_loop3A_368, %parallel_loop3A_369, %parallel_loop3A_370, %parallel_loop3A_371] : memref<4x8x8x129xf32, #tpu.memory_space<vmem>> -> memref<1x8x8x129xf32, #tpu.memory_space<vmem>>
      %parallel_loop3A_373 = tpu.memref_squeeze %parallel_loop3A_372 : memref<1x8x8x129xf32, #tpu.memory_space<vmem>> -> memref<8x8x129xf32, #tpu.memory_space<vmem>>
      tpu.vector_store_idx %parallel_loop3A_373[%add3A_8, %and3A_20, %parallel_loop3A_359], %parallel_loop3A_367 : memref<8x8x129xf32, #tpu.memory_space<vmem>>[vector<16xi32>, vector<16xi32>, vector<16xi32>], vector<16xf32>,
      %parallel_loop3A_374 = arith.constant 3 : i32
      %parallel_loop3A_375 = arith.index_cast %parallel_loop3A_374 : i32 to index
      %parallel_loop3A_376 = arith.index_cast %parallel_loop3A_357 : i32 to index
      %parallel_loop3A_377 = arith.constant 16 : index
      %parallel_loop3A_378 = tpu.vector_load %arg6[%parallel_loop3A_375, %parallel_loop3A_376, %parallel_loop3A_377] {strides = array<i32>} : memref<4x128x64xf32, #tpu.memory_space<vmem>>, vector<16xf32>,
      %parallel_loop3A_379 = arith.constant 8.000000e+00 : f32
      %parallel_loop3A_380 = vector.broadcast %parallel_loop3A_379 : f32 to vector<16xf32>
      %parallel_loop3A_381 = arith.mulf %parallel_loop3A_378, %parallel_loop3A_380 : vector<16xf32>
      %parallel_loop3A_382 = arith.constant 3 : i32
      %parallel_loop3A_383 = arith.constant 0 : i32
      %parallel_loop3A_384 = arith.constant 0 : i32
      %parallel_loop3A_385 = arith.constant 0 : i32
      %parallel_loop3A_386 = tpu.memref_slice %arg7[%parallel_loop3A_382, %parallel_loop3A_383, %parallel_loop3A_384, %parallel_loop3A_385] : memref<4x8x8x129xf32, #tpu.memory_space<vmem>> -> memref<1x8x8x129xf32, #tpu.memory_space<vmem>>
      %parallel_loop3A_387 = tpu.memref_squeeze %parallel_loop3A_386 : memref<1x8x8x129xf32, #tpu.memory_space<vmem>> -> memref<8x8x129xf32, #tpu.memory_space<vmem>>
      tpu.vector_store_idx %parallel_loop3A_387[%add3A_11, %and3A_20, %parallel_loop3A_359], %parallel_loop3A_381 : memref<8x8x129xf32, #tpu.memory_space<vmem>>[vector<16xi32>, vector<16xi32>, vector<16xi32>], vector<16xf32>,
      %parallel_loop3A_388 = arith.constant 3 : i32
      %parallel_loop3A_389 = arith.index_cast %parallel_loop3A_388 : i32 to index
      %parallel_loop3A_390 = arith.index_cast %parallel_loop3A_357 : i32 to index
      %parallel_loop3A_391 = arith.constant 32 : index
      %parallel_loop3A_392 = tpu.vector_load %arg6[%parallel_loop3A_389, %parallel_loop3A_390, %parallel_loop3A_391] {strides = array<i32>} : memref<4x128x64xf32, #tpu.memory_space<vmem>>, vector<16xf32>,
      %parallel_loop3A_393 = arith.constant 8.000000e+00 : f32
      %parallel_loop3A_394 = vector.broadcast %parallel_loop3A_393 : f32 to vector<16xf32>
      %parallel_loop3A_395 = arith.mulf %parallel_loop3A_392, %parallel_loop3A_394 : vector<16xf32>
      %parallel_loop3A_396 = arith.constant 3 : i32
      %parallel_loop3A_397 = arith.constant 0 : i32
      %parallel_loop3A_398 = arith.constant 0 : i32
      %parallel_loop3A_399 = arith.constant 0 : i32
      %parallel_loop3A_400 = tpu.memref_slice %arg7[%parallel_loop3A_396, %parallel_loop3A_397, %parallel_loop3A_398, %parallel_loop3A_399] : memref<4x8x8x129xf32, #tpu.memory_space<vmem>> -> memref<1x8x8x129xf32, #tpu.memory_space<vmem>>
      %parallel_loop3A_401 = tpu.memref_squeeze %parallel_loop3A_400 : memref<1x8x8x129xf32, #tpu.memory_space<vmem>> -> memref<8x8x129xf32, #tpu.memory_space<vmem>>
      tpu.vector_store_idx %parallel_loop3A_401[%add3A_14, %and3A_20, %parallel_loop3A_359], %parallel_loop3A_395 : memref<8x8x129xf32, #tpu.memory_space<vmem>>[vector<16xi32>, vector<16xi32>, vector<16xi32>], vector<16xf32>,
      %parallel_loop3A_402 = arith.constant 3 : i32
      %parallel_loop3A_403 = arith.index_cast %parallel_loop3A_402 : i32 to index
      %parallel_loop3A_404 = arith.index_cast %parallel_loop3A_357 : i32 to index
      %parallel_loop3A_405 = arith.constant 48 : index
      %parallel_loop3A_406 = tpu.vector_load %arg6[%parallel_loop3A_403, %parallel_loop3A_404, %parallel_loop3A_405] {strides = array<i32>} : memref<4x128x64xf32, #tpu.memory_space<vmem>>, vector<16xf32>,
      %parallel_loop3A_407 = arith.constant 8.000000e+00 : f32
      %parallel_loop3A_408 = vector.broadcast %parallel_loop3A_407 : f32 to vector<16xf32>
      %parallel_loop3A_409 = arith.mulf %parallel_loop3A_406, %parallel_loop3A_408 : vector<16xf32>
      %parallel_loop3A_410 = arith.constant 3 : i32
      %parallel_loop3A_411 = arith.constant 0 : i32
      %parallel_loop3A_412 = arith.constant 0 : i32
      %parallel_loop3A_413 = arith.constant 0 : i32
      %parallel_loop3A_414 = tpu.memref_slice %arg7[%parallel_loop3A_410, %parallel_loop3A_411, %parallel_loop3A_412, %parallel_loop3A_413] : memref<4x8x8x129xf32, #tpu.memory_space<vmem>> -> memref<1x8x8x129xf32, #tpu.memory_space<vmem>>
      %parallel_loop3A_415 = tpu.memref_squeeze %parallel_loop3A_414 : memref<1x8x8x129xf32, #tpu.memory_space<vmem>> -> memref<8x8x129xf32, #tpu.memory_space<vmem>>
      tpu.vector_store_idx %parallel_loop3A_415[%add3A_17, %and3A_20, %parallel_loop3A_359], %parallel_loop3A_409 : memref<8x8x129xf32, #tpu.memory_space<vmem>>[vector<16xi32>, vector<16xi32>, vector<16xi32>], vector<16xf32>,
    } {sc.loop_unroll_factor = 2 : i64, sc.parallel_access}
    %dma_start3A_232 = arith.constant 3 : i32
    %dma_start3A_233 = arith.constant 199 : i32
    %dma_start3A_234 = arith.constant 3 : i32
    %dma_start3A_235 = arith.constant 0 : i32
    %dma_start3A_236 = arith.constant 0 : i32
    %dma_start3A_237 = arith.constant 0 : i32
    %dma_start3A_238 = tpu.memref_slice %arg7[%dma_start3A_232, %dma_start3A_235, %dma_start3A_236, %dma_start3A_237] : memref<4x8x8x129xf32, #tpu.memory_space<vmem>> -> memref<1x8x8x128xf32, #tpu.memory_space<vmem>>
    %dma_start3A_239 = tpu.memref_squeeze %dma_start3A_238 : memref<1x8x8x128xf32, #tpu.memory_space<vmem>> -> memref<8x8x128xf32, #tpu.memory_space<vmem>>
    %dma_start3A_240 = arith.constant 0 : i32
    %dma_start3A_241 = arith.constant 0 : i32
    %dma_start3A_242 = arith.constant 0 : i32
    %dma_start3A_243 = tpu.memref_slice %arg4[%dma_start3A_233, %dma_start3A_240, %add3A, %dma_start3A_241, %dma_start3A_242] : memref<200x8x32x8x128xf32, #tpu.memory_space<hbm>> -> memref<1x8x1x8x128xf32, #tpu.memory_space<hbm>>
    %dma_start3A_244 = tpu.memref_squeeze %dma_start3A_243 : memref<1x8x1x8x128xf32, #tpu.memory_space<hbm>> -> memref<8x8x128xf32, #tpu.memory_space<hbm>>
    %dma_start3A_245 = tpu.memref_slice %arg9[%dma_start3A_234] : memref<4x!tpu.dma_semaphore, #tpu.memory_space<semaphore_mem>> -> memref<1x!tpu.dma_semaphore, #tpu.memory_space<semaphore_mem>>
    %dma_start3A_246 = tpu.memref_squeeze %dma_start3A_245 : memref<1x!tpu.dma_semaphore, #tpu.memory_space<semaphore_mem>> -> memref<!tpu.dma_semaphore, #tpu.memory_space<semaphore_mem>>
    %dma_start3A_247 = arith.constant 0 : i32
    %dma_start3A_248 = arith.constant 0 : i32
    %dma_start3A_249 = arith.constant 0 : i32
    %dma_start3A_250 = tpu.memref_slice %arg4[%dma_start3A_233, %dma_start3A_247, %add3A, %dma_start3A_248, %dma_start3A_249] : memref<200x8x32x8x128xf32, #tpu.memory_space<hbm>> -> memref<1x8x1x8x128xf32, #tpu.memory_space<hbm>>
    %dma_start3A_251 = tpu.memref_squeeze %dma_start3A_250 : memref<1x8x1x8x128xf32, #tpu.memory_space<hbm>> -> memref<8x8x128xf32, #tpu.memory_space<hbm>>
    %dma_start3A_252 = arith.constant 0 : i32
    %dma_start3A_253 = arith.constant 0 : i32
    %dma_start3A_254 = arith.constant 0 : i32
    %dma_start3A_255 = tpu.memref_slice %arg7[%dma_start3A_232, %dma_start3A_252, %dma_start3A_253, %dma_start3A_254] : memref<4x8x8x129xf32, #tpu.memory_space<vmem>> -> memref<1x8x8x128xf32, #tpu.memory_space<vmem>>
    %dma_start3A_256 = tpu.memref_squeeze %dma_start3A_255 : memref<1x8x8x128xf32, #tpu.memory_space<vmem>> -> memref<8x8x128xf32, #tpu.memory_space<vmem>>
    tpu.enqueue_dma source(%dma_start3A_256 : memref<8x8x128xf32, #tpu.memory_space<vmem>>) target(%dma_start3A_251 : memref<8x8x128xf32, #tpu.memory_space<hbm>>) target_semaphore(%dma_start3A_246 : memref<!tpu.dma_semaphore, #tpu.memory_space<semaphore_mem>>)
    %dma_wait3A_257 = arith.constant 0 : i32
    %dma_wait3A_258 = arith.constant 196 : i32
    %dma_wait3A_259 = arith.constant 0 : i32
    %dma_wait3A_260 = arith.constant 0 : i32
    %dma_wait3A_261 = arith.constant 0 : i32
    %dma_wait3A_262 = arith.constant 0 : i32
    %dma_wait3A_263 = tpu.memref_slice %arg7[%dma_wait3A_257, %dma_wait3A_260, %dma_wait3A_261, %dma_wait3A_262] : memref<4x8x8x129xf32, #tpu.memory_space<vmem>> -> memref<1x8x8x128xf32, #tpu.memory_space<vmem>>
    %dma_wait3A_264 = tpu.memref_squeeze %dma_wait3A_263 : memref<1x8x8x128xf32, #tpu.memory_space<vmem>> -> memref<8x8x128xf32, #tpu.memory_space<vmem>>
    %dma_wait3A_265 = arith.constant 0 : i32
    %dma_wait3A_266 = arith.constant 0 : i32
    %dma_wait3A_267 = arith.constant 0 : i32
    %dma_wait3A_268 = tpu.memref_slice %arg4[%dma_wait3A_258, %dma_wait3A_265, %add3A, %dma_wait3A_266, %dma_wait3A_267] : memref<200x8x32x8x128xf32, #tpu.memory_space<hbm>> -> memref<1x8x1x8x128xf32, #tpu.memory_space<hbm>>
    %dma_wait3A_269 = tpu.memref_squeeze %dma_wait3A_268 : memref<1x8x1x8x128xf32, #tpu.memory_space<hbm>> -> memref<8x8x128xf32, #tpu.memory_space<hbm>>
    %dma_wait3A_270 = tpu.memref_slice %arg9[%dma_wait3A_259] : memref<4x!tpu.dma_semaphore, #tpu.memory_space<semaphore_mem>> -> memref<1x!tpu.dma_semaphore, #tpu.memory_space<semaphore_mem>>
    %dma_wait3A_271 = tpu.memref_squeeze %dma_wait3A_270 : memref<1x!tpu.dma_semaphore, #tpu.memory_space<semaphore_mem>> -> memref<!tpu.dma_semaphore, #tpu.memory_space<semaphore_mem>>
    %dma_wait3A_272 = arith.constant 0 : i32
    %dma_wait3A_273 = arith.constant 0 : i32
    %dma_wait3A_274 = arith.constant 0 : i32
    %dma_wait3A_275 = tpu.memref_slice %arg4[%dma_wait3A_258, %dma_wait3A_272, %add3A, %dma_wait3A_273, %dma_wait3A_274] : memref<200x8x32x8x128xf32, #tpu.memory_space<hbm>> -> memref<1x8x1x8x128xf32, #tpu.memory_space<hbm>>
    %dma_wait3A_276 = tpu.memref_squeeze %dma_wait3A_275 : memref<1x8x1x8x128xf32, #tpu.memory_space<hbm>> -> memref<8x8x128xf32, #tpu.memory_space<hbm>>
    %dma_wait3A_277 = arith.constant 0 : i32
    %dma_wait3A_278 = arith.constant 0 : i32
    %dma_wait3A_279 = arith.constant 0 : i32
    %dma_wait3A_280 = tpu.memref_slice %arg7[%dma_wait3A_257, %dma_wait3A_277, %dma_wait3A_278, %dma_wait3A_279] : memref<4x8x8x129xf32, #tpu.memory_space<vmem>> -> memref<1x8x8x128xf32, #tpu.memory_space<vmem>>
    %dma_wait3A_281 = tpu.memref_squeeze %dma_wait3A_280 : memref<1x8x8x128xf32, #tpu.memory_space<vmem>> -> memref<8x8x128xf32, #tpu.memory_space<vmem>>
    tpu.wait_dma2 semaphore(%dma_wait3A_271 : memref<!tpu.dma_semaphore, #tpu.memory_space<semaphore_mem>>) src(%dma_wait3A_281 : memref<8x8x128xf32, #tpu.memory_space<vmem>>) dst(%dma_wait3A_276 : memref<8x8x128xf32, #tpu.memory_space<hbm>>)
    %dma_wait3A_282 = arith.constant 1 : i32
    %dma_wait3A_283 = arith.constant 197 : i32
    %dma_wait3A_284 = arith.constant 1 : i32
    %dma_wait3A_285 = arith.constant 0 : i32
    %dma_wait3A_286 = arith.constant 0 : i32
    %dma_wait3A_287 = arith.constant 0 : i32
    %dma_wait3A_288 = tpu.memref_slice %arg7[%dma_wait3A_282, %dma_wait3A_285, %dma_wait3A_286, %dma_wait3A_287] : memref<4x8x8x129xf32, #tpu.memory_space<vmem>> -> memref<1x8x8x128xf32, #tpu.memory_space<vmem>>
    %dma_wait3A_289 = tpu.memref_squeeze %dma_wait3A_288 : memref<1x8x8x128xf32, #tpu.memory_space<vmem>> -> memref<8x8x128xf32, #tpu.memory_space<vmem>>
    %dma_wait3A_290 = arith.constant 0 : i32
    %dma_wait3A_291 = arith.constant 0 : i32
    %dma_wait3A_292 = arith.constant 0 : i32
    %dma_wait3A_293 = tpu.memref_slice %arg4[%dma_wait3A_283, %dma_wait3A_290, %add3A, %dma_wait3A_291, %dma_wait3A_292] : memref<200x8x32x8x128xf32, #tpu.memory_space<hbm>> -> memref<1x8x1x8x128xf32, #tpu.memory_space<hbm>>
    %dma_wait3A_294 = tpu.memref_squeeze %dma_wait3A_293 : memref<1x8x1x8x128xf32, #tpu.memory_space<hbm>> -> memref<8x8x128xf32, #tpu.memory_space<hbm>>
    %dma_wait3A_295 = tpu.memref_slice %arg9[%dma_wait3A_284] : memref<4x!tpu.dma_semaphore, #tpu.memory_space<semaphore_mem>> -> memref<1x!tpu.dma_semaphore, #tpu.memory_space<semaphore_mem>>
    %dma_wait3A_296 = tpu.memref_squeeze %dma_wait3A_295 : memref<1x!tpu.dma_semaphore, #tpu.memory_space<semaphore_mem>> -> memref<!tpu.dma_semaphore, #tpu.memory_space<semaphore_mem>>
    %dma_wait3A_297 = arith.constant 0 : i32
    %dma_wait3A_298 = arith.constant 0 : i32
    %dma_wait3A_299 = arith.constant 0 : i32
    %dma_wait3A_300 = tpu.memref_slice %arg4[%dma_wait3A_283, %dma_wait3A_297, %add3A, %dma_wait3A_298, %dma_wait3A_299] : memref<200x8x32x8x128xf32, #tpu.memory_space<hbm>> -> memref<1x8x1x8x128xf32, #tpu.memory_space<hbm>>
    %dma_wait3A_301 = tpu.memref_squeeze %dma_wait3A_300 : memref<1x8x1x8x128xf32, #tpu.memory_space<hbm>> -> memref<8x8x128xf32, #tpu.memory_space<hbm>>
    %dma_wait3A_302 = arith.constant 0 : i32
    %dma_wait3A_303 = arith.constant 0 : i32
    %dma_wait3A_304 = arith.constant 0 : i32
    %dma_wait3A_305 = tpu.memref_slice %arg7[%dma_wait3A_282, %dma_wait3A_302, %dma_wait3A_303, %dma_wait3A_304] : memref<4x8x8x129xf32, #tpu.memory_space<vmem>> -> memref<1x8x8x128xf32, #tpu.memory_space<vmem>>
    %dma_wait3A_306 = tpu.memref_squeeze %dma_wait3A_305 : memref<1x8x8x128xf32, #tpu.memory_space<vmem>> -> memref<8x8x128xf32, #tpu.memory_space<vmem>>
    tpu.wait_dma2 semaphore(%dma_wait3A_296 : memref<!tpu.dma_semaphore, #tpu.memory_space<semaphore_mem>>) src(%dma_wait3A_306 : memref<8x8x128xf32, #tpu.memory_space<vmem>>) dst(%dma_wait3A_301 : memref<8x8x128xf32, #tpu.memory_space<hbm>>)
    %dma_wait3A_307 = arith.constant 2 : i32
    %dma_wait3A_308 = arith.constant 198 : i32
    %dma_wait3A_309 = arith.constant 2 : i32
    %dma_wait3A_310 = arith.constant 0 : i32
    %dma_wait3A_311 = arith.constant 0 : i32
    %dma_wait3A_312 = arith.constant 0 : i32
    %dma_wait3A_313 = tpu.memref_slice %arg7[%dma_wait3A_307, %dma_wait3A_310, %dma_wait3A_311, %dma_wait3A_312] : memref<4x8x8x129xf32, #tpu.memory_space<vmem>> -> memref<1x8x8x128xf32, #tpu.memory_space<vmem>>
    %dma_wait3A_314 = tpu.memref_squeeze %dma_wait3A_313 : memref<1x8x8x128xf32, #tpu.memory_space<vmem>> -> memref<8x8x128xf32, #tpu.memory_space<vmem>>
    %dma_wait3A_315 = arith.constant 0 : i32
    %dma_wait3A_316 = arith.constant 0 : i32
    %dma_wait3A_317 = arith.constant 0 : i32
    %dma_wait3A_318 = tpu.memref_slice %arg4[%dma_wait3A_308, %dma_wait3A_315, %add3A, %dma_wait3A_316, %dma_wait3A_317] : memref<200x8x32x8x128xf32, #tpu.memory_space<hbm>> -> memref<1x8x1x8x128xf32, #tpu.memory_space<hbm>>
    %dma_wait3A_319 = tpu.memref_squeeze %dma_wait3A_318 : memref<1x8x1x8x128xf32, #tpu.memory_space<hbm>> -> memref<8x8x128xf32, #tpu.memory_space<hbm>>
    %dma_wait3A_320 = tpu.memref_slice %arg9[%dma_wait3A_309] : memref<4x!tpu.dma_semaphore, #tpu.memory_space<semaphore_mem>> -> memref<1x!tpu.dma_semaphore, #tpu.memory_space<semaphore_mem>>
    %dma_wait3A_321 = tpu.memref_squeeze %dma_wait3A_320 : memref<1x!tpu.dma_semaphore, #tpu.memory_space<semaphore_mem>> -> memref<!tpu.dma_semaphore, #tpu.memory_space<semaphore_mem>>
    %dma_wait3A_322 = arith.constant 0 : i32
    %dma_wait3A_323 = arith.constant 0 : i32
    %dma_wait3A_324 = arith.constant 0 : i32
    %dma_wait3A_325 = tpu.memref_slice %arg4[%dma_wait3A_308, %dma_wait3A_322, %add3A, %dma_wait3A_323, %dma_wait3A_324] : memref<200x8x32x8x128xf32, #tpu.memory_space<hbm>> -> memref<1x8x1x8x128xf32, #tpu.memory_space<hbm>>
    %dma_wait3A_326 = tpu.memref_squeeze %dma_wait3A_325 : memref<1x8x1x8x128xf32, #tpu.memory_space<hbm>> -> memref<8x8x128xf32, #tpu.memory_space<hbm>>
    %dma_wait3A_327 = arith.constant 0 : i32
    %dma_wait3A_328 = arith.constant 0 : i32
    %dma_wait3A_329 = arith.constant 0 : i32
    %dma_wait3A_330 = tpu.memref_slice %arg7[%dma_wait3A_307, %dma_wait3A_327, %dma_wait3A_328, %dma_wait3A_329] : memref<4x8x8x129xf32, #tpu.memory_space<vmem>> -> memref<1x8x8x128xf32, #tpu.memory_space<vmem>>
    %dma_wait3A_331 = tpu.memref_squeeze %dma_wait3A_330 : memref<1x8x8x128xf32, #tpu.memory_space<vmem>> -> memref<8x8x128xf32, #tpu.memory_space<vmem>>
    tpu.wait_dma2 semaphore(%dma_wait3A_321 : memref<!tpu.dma_semaphore, #tpu.memory_space<semaphore_mem>>) src(%dma_wait3A_331 : memref<8x8x128xf32, #tpu.memory_space<vmem>>) dst(%dma_wait3A_326 : memref<8x8x128xf32, #tpu.memory_space<hbm>>)
    %dma_wait3A_332 = arith.constant 3 : i32
    %dma_wait3A_333 = arith.constant 199 : i32
    %dma_wait3A_334 = arith.constant 3 : i32
    %dma_wait3A_335 = arith.constant 0 : i32
    %dma_wait3A_336 = arith.constant 0 : i32
    %dma_wait3A_337 = arith.constant 0 : i32
    %dma_wait3A_338 = tpu.memref_slice %arg7[%dma_wait3A_332, %dma_wait3A_335, %dma_wait3A_336, %dma_wait3A_337] : memref<4x8x8x129xf32, #tpu.memory_space<vmem>> -> memref<1x8x8x128xf32, #tpu.memory_space<vmem>>
    %dma_wait3A_339 = tpu.memref_squeeze %dma_wait3A_338 : memref<1x8x8x128xf32, #tpu.memory_space<vmem>> -> memref<8x8x128xf32, #tpu.memory_space<vmem>>
    %dma_wait3A_340 = arith.constant 0 : i32
    %dma_wait3A_341 = arith.constant 0 : i32
    %dma_wait3A_342 = arith.constant 0 : i32
    %dma_wait3A_343 = tpu.memref_slice %arg4[%dma_wait3A_333, %dma_wait3A_340, %add3A, %dma_wait3A_341, %dma_wait3A_342] : memref<200x8x32x8x128xf32, #tpu.memory_space<hbm>> -> memref<1x8x1x8x128xf32, #tpu.memory_space<hbm>>
    %dma_wait3A_344 = tpu.memref_squeeze %dma_wait3A_343 : memref<1x8x1x8x128xf32, #tpu.memory_space<hbm>> -> memref<8x8x128xf32, #tpu.memory_space<hbm>>
    %dma_wait3A_345 = tpu.memref_slice %arg9[%dma_wait3A_334] : memref<4x!tpu.dma_semaphore, #tpu.memory_space<semaphore_mem>> -> memref<1x!tpu.dma_semaphore, #tpu.memory_space<semaphore_mem>>
    %dma_wait3A_346 = tpu.memref_squeeze %dma_wait3A_345 : memref<1x!tpu.dma_semaphore, #tpu.memory_space<semaphore_mem>> -> memref<!tpu.dma_semaphore, #tpu.memory_space<semaphore_mem>>
    %dma_wait3A_347 = arith.constant 0 : i32
    %dma_wait3A_348 = arith.constant 0 : i32
    %dma_wait3A_349 = arith.constant 0 : i32
    %dma_wait3A_350 = tpu.memref_slice %arg4[%dma_wait3A_333, %dma_wait3A_347, %add3A, %dma_wait3A_348, %dma_wait3A_349] : memref<200x8x32x8x128xf32, #tpu.memory_space<hbm>> -> memref<1x8x1x8x128xf32, #tpu.memory_space<hbm>>
    %dma_wait3A_351 = tpu.memref_squeeze %dma_wait3A_350 : memref<1x8x1x8x128xf32, #tpu.memory_space<hbm>> -> memref<8x8x128xf32, #tpu.memory_space<hbm>>
    %dma_wait3A_352 = arith.constant 0 : i32
    %dma_wait3A_353 = arith.constant 0 : i32
    %dma_wait3A_354 = arith.constant 0 : i32
    %dma_wait3A_355 = tpu.memref_slice %arg7[%dma_wait3A_332, %dma_wait3A_352, %dma_wait3A_353, %dma_wait3A_354] : memref<4x8x8x129xf32, #tpu.memory_space<vmem>> -> memref<1x8x8x128xf32, #tpu.memory_space<vmem>>
    %dma_wait3A_356 = tpu.memref_squeeze %dma_wait3A_355 : memref<1x8x8x128xf32, #tpu.memory_space<vmem>> -> memref<8x8x128xf32, #tpu.memory_space<vmem>>
    tpu.wait_dma2 semaphore(%dma_wait3A_346 : memref<!tpu.dma_semaphore, #tpu.memory_space<semaphore_mem>>) src(%dma_wait3A_356 : memref<8x8x128xf32, #tpu.memory_space<vmem>>) dst(%dma_wait3A_351 : memref<8x8x128xf32, #tpu.memory_space<hbm>>)
    return
  }
}

</mosaic_0001>

<sc_bundles>
// kernel: kernel.3.cloned.1.call-start
scs
__scs_entry_jumppad:
0x0: {  	(pc) =	sbr.rel $0x88, $3  }
0x1: {  	(tag) =	ssettag $0x0;
	lr =	simm.s32 $0x1  }
0x2: {  	[smem:$0x3F9F] =	sst lr;
	_ =	strace $0xD0000000  }
0x3: {  	_ = 	snop  }
0x4: {  	_ = 	snop  }
0x5: {  	_ = 	snop  }
0x6: {  	_ = 	snop  }
0x7: {  	_ = 	snop  }
__scs_overlays_trampoline_lowered:
0x8: {  	[smem:$0x3FAE] =	sst s0  }
0x9: {  	[smem:$0x3FAF] =	sst s1  }
0xa: {  	[smem:$0x3FB0] =	sst s2  }
0xb: {  	[smem:$0x3FB1] =	sst s3  }
0xc: {  	[smem:$0x3FB2] =	sst s4  }
0xd: {  	[smem:$0x3FB3] =	sst s5  }
0xe: {  	[smem:$0x3FB4] =	sst s6  }
0xf: {  	[smem:$0x3FB5] =	sst s7  }
0x10: {  	[smem:$0x3FB6] =	sst s8  }
0x11: {  	[smem:$0x3FB7] =	sst s9;
	s0 =	simm.s32 @!p0 $0x0  }
0x12: {  	s1 =	sld [smem:$0x3F9D];
	s0 =	simm.s32 @p0 $0x1  }
0x13: {  	[smem:$0x3FB8] =	sst s0;
	s0 =	simm.s32 @!p1 $0x0  }
0x14: {  	s2 =	sld [smem:$0x3F9C];
	s0 =	simm.s32 @p1 $0x1  }
0x15: {  	[smem:$0x3FB9] =	sst s0;
	s0 =	simm.s32 @!p2 $0x0  }
0x16: {  	s3 =	sld [smem:$0x3FDB];
	s0 =	simm.s32 @p2 $0x1  }
0x17: {  	s4 =	simm.s32 $0x1BF5;
	[smem:$0x3FBB] =	sst s0  }
0x18: {  	s0 =	sld [smem:$0x3F9E];
	_ =	swait.ge [sflag:s4], $0x0  }
0x19: {  	s7 =	sld [smem:$0x3F9F]  }
0x1a: {  	s8 =	sadd.s32 $0xFFFFE003, lr  }
0x1b: {  	s9 =	sadd.s32 $0xFFFFFEF7, lr;
	s5 =	simm.s32 $0xFFFFFFFF;
	p2 =	slt.u32 s8, $0xFFFFF086  }
0x1c: {  	p1 =	slt.u32 s9, $0xF7A;
	s5 =	simm.s32 @!p2 $0x0  }
0x1d: {  	s5 =	simm.s32 @p1 $0x1;
	p0 =	seq.s32 s7, s2  }
0x1e: {  	s7 =	smul.u32 @!p0 $0xF7A, s2;
	p2 =	seq.s32 @!p0 s5, $0x0  }
0x1f: {  	s9 =	smul.u32 $0xF7A, s1;
	s8 =	simm.s32 @!p0 $0x1BF5;
	p2 =	por !p2, p0  }
0x20: {  	[sflag:s8] =	ssyncset.s32 @!p0 $0xFFFFF086;
	s6 =	sadd.s32 @!p0 s3, s7;
	s7 =	simm.s32 @!p0 $0x108  }
0x21: {  	s3 =	sadd.s32 s3, s9;
	s6 =	sadd.s32 @!p0 $0x88, s6;
	s7 =	simm.s32 @p2 $0x1082  }
0x22: {  	[simem:s7], [sflag:s8] =	dma.local @!p0 [hbm:s6], $0xF7A  }
0x23: {  	s9 =	sor.u32 $0xD0000000, s2;
	s6 =	simm.s32 $0x108;
	_ =	swait.ge @!p0 [sflag:s8], $0x0  }
0x24: {  	s3 =	sadd.s32 $0x88, s3;
	s6 =	simm.s32 @!p1 $0x1082;
	[sflag:s4] =	ssyncset.s32 $0xFFFFF086  }
0x25: {  	[simem:s6], [sflag:s4] =	dma.local [hbm:s3], $0xF7A  }
0x26: {  	[smem:$0x3F9F] =	sst s1;
	(tag) =	ssettag s2;
	_ =	strace s9  }
0x27: {  	s1 =	sld [smem:$0x3FAF]  }
0x28: {  	s2 =	sld [smem:$0x3FB0]  }
0x29: {  	s4 =	sld [smem:$0x3FB2]  }
0x2a: {  	p0 =	seq.s32 s5, $0x0;
	s5 =	sld [smem:$0x3FB3]  }
0x2b: {  	s6 =	sld [smem:$0x3FB4]  }
0x2c: {  	s7 =	sld [smem:$0x3FB5]  }
0x2d: {  	s3 =	simm.s32 $0x108;
	s8 =	sld [smem:$0x3FB6]  }
0x2e: {  	s3 =	simm.s32 @!p0 $0x1082;
	s9 =	sld [smem:$0x3FB7]  }
0x2f: {  	lr =	sadd.s32 s0, s3;
	s0 =	sld [smem:$0x3FAE]  }
0x30: {  	s3 =	sld [smem:$0x3FB1]  }
0x31: {  	[smem:$0x3FBA] =	sst s10  }
0x32: {  	s10 =	sld [smem:$0x3FB8];
	_ =	sdelay $0x3  }
0x33: {  	p0 =	seq.s32 s10, $0x1;
	s10 =	sld [smem:$0x3FBA];
	_ =	sdelay $0x3  }
0x34: {  	[smem:$0x3FBA] =	sst s10  }
0x35: {  	s10 =	sld [smem:$0x3FB9];
	_ =	sdelay $0x3  }
0x36: {  	p1 =	seq.s32 s10, $0x1;
	s10 =	sld [smem:$0x3FBA];
	_ =	sdelay $0x3  }
0x37: {  	[smem:$0x3FBA] =	sst s10  }
0x38: {  	s10 =	sld [smem:$0x3FBB]  }
0x39: {  	_ = 	snop;
	(pc) =	sbr.ind lr, $3  }
0x3a: {  	_ = 	snop  }
0x3b: {  	_ = 	snop  }
0x3c: {  	p2 =	seq.s32 s10, $0x1;
	s10 =	sld [smem:$0x3FBA]  }
0x3d: {  	_ =	shalt  }
0x3e: {  	_ =	shalt  }
0x3f: {  	_ =	shalt  }
0x40: {  	_ =	shalt  }
0x41: {  	_ =	shalt  }
0x42: {  	_ =	shalt  }
0x43: {  	_ =	shalt  }
0x44: {  	_ =	shalt  }
0x45: {  	_ =	shalt  }
0x46: {  	_ =	shalt  }
0x47: {  	_ =	shalt  }
0x48: {  	_ =	shalt  }
0x49: {  	_ =	shalt  }
0x4a: {  	_ =	shalt  }
0x4b: {  	_ =	shalt  }
0x4c: {  	_ =	shalt  }
0x4d: {  	_ =	shalt  }
0x4e: {  	_ =	shalt  }
0x4f: {  	_ =	shalt  }
0x50: {  	_ =	shalt  }
0x51: {  	_ =	shalt  }
0x52: {  	_ =	shalt  }
0x53: {  	_ =	shalt  }
0x54: {  	_ =	shalt  }
0x55: {  	_ =	shalt  }
0x56: {  	_ =	shalt  }
0x57: {  	_ =	shalt  }
0x58: {  	_ =	shalt  }
0x59: {  	_ =	shalt  }
0x5a: {  	_ =	shalt  }
0x5b: {  	_ =	shalt  }
0x5c: {  	_ =	shalt  }
0x5d: {  	_ =	shalt  }
0x5e: {  	_ =	shalt  }
0x5f: {  	_ =	shalt  }
0x60: {  	_ =	shalt  }
0x61: {  	_ =	shalt  }
0x62: {  	_ =	shalt  }
0x63: {  	_ =	shalt  }
0x64: {  	_ =	shalt  }
0x65: {  	_ =	shalt  }
0x66: {  	_ =	shalt  }
0x67: {  	_ =	shalt  }
0x68: {  	_ =	shalt  }
0x69: {  	_ =	shalt  }
0x6a: {  	_ =	shalt  }
0x6b: {  	_ =	shalt  }
0x6c: {  	_ =	shalt  }
0x6d: {  	_ =	shalt  }
0x6e: {  	_ =	shalt  }
0x6f: {  	_ =	shalt  }
0x70: {  	_ =	shalt  }
0x71: {  	_ =	shalt  }
0x72: {  	_ =	shalt  }
0x73: {  	_ =	shalt  }
0x74: {  	_ =	shalt  }
0x75: {  	_ =	shalt  }
0x76: {  	_ =	shalt  }
0x77: {  	_ =	shalt  }
0x78: {  	_ =	shalt  }
0x79: {  	_ =	shalt  }
0x7a: {  	_ =	shalt  }
0x7b: {  	_ =	shalt  }
0x7c: {  	_ =	shalt  }
0x7d: {  	_ =	shalt  }
0x7e: {  	_ =	shalt  }
0x7f: {  	_ =	shalt  }
0x80: {  	_ =	shalt  }
0x81: {  	_ =	shalt  }
0x82: {  	_ =	shalt  }
0x83: {  	_ =	shalt  }
0x84: {  	_ =	shalt  }
0x85: {  	_ =	shalt  }
0x86: {  	_ =	shalt  }
0x87: {  	_ =	shalt  }
.Lfunc_end0:
.L_simem_size_0:
called_computation_lowered:
.L_overlay_start_0:
0x88: {  	s2 =	sld [smem:$0x3FD9]  }
0x89: {  	s3 =	sld [smem:$0x3FFE];
	_ =	sdelay $0x1  }
0x8a: {  	s1 =	srdreg.scid  }
0x8b: {  	s0 =	sand.u32 $0x1, s1  }
0x8c: {  	s17 =	sshll.u32 s0, $0xA;
	s2 =	sadd.s32 s3, s2  }
0x8d: {  	s2 =	sadd.s32 s2, s17  }
0x8e: {  	[smem:$0x3FC6] =	sst s2  }
0x8f: {  	_ = 	snop  }
0x90: {  	s2 =	sld [smem:$0x3FD0];
	(tm) =	ssettm $0x1  }
0x91: {  	s18 =	sld [smem:$0x3FFB];
	_ =	sdelay $0x3  }
0x92: {  	_ =	strace s18  }
0x93: {  	s3 =	sld [smem:$0x3FFC];
	_ =	sdelay $0x3  }
0x94: {  	_ =	strace s3  }
0x95: {  	s3 =	sld [smem:$0x3FFD];
	_ =	sdelay $0x3  }
0x96: {  	_ =	strace s3  }
0x97: {  	_ =	strace $0x8FFFFFFF  }
0x98: {  	s19 =	sld [smem:$0x3FDB];
	_ =	sdelay $0x1  }
0x99: {  	s4 =	simm.s32 $_scs_section_size  }
0x9a: {  	s5 =	simm.s32 $_size__tile_overlayer_lowered;
	s6 =	simm.s32 $_tile_overlayer_lowered  }
0x9b: {  	s22 =	simm.s32 $0x1BFF;
	s21 =	sshll.u32 s6, $0x1;
	s3 =	sadd.s32 s4, s19  }
0x9c: {  	s7 =	simm.s32 $0x0;
	s20 =	sshll.u32 s5, $0x1;
	s5 =	sadd.s32 s21, s3  }
0x9d: {  	[timem:s7], [sflag:s22] =	dma.local [hbm:s5], s20  }
0x9e: {  	_ =	swait.ge [sflag:s22], s20  }
0x9f: {  	s4 =	ssub.s32 $0x0, s20;
	[sflag:s22] =	ssyncset.done $0x0  }
0xa0: {  	[sflag:s22] =	ssyncadd.s32 s4;
	_ =	sdelay $0x1  }
0xa1: {  	s23 =	simm.s32 $0x1B8B  }
0xa2: {  	_ =	swait.ge [sflag:s23], $0x1  }
0xa3: {  	[sflag:s23] =	ssyncset.done $0x0  }
0xa4: {  	s25 =	simm.s32 $0x1B8E;
	s24 =	sld [smem:$0x3FFE];
	[sflag:s23] =	ssyncadd.s32 $0xFFFFFFFF  }
0xa5: {  	s26 =	simm.s32 $execute0_lowered;
	[smem:$0x3FD2] =	sst s25  }
0xa6: {  	s5 =	sshll.u32 s26, $0x1;
	_ =	strace $0x80000046;
	[dreg:$0x1] =	wrdreg $0xFFFFFFFF  }
0xa7: {  	s28 =	simm.s32 $_size_execute0_lowered;
	s3 =	sadd.s32 s3, s5;
	[dreg:$0x0] =	wrdreg $0x0  }
0xa8: {  	s5 =	sshll.u32 s28, $0x1;
	[dreg:$0x2] =	wrdreg s3  }
0xa9: {  	[dreg:$0x3] =	wrdreg s5  }
0xaa: {  	[dreg:$0x4] =	wrdreg $0xC0  }
0xab: {  	_ =	task [dreg:s7], $0x5FFFF  }
0xac: {  	[dreg:$0x1] =	wrdreg $0xFFFFFFFF  }
0xad: {  	[dreg:$0x0] =	wrdreg $0x60  }
0xae: {  	[dreg:$0x2] =	wrdreg s24  }
0xaf: {  	[dreg:$0x3] =	wrdreg s2  }
0xb0: {  	[dreg:$0x4] =	wrdreg $0x9  }
0xb1: {  	_ =	task.clear_ibuf [dreg:s7], $0x5FFFF;
	_ =	strace $0x90000046  }
0xb2: {  	s29 =	simm.s32 $0x9;
	_ =	strace $0x80000048  }
0xb3: {  	_ =	swait.ge [sflag:s29], $0x1  }
0xb4: {  	[sflag:s29] =	ssyncadd.s32 $0xFFFFFFFF  }
0xb5: {  	_ =	strace $0x90000048  }
0xb6: {  	_ =	sfence  }
0xb7: {  	s30 =	sld [smem:$0x0];
	_ =	sdelay $0x2  }
0xb8: {  	s31 =	sshll.u32 s1, $0xD;
	s1 =	sshrl.u32 s1, $0x2  }
0xb9: {  	s3 =	sand.u32 $0x4000, s31;
	s1 =	sadd.s32 s1, s30  }
0xba: {  	s0 =	sor.u32 s3, s0;
	s1 =	sshll.u32 s1, $0x11  }
0xbb: {  	s0 =	sor.u32 s1, s0  }
0xbc: {  	s0 =	sadd.s32 $0x8F2B, s0  }
0xbd: {  	[sflag:s0] =	ssyncadd.remote.s32 $0x1  }
0xbe: {  	_ =	sfence.sel $0xFFFF  }
0xbf: {  	[dreg:$0x0] =	wrdreg $0xFFFFFFFF;
	(pc) =	sbr.abs _section_cstart, $3  }
0xc0: {  	[dreg:$0x1] =	wrdreg $0xFFFFFFFF  }
0xc1: {  	_ =	task.clear_ibuf [dreg:s7], $0x2FFFF;
	_ =	strace $0x9FFFFFFF  }
0xc2: {  	(tm) =	ssettm $0x7FFFFFFF  }
0xc3: {  	_ =	shalt  }
tec
execute0_lowered:
.L_overlay_start_1:
0x0: {  	(tag) =	ssettag $0x1  }
0x1: {  	s0 =	rddreg [dreg:$0x0];
	s1 =	srdreg.scid  }
0x2: {  	s3 =	stileid.u32;
	s2 =	rddreg [dreg:$0x1]  }
0x3: {  	s15 =	simm.s32 $0x80;
	s20 =	simm.s32 $0x1;
	s21 =	simm.s32 $0xE400  }
0x4: {  	s28 =	simm.s32 $0x3;
	s29 =	simm.s32 $0x12800;
	s30 =	simm.s32 $0x6  }
0x5: {  	s31 =	simm.s32 $0x4;
	s1 =	sand.u32 $0x1, s1;
	s4 =	sshll.u32 s3, $0x1  }
0x6: {  	s18 =	simm.s32 $0x8;
	s3 =	simm.s32 $0x0;
	s5 =	sor.u32 s1, s4  }
0x7: {  	[smem:$0x7FF] =	sst s3;
	s1 =	ssub.s32 $0x2, s1;
	s4 =	sadd.s32 $0x19800, s0  }
0x8: {  	s6 =	smul.u32 $0xC80, s5;
	s7 =	sshrl.u32 s1, $0x1;
	s22 =	sshll.u32 s5, $0x7  }
0x9: {  	_ =	strace $0x80000047;
	s1 =	ssub.s32 s1, s7;
	s23 =	sadd.s32 s2, s22  }
0xa: {  	s7 =	simm.s32 $0x0;
	s0 =	sadd.s32 s6, s0;
	s6 =	sshll.u32 s5, $0xA  }
0xb: {  	s24 =	sadd.s32 $0x8000, s23;
	s25 =	sadd.s32 $0x630000, s23;
	[dreg:$0x4] =	wrdreg s23  }
0xc: {  	s26 =	smax.u32 s1, $0x1;
	s1 =	simm.s32 $0x14A00;
	[dreg:$0x5] =	wrdreg s24  }
0xd: {  	v0 =	vlaneseq.u32;
	s0 =	sadd.s32 $0x800, s0;
	s9 =	sor.u32 $0xFFF80000, s6;
	[dreg:$0x6] =	wrdreg s25  }
0xe: {  	v0 =	vmul.u32 $0x88, v0;
	s10 =	sor.u32 $0xFFFC0000, s6;
	[dreg:$0x8] =	wrdreg s26;
	s24 =	simm.s32 $0x2  }
0xf: {  	s25 =	simm.s32 $0x10600;
	[dreg:$0x3] =	wrdreg s0;
	s0 =	sadd.s32 $0x638000, s23  }
0x10: {  	v1 =	vadd.s32 $0x880, v0;
	v2 =	vadd.s32 $0x1100, v0;
	v3 =	vadd.s32 $0x1980, v0;
	s26 =	simm.s32 $0x5;
	[dreg:$0x7] =	wrdreg s0;
	s0 =	simm.s32 $0x7  }
.LBB2_1:
0x11: {  	[dreg:$0x9] =	wrdreg s7  }
0x12: {  	s5 =	rddreg [dreg:$0x3];
	s7 =	simm.s32 $0x9  }
0x13: {  	[tilespmem:s3], [sflag:$0x9] =	stream.linear.gather [hbm4b:s5+s3], $0x6400, $0x38;
	[tilespmem:$0x16C00] =	vst v63  }
0x14: {  	_ =	swait.ge [sflag:s7], $0x6400  }
0x15: {  	[sflag:s7] =	ssyncset.done $0x0  }
0x16: {  	s8 =	simm.s32 $0x6400;
	[sflag:s7] =	ssyncadd.s32 $0xFFFF9C00  }
0x17: {  	[tilespmem:s8], [sflag:$0x1] =	stream.indirect.gather [hbm4b:s4+s15], $0x40, s3, s15, $0xb8;
	[tilespmem:$0x16C00] =	vst v63  }
0x18: {  	s11 =	simm.s32 $0x8400  }
0x19: {  	[tilespmem:s11], [sflag:$0x2] =	stream.indirect.gather [hbm4b:s4+s15], $0x40, s15, s15, $0xb8;
	[tilespmem:$0x16C00] =	vst v63  }
0x1a: {  	s12 =	simm.s32 $0x100;
	s13 =	simm.s32 $0xA400  }
0x1b: {  	[tilespmem:s13], [sflag:$0x3] =	stream.indirect.gather [hbm4b:s4+s15], $0x40, s12, s15, $0xb8;
	[tilespmem:$0x16C00] =	vst v63  }
0x1c: {  	_ =	swait.ge [sflag:s20], $0x2000  }
0x1d: {  	[sflag:s20] =	ssyncset.done $0x0  }
0x1e: {  	s14 =	simm.s32 $0x6440;
	s16 =	simm.s32 $0x1;
	[sflag:s20] =	ssyncadd.s32 $0xFFFFE000  }
0x1f: {  	v4 =	vmov s16;
	v5 =	vld [tilespmem:s14+$0x0]  }
0x20: {  	v9 =	vand.u32 $0x7F, v4  }
0x21: {  	v4 =	vadd.s32 v0, v9;
	_ =	sdelay $0x1  }
0x22: {  	v6 =	vmov s3;
	v7 =	vld [tilespmem:s14+$0xFFFFFFC0]  }
0x23: {  	v14 =	vand.u32 $0x7E, v6;
	v5 =	vmul.f32 $8.000000000e+00, v5  }
0x24: {  	s5 =	simm.s32 $0x64C0;
	v6 =	vadd.s32 v0, v14;
	s8 =	simm.s32 $0x3  }
0x25: {  	v8 =	vld [tilespmem:s5+$0x0];
	[tilespmem:v4+s21+$0x0] =	vst.idx.msk $0xffff, v5;
	v4 =	vmov s8  }
0x26: {  	v4 =	vand.u32 $0x7F, v4;
	v10 =	vld [tilespmem:s14+$0x10]  }
0x27: {  	v5 =	vmul.f32 $8.000000000e+00, v7;
	v7 =	vadd.s32 v0, v4  }
0x28: {  	s17 =	simm.s32 $0x2;
	v11 =	vadd.s32 v1, v9  }
0x29: {  	v12 =	vld [tilespmem:s5+$0xFFFFFFC0];
	[tilespmem:v6+s21+$0x0] =	vst.idx.msk $0xffff, v5;
	v5 =	vmov s17  }
0x2a: {  	v6 =	vmul.f32 $8.000000000e+00, v8;
	v5 =	vand.u32 $0x7E, v5;
	v8 =	vld [tilespmem:s14+$0xFFFFFFD0]  }
0x2b: {  	s11 =	simm.s32 $0x5;
	s8 =	simm.s32 $0x6540;
	v13 =	vadd.s32 v0, v5;
	v10 =	vmul.f32 $8.000000000e+00, v10  }
0x2c: {  	v15 =	vld [tilespmem:s8+$0x0];
	[tilespmem:v7+s21+$0x0] =	vst.idx.msk $0xffff, v6;
	v7 =	vadd.s32 v1, v14;
	v6 =	vmov s11  }
0x2d: {  	[tilespmem:v11+s21+$0x0] =	vst.idx.msk $0xffff, v10;
	v6 =	vand.u32 $0x7F, v6;
	v10 =	vld [tilespmem:s5+$0x10]  }
0x2e: {  	v11 =	vmul.f32 $8.000000000e+00, v12;
	v12 =	vadd.s32 v0, v6;
	v16 =	vld [tilespmem:s14+$0x20]  }
0x2f: {  	s19 =	simm.s32 $0x4;
	v17 =	vadd.s32 v1, v4;
	v8 =	vmul.f32 $8.000000000e+00, v8  }
0x30: {  	v18 =	vadd.s32 v2, v9;
	[tilespmem:v13+s21+$0x0] =	vst.idx.msk $0xffff, v11;
	v11 =	vmov s19;
	v13 =	vld [tilespmem:s8+$0xFFFFFFC0]  }
0x31: {  	[tilespmem:v7+s21+$0x0] =	vst.idx.msk $0xffff, v8;
	v7 =	vand.u32 $0x7E, v11;
	v8 =	vmul.f32 $8.000000000e+00, v15;
	v11 =	vld [tilespmem:s5+$0xFFFFFFD0]  }
0x32: {  	s12 =	simm.s32 $0x7;
	s11 =	simm.s32 $0x65C0;
	v15 =	vadd.s32 v0, v7;
	v10 =	vmul.f32 $8.000000000e+00, v10;
	v19 =	vld [tilespmem:s14+$0xFFFFFFE0]  }
0x33: {  	v20 =	vld [tilespmem:s11+$0x0];
	[tilespmem:v12+s21+$0x0] =	vst.idx.msk $0xffff, v8;
	v12 =	vadd.s32 v1, v5;
	v16 =	vmul.f32 $8.000000000e+00, v16;
	v8 =	vmov s12  }
0x34: {  	[tilespmem:v17+s21+$0x0] =	vst.idx.msk $0xffff, v10;
	v10 =	vadd.s32 v2, v14;
	v8 =	vand.u32 $0x7F, v8;
	v17 =	vld [tilespmem:s8+$0x10]  }
0x35: {  	v13 =	vmul.f32 $8.000000000e+00, v13;
	[tilespmem:v18+s21+$0x0] =	vst.idx.msk $0xffff, v16;
	v16 =	vadd.s32 v0, v8;
	v18 =	vld [tilespmem:s5+$0x20]  }
0x36: {  	s22 =	simm.s32 $0x6;
	v21 =	vadd.s32 v1, v6;
	v11 =	vmul.f32 $8.000000000e+00, v11;
	v22 =	vld [tilespmem:s14+$0x30]  }
0x37: {  	v23 =	vadd.s32 v2, v4;
	[tilespmem:v15+s21+$0x0] =	vst.idx.msk $0xffff, v13;
	v13 =	vmul.f32 $8.000000000e+00, v19;
	v15 =	vld [tilespmem:s11+$0xFFFFFFC0];
	v19 =	vmov s22  }
0x38: {  	v25 =	vadd.s32 v3, v9;
	[tilespmem:v12+s21+$0x0] =	vst.idx.msk $0xffff, v11;
	v12 =	vmul.f32 $8.000000000e+00, v20;
	v24 =	vld [tilespmem:s8+$0xFFFFFFD0];
	v9 =	vand.u32 $0x7E, v19  }
0x39: {  	[tilespmem:v10+s21+$0x0] =	vst.idx.msk $0xffff, v13;
	v10 =	vmul.f32 $8.000000000e+00, v17;
	v11 =	vld [tilespmem:s5+$0xFFFFFFE0];
	v17 =	vadd.s32 v0, v9  }
0x3a: {  	s23 =	simm.s32 $0x9;
	s13 =	simm.s32 $0x6640;
	[tilespmem:v16+s21+$0x0] =	vst.idx.msk $0xffff, v12;
	v20 =	vmul.f32 $8.000000000e+00, v18;
	v12 =	vld [tilespmem:s14+$0xFFFFFFF0];
	v16 =	vadd.s32 v1, v7  }
0x3b: {  	v19 =	vld [tilespmem:s13+$0x0];
	v13 =	vadd.s32 v2, v5;
	v18 =	vmov s23;
	[tilespmem:v21+s21+$0x0] =	vst.idx.msk $0xffff, v10;
	v26 =	vmul.f32 $8.000000000e+00, v22  }
0x3c: {  	v14 =	vadd.s32 v3, v14;
	v10 =	vand.u32 $0x7F, v18;
	v18 =	vld [tilespmem:s11+$0x10];
	v22 =	vmul.f32 $8.000000000e+00, v15;
	[tilespmem:v23+s21+$0x0] =	vst.idx.msk $0xffff, v20  }
0x3d: {  	s7 =	simm.s32 $0xA;
	s12 =	simm.s32 $0x6640;
	s14 =	simm.s32 $0x8;
	v20 =	vadd.s32 v0, v10;
	v15 =	vld [tilespmem:s8+$0x20];
	v21 =	vmul.f32 $8.000000000e+00, v24;
	[tilespmem:v25+s21+$0x0] =	vst.idx.msk $0xffff, v26  }
.LBB2_2:
0x3e: {  	p0 =	slt.u32 s7, $0x7E;
	[tilespmem:v17+s21+$0x0] =	vst.idx.msk $0xffff, v22;
	v22 =	vadd.s32 v1, v8;
	v11 =	vmul.f32 $8.000000000e+00, v11;
	v23 =	vld [tilespmem:s5+$0x30]  }
0x3f: {  	v17 =	vmov s14;
	s14 =	smov.u32 s7;
	v24 =	vld [tilespmem:s13+$0xFFFFFFC0];
	[tilespmem:v16+s21+$0x0] =	vst.idx.msk $0xffff, v21;
	v21 =	vadd.s32 v2, v6;
	v12 =	vmul.f32 $8.000000000e+00, v12  }
0x40: {  	v27 =	vadd.s32 v3, v4;
	v4 =	vmovc v6;
	v25 =	vand.u32 $0x7E, v17;
	v16 =	vmul.f32 $8.000000000e+00, v19;
	v26 =	vld [tilespmem:s11+$0xFFFFFFD0];
	[tilespmem:v13+s21+$0x0] =	vst.idx.msk $0xffff, v11  }
.Ltmp0:
0x41: {  	v6 =	vmovc v8;
	v8 =	vmov v10;
	v17 =	vadd.s32 v0, v25;
	v13 =	vmul.f32 $8.000000000e+00, v18;
	v11 =	vld [tilespmem:s8+$0xFFFFFFE0];
	[tilespmem:v14+s21+$0x0] =	vst.idx.msk $0xffff, v12;
	(pc) =	sbr.rel @p0 .LBB2_2-.Ltmp0, $4  }
0x42: {  	s16 =	sadd.s32 $0x1, s7;
	s13 =	sadd.s32 $0x80, s13;
	[tilespmem:v20+s21+$0x0] =	vst.idx.msk $0xffff, v16;
	v16 =	vadd.s32 v1, v9;
	v14 =	vmul.f32 $8.000000000e+00, v15;
	v12 =	vld [tilespmem:s5+$0xFFFFFFF0];
	s5 =	smov.u32 s8  }
0x43: {  	v10 =	vmov s16;
	s8 =	smov.u32 s11;
	s11 =	smov.u32 s12;
	s12 =	smov.u32 s13;
	v19 =	vld [tilespmem:s13+$0x0];
	[tilespmem:v22+s21+$0x0] =	vst.idx.msk $0xffff, v13;
	v13 =	vadd.s32 v2, v7;
	v23 =	vmul.f32 $8.000000000e+00, v23  }
0x44: {  	v10 =	vand.u32 $0x7F, v10;
	v22 =	vmul.f32 $8.000000000e+00, v24;
	v18 =	vld [tilespmem:s11+$0x10];
	[tilespmem:v21+s21+$0x0] =	vst.idx.msk $0xffff, v14;
	v14 =	vadd.s32 v3, v5;
	v5 =	vmovc v7  }
0x45: {  	s7 =	sadd.s32 $0x2, s7;
	v20 =	vadd.s32 v0, v10;
	v7 =	vmovc v9;
	v9 =	vmov v25;
	v21 =	vmul.f32 $8.000000000e+00, v26;
	v15 =	vld [tilespmem:s8+$0x20];
	[tilespmem:v27+s21+$0x0] =	vst.idx.msk $0xffff, v23  }
0x46: {  	v23 =	vmov s14;
	v24 =	vld [tilespmem:s13+$0xFFFFFFC0]  }
0x47: {  	v23 =	vand.u32 $0x7E, v23  }
0x48: {  	v25 =	vadd.s32 v0, v23;
	_ =	sdelay $0x1  }
0x49: {  	v19 =	vmul.f32 $8.000000000e+00, v19  }
0x4a: {  	[tilespmem:v17+s21+$0x0] =	vst.idx.msk $0xffff, v22;
	v62 =	vmul.f32 $8.000000000e+00, v24  }
0x4b: {  	v22 =	vld [tilespmem:s11+$0xFFFFFFD0];
	[tilespmem:v20+s21+$0x0] =	vst.idx.msk $0xffff, v19  }
0x4c: {  	v63 =	vadd.s32 v1, v8;
	v20 =	vld [tilespmem:s12+$0x10];
	[tilespmem:v25+s21+$0x0] =	vst.idx.msk $0xffff, v62  }
0x4d: {  	v28 =	vadd.s32 v1, v9;
	v29 =	vld [tilespmem:s12+$0xFFFFFFD0]  }
0x4e: {  	v30 =	vadd.s32 v1, v10  }
0x4f: {  	v26 =	vadd.s32 v1, v23;
	v18 =	vmul.f32 $8.000000000e+00, v18  }
0x50: {  	[tilespmem:v16+s21+$0x0] =	vst.idx.msk $0xffff, v21;
	v31 =	vmul.f32 $8.000000000e+00, v22  }
0x51: {  	v32 =	vld [tilespmem:s8+$0xFFFFFFE0];
	[tilespmem:v63+s21+$0x0] =	vst.idx.msk $0xffff, v18;
	v33 =	vmul.f32 $8.000000000e+00, v20  }
0x52: {  	v34 =	vadd.s32 v2, v6;
	v35 =	vld [tilespmem:s11+$0x20];
	[tilespmem:v28+s21+$0x0] =	vst.idx.msk $0xffff, v31;
	v36 =	vmul.f32 $8.000000000e+00, v29  }
0x53: {  	v11 =	vmul.f32 $8.000000000e+00, v11;
	v37 =	vadd.s32 v2, v7;
	v38 =	vld [tilespmem:s11+$0xFFFFFFE0];
	[tilespmem:v30+s21+$0x0] =	vst.idx.msk $0xffff, v33  }
0x54: {  	v39 =	vadd.s32 v2, v8;
	v12 =	vmul.f32 $8.000000000e+00, v12;
	v40 =	vld [tilespmem:s12+$0x20];
	[tilespmem:v26+s21+$0x0] =	vst.idx.msk $0xffff, v36  }
0x55: {  	v42 =	vadd.s32 v2, v9;
	[tilespmem:v13+s21+$0x0] =	vst.idx.msk $0xffff, v11;
	v41 =	vmul.f32 $8.000000000e+00, v15;
	v43 =	vld [tilespmem:s12+$0xFFFFFFE0]  }
0x56: {  	v44 =	vld [tilespmem:s5+$0x30];
	v46 =	vadd.s32 v2, v10;
	[tilespmem:v14+s21+$0x0] =	vst.idx.msk $0xffff, v12;
	v45 =	vmul.f32 $8.000000000e+00, v32  }
0x57: {  	v49 =	vadd.s32 v2, v23;
	v47 =	vld [tilespmem:s5+$0xFFFFFFF0];
	[tilespmem:v34+s21+$0x0] =	vst.idx.msk $0xffff, v41;
	v48 =	vmul.f32 $8.000000000e+00, v35  }
0x58: {  	v4 =	vadd.s32 v3, v4;
	[tilespmem:v37+s21+$0x0] =	vst.idx.msk $0xffff, v45;
	v20 =	vld [tilespmem:s8+$0x30];
	v50 =	vmul.f32 $8.000000000e+00, v38  }
0x59: {  	v5 =	vadd.s32 v3, v5;
	v51 =	vld [tilespmem:s8+$0xFFFFFFF0];
	[tilespmem:v39+s21+$0x0] =	vst.idx.msk $0xffff, v48;
	v52 =	vmul.f32 $8.000000000e+00, v40  }
0x5a: {  	v53 =	vadd.s32 v3, v6;
	v54 =	vld [tilespmem:s11+$0x30];
	[tilespmem:v42+s21+$0x0] =	vst.idx.msk $0xffff, v50;
	v55 =	vmul.f32 $8.000000000e+00, v43  }
0x5b: {  	v57 =	vadd.s32 v3, v7;
	v56 =	vmul.f32 $8.000000000e+00, v44;
	v58 =	vld [tilespmem:s11+$0xFFFFFFF0];
	[tilespmem:v46+s21+$0x0] =	vst.idx.msk $0xffff, v52  }
0x5c: {  	v60 =	vadd.s32 v3, v8;
	v59 =	vmul.f32 $8.000000000e+00, v47;
	v14 =	vld [tilespmem:s12+$0x30];
	[tilespmem:v49+s21+$0x0] =	vst.idx.msk $0xffff, v55  }
0x5d: {  	v61 =	vadd.s32 v3, v9;
	[tilespmem:v4+s21+$0x0] =	vst.idx.msk $0xffff, v56;
	v4 =	vmul.f32 $8.000000000e+00, v20;
	v12 =	vld [tilespmem:s12+$0xFFFFFFF0]  }
0x5e: {  	v62 =	vadd.s32 v3, v10;
	[tilespmem:v5+s21+$0x0] =	vst.idx.msk $0xffff, v59;
	v5 =	vmul.f32 $8.000000000e+00, v51  }
0x5f: {  	v63 =	vadd.s32 v3, v23;
	[tilespmem:v53+s21+$0x0] =	vst.idx.msk $0xffff, v4;
	v4 =	vmul.f32 $8.000000000e+00, v54  }
0x60: {  	[tilespmem:v57+s21+$0x0] =	vst.idx.msk $0xffff, v5;
	v5 =	vmul.f32 $8.000000000e+00, v58  }
0x61: {  	[tilespmem:v60+s21+$0x0] =	vst.idx.msk $0xffff, v4;
	v4 =	vmul.f32 $8.000000000e+00, v14  }
0x62: {  	[tilespmem:v61+s21+$0x0] =	vst.idx.msk $0xffff, v5;
	v5 =	vmul.f32 $8.000000000e+00, v12  }
0x63: {  	[tilespmem:v62+s21+$0x0] =	vst.idx.msk $0xffff, v4  }
0x64: {  	[tilespmem:v63+s21+$0x0] =	vst.idx.msk $0xffff, v5  }
0x65: {  	s22 =	simm.s32 $0xE400;
	s13 =	rddreg [dreg:$0x4]  }
0x66: {  	[hbm4b:s13+s3] =	stream.linear.scatter [tilespmem:s22], [sflag:$0x5], $0x80, $0x38;
	[tilespmem:$0x16C00] =	vst v63  }
0x67: {  	s23 =	simm.s32 $0xE488;
	s7 =	sadd.s32 $0x10, s13  }
0x68: {  	[hbm4b:s7+s3] =	stream.linear.scatter [tilespmem:s23], [sflag:$0x5], $0x80, $0x38;
	[tilespmem:$0x16C00] =	vst v63  }
0x69: {  	s14 =	simm.s32 $0xE620;
	s8 =	sadd.s32 $0x20, s13;
	s7 =	simm.s32 $0xE510  }
0x6a: {  	[hbm4b:s8+s3] =	stream.linear.scatter [tilespmem:s7], [sflag:$0x5], $0x80, $0x38;
	[tilespmem:$0x16C00] =	vst v63  }
0x6b: {  	s17 =	simm.s32 $0xE6A8;
	s11 =	simm.s32 $0xE598;
	s12 =	sadd.s32 $0x30, s13  }
0x6c: {  	[hbm4b:s12+s3] =	stream.linear.scatter [tilespmem:s11], [sflag:$0x5], $0x80, $0x38;
	[tilespmem:$0x16C00] =	vst v63  }
0x6d: {  	s5 =	simm.s32 $0x440;
	s16 =	sadd.s32 $0x40, s13;
	s19 =	sadd.s32 $0x50, s13  }
0x6e: {  	[hbm4b:s16+s3] =	stream.linear.scatter [tilespmem:s14], [sflag:$0x5], $0x80, $0x38;
	[tilespmem:$0x16C00] =	vst v63  }
0x6f: {  	s22 =	simm.s32 $0xE730;
	s23 =	sadd.s32 $0x60, s13;
	s8 =	simm.s32 $0x2200  }
0x70: {  	[hbm4b:s19+s3] =	stream.linear.scatter [tilespmem:s17], [sflag:$0x5], $0x80, $0x38;
	[tilespmem:$0x16C00] =	vst v63  }
0x71: {  	s7 =	sadd.s32 $0x1000, s13;
	s11 =	simm.s32 $0xE7B8;
	s12 =	sadd.s32 $0x70, s13  }
0x72: {  	[hbm4b:s23+s3] =	stream.linear.scatter [tilespmem:s22], [sflag:$0x5], $0x80, $0x38;
	[tilespmem:$0x16C00] =	vst v63  }
.LBB2_4:
0x73: {  	[hbm4b:s12+s3] =	stream.linear.scatter [tilespmem:s11], [sflag:$0x5], $0x80, $0x38;
	[tilespmem:$0x16C00] =	vst v63  }
0x74: {  	s11 =	smov.u32 s5;
	s5 =	smov.u32 s8  }
0x75: {  	s13 =	sadd.s32 $0x1100, s8;
	s5 =	sshra.s32 s5, $0x2;
	s12 =	sadd.s32 $0xE400, s11  }
0x76: {  	[hbm4b:s7+s3] =	stream.linear.scatter [tilespmem:s12], [sflag:$0x5], $0x80, $0x38;
	[tilespmem:$0x16C00] =	vst v63  }
0x77: {  	p0 =	sne.s32 s8, $0x7700;
	s8 =	sadd.s32 $0xE488, s11;
	s12 =	sadd.s32 $0x10, s7  }
0x78: {  	[hbm4b:s12+s3] =	stream.linear.scatter [tilespmem:s8], [sflag:$0x5], $0x80, $0x38;
	[tilespmem:$0x16C00] =	vst v63  }
0x79: {  	s8 =	sadd.s32 $0xE510, s11;
	s12 =	sadd.s32 $0x20, s7  }
0x7a: {  	[hbm4b:s12+s3] =	stream.linear.scatter [tilespmem:s8], [sflag:$0x5], $0x80, $0x38;
	[tilespmem:$0x16C00] =	vst v63  }
0x7b: {  	s8 =	sadd.s32 $0xE598, s11;
	s12 =	sadd.s32 $0x30, s7  }
0x7c: {  	[hbm4b:s12+s3] =	stream.linear.scatter [tilespmem:s8], [sflag:$0x5], $0x80, $0x38;
	[tilespmem:$0x16C00] =	vst v63  }
0x7d: {  	s8 =	sadd.s32 $0xE620, s11;
	s12 =	sadd.s32 $0x40, s7  }
0x7e: {  	[hbm4b:s12+s3] =	stream.linear.scatter [tilespmem:s8], [sflag:$0x5], $0x80, $0x38;
	[tilespmem:$0x16C00] =	vst v63  }
.Ltmp1:
0x7f: {  	s8 =	sadd.s32 $0xE6A8, s11;
	s12 =	sadd.s32 $0x50, s7;
	(pc) =	sbr.rel @p0 .LBB2_4-.Ltmp1, $4  }
0x80: {  	[hbm4b:s12+s3] =	stream.linear.scatter [tilespmem:s8], [sflag:$0x5], $0x80, $0x38;
	[tilespmem:$0x16C00] =	vst v63  }
0x81: {  	s8 =	sadd.s32 $0xE730, s11;
	s12 =	sadd.s32 $0x60, s7;
	s11 =	sadd.s32 $0xE7B8, s11  }
0x82: {  	[hbm4b:s12+s3] =	stream.linear.scatter [tilespmem:s8], [sflag:$0x5], $0x80, $0x38;
	[tilespmem:$0x16C00] =	vst v63  }
0x83: {  	s12 =	sadd.s32 $0x70, s7;
	s7 =	sadd.s32 $0x1000, s7;
	s8 =	smov.u32 s13  }
0x84: {  	[hbm4b:s12+s3] =	stream.linear.scatter [tilespmem:s11], [sflag:$0x5], $0x80, $0x38;
	[tilespmem:$0x16C00] =	vst v63  }
0x85: {  	s8 =	sadd.s32 $0xE400, s5  }
0x86: {  	[hbm4b:s7+s3] =	stream.linear.scatter [tilespmem:s8], [sflag:$0x5], $0x80, $0x38;
	[tilespmem:$0x16C00] =	vst v63  }
0x87: {  	s14 =	sadd.s32 $0xE488, s5;
	s16 =	sadd.s32 $0x10, s7  }
0x88: {  	[hbm4b:s16+s3] =	stream.linear.scatter [tilespmem:s14], [sflag:$0x5], $0x80, $0x38;
	[tilespmem:$0x16C00] =	vst v63  }
0x89: {  	s17 =	sadd.s32 $0xE510, s5;
	s19 =	sadd.s32 $0x20, s7  }
0x8a: {  	[hbm4b:s19+s3] =	stream.linear.scatter [tilespmem:s17], [sflag:$0x5], $0x80, $0x38;
	[tilespmem:$0x16C00] =	vst v63  }
0x8b: {  	s22 =	sadd.s32 $0xE598, s5;
	s23 =	sadd.s32 $0x30, s7  }
0x8c: {  	[hbm4b:s23+s3] =	stream.linear.scatter [tilespmem:s22], [sflag:$0x5], $0x80, $0x38;
	[tilespmem:$0x16C00] =	vst v63  }
0x8d: {  	s12 =	sadd.s32 $0xE620, s5;
	s13 =	sadd.s32 $0x40, s7  }
0x8e: {  	[hbm4b:s13+s3] =	stream.linear.scatter [tilespmem:s12], [sflag:$0x5], $0x80, $0x38;
	[tilespmem:$0x16C00] =	vst v63  }
0x8f: {  	s14 =	sadd.s32 $0xE6A8, s5;
	s16 =	sadd.s32 $0x50, s7  }
0x90: {  	[hbm4b:s16+s3] =	stream.linear.scatter [tilespmem:s14], [sflag:$0x5], $0x80, $0x38;
	[tilespmem:$0x16C00] =	vst v63  }
0x91: {  	s17 =	sadd.s32 $0xE730, s5;
	s19 =	sadd.s32 $0x60, s7  }
0x92: {  	[hbm4b:s19+s3] =	stream.linear.scatter [tilespmem:s17], [sflag:$0x5], $0x80, $0x38;
	[tilespmem:$0x16C00] =	vst v63  }
0x93: {  	s22 =	sadd.s32 $0xE7B8, s5;
	s23 =	sadd.s32 $0x70, s7  }
0x94: {  	[hbm4b:s23+s3] =	stream.linear.scatter [tilespmem:s22], [sflag:$0x5], $0x80, $0x38;
	[tilespmem:$0x16C00] =	vst v63  }
0x95: {  	s8 =	simm.s32 $0xC400;
	s7 =	simm.s32 $0x180  }
0x96: {  	[tilespmem:s8], [sflag:$0x4] =	stream.indirect.gather [hbm4b:s4+s15], $0x40, s7, s15, $0xb8;
	[tilespmem:$0x16C00] =	vst v63  }
0x97: {  	_ =	swait.ge [sflag:s24], $0x2000  }
0x98: {  	[sflag:s24] =	ssyncset.done $0x0  }
0x99: {  	s11 =	simm.s32 $0x1;
	s7 =	simm.s32 $0x8470;
	[sflag:s24] =	ssyncadd.s32 $0xFFFFE000  }
0x9a: {  	v4 =	vmov s11;
	v5 =	vld [tilespmem:s7+$0xFFFFFFD0]  }
0x9b: {  	v9 =	vand.u32 $0x7F, v4  }
0x9c: {  	v4 =	vadd.s32 v0, v9  }
0x9d: {  	s12 =	simm.s32 $0x0  }
0x9e: {  	v6 =	vmov s12;
	v7 =	vld [tilespmem:s7+$0xFFFFFF90]  }
0x9f: {  	v14 =	vand.u32 $0x7E, v6;
	v5 =	vmul.f32 $8.000000000e+00, v5  }
0xa0: {  	s5 =	simm.s32 $0x84F0;
	s13 =	simm.s32 $0x3;
	v6 =	vadd.s32 v0, v14  }
0xa1: {  	v8 =	vld [tilespmem:s5+$0xFFFFFFD0];
	[tilespmem:v4+s25+$0x0] =	vst.idx.msk $0xffff, v5;
	v4 =	vmov s13  }
0xa2: {  	v4 =	vand.u32 $0x7F, v4;
	v10 =	vld [tilespmem:s7+$0xFFFFFFE0]  }
0xa3: {  	v5 =	vmul.f32 $8.000000000e+00, v7;
	v7 =	vadd.s32 v0, v4  }
0xa4: {  	v11 =	vadd.s32 v1, v9;
	s14 =	simm.s32 $0x2  }
0xa5: {  	v12 =	vld [tilespmem:s5+$0xFFFFFF90];
	[tilespmem:v6+s25+$0x0] =	vst.idx.msk $0xffff, v5;
	v5 =	vmov s14  }
0xa6: {  	v6 =	vmul.f32 $8.000000000e+00, v8;
	v5 =	vand.u32 $0x7E, v5;
	v8 =	vld [tilespmem:s7+$0xFFFFFFA0]  }
0xa7: {  	s16 =	simm.s32 $0x5;
	s8 =	simm.s32 $0x8570;
	v13 =	vadd.s32 v0, v5;
	v10 =	vmul.f32 $8.000000000e+00, v10  }
0xa8: {  	v15 =	vld [tilespmem:s8+$0xFFFFFFD0];
	[tilespmem:v7+s25+$0x0] =	vst.idx.msk $0xffff, v6;
	v7 =	vadd.s32 v1, v14;
	v6 =	vmov s16  }
0xa9: {  	[tilespmem:v11+s25+$0x0] =	vst.idx.msk $0xffff, v10;
	v6 =	vand.u32 $0x7F, v6;
	v10 =	vld [tilespmem:s5+$0xFFFFFFE0]  }
0xaa: {  	v11 =	vmul.f32 $8.000000000e+00, v12;
	v12 =	vadd.s32 v0, v6;
	v16 =	vld [tilespmem:s7+$0xFFFFFFF0]  }
0xab: {  	s17 =	simm.s32 $0x4;
	v17 =	vadd.s32 v1, v4;
	v8 =	vmul.f32 $8.000000000e+00, v8  }
0xac: {  	v18 =	vadd.s32 v2, v9;
	[tilespmem:v13+s25+$0x0] =	vst.idx.msk $0xffff, v11;
	v11 =	vmov s17;
	v13 =	vld [tilespmem:s8+$0xFFFFFF90]  }
0xad: {  	[tilespmem:v7+s25+$0x0] =	vst.idx.msk $0xffff, v8;
	v7 =	vand.u32 $0x7E, v11;
	v8 =	vmul.f32 $8.000000000e+00, v15;
	v11 =	vld [tilespmem:s5+$0xFFFFFFA0]  }
0xae: {  	s11 =	simm.s32 $0x85F0;
	s19 =	simm.s32 $0x7;
	v15 =	vadd.s32 v0, v7;
	v10 =	vmul.f32 $8.000000000e+00, v10;
	v19 =	vld [tilespmem:s7+$0xFFFFFFB0]  }
0xaf: {  	v20 =	vld [tilespmem:s11+$0xFFFFFFD0];
	[tilespmem:v12+s25+$0x0] =	vst.idx.msk $0xffff, v8;
	v12 =	vadd.s32 v1, v5;
	v16 =	vmul.f32 $8.000000000e+00, v16;
	v8 =	vmov s19  }
0xb0: {  	[tilespmem:v17+s25+$0x0] =	vst.idx.msk $0xffff, v10;
	v10 =	vadd.s32 v2, v14;
	v8 =	vand.u32 $0x7F, v8;
	v17 =	vld [tilespmem:s8+$0xFFFFFFE0]  }
0xb1: {  	v13 =	vmul.f32 $8.000000000e+00, v13;
	[tilespmem:v18+s25+$0x0] =	vst.idx.msk $0xffff, v16;
	v16 =	vadd.s32 v0, v8;
	v18 =	vld [tilespmem:s5+$0xFFFFFFF0]  }
0xb2: {  	s22 =	simm.s32 $0x6;
	v21 =	vadd.s32 v1, v6;
	v11 =	vmul.f32 $8.000000000e+00, v11;
	v22 =	vld [tilespmem:s7+$0x0]  }
0xb3: {  	v23 =	vadd.s32 v2, v4;
	[tilespmem:v15+s25+$0x0] =	vst.idx.msk $0xffff, v13;
	v13 =	vmul.f32 $8.000000000e+00, v19;
	v15 =	vld [tilespmem:s11+$0xFFFFFF90];
	v19 =	vmov s22  }
0xb4: {  	v25 =	vadd.s32 v3, v9;
	[tilespmem:v12+s25+$0x0] =	vst.idx.msk $0xffff, v11;
	v12 =	vmul.f32 $8.000000000e+00, v20;
	v24 =	vld [tilespmem:s8+$0xFFFFFFA0];
	v9 =	vand.u32 $0x7E, v19  }
0xb5: {  	[tilespmem:v10+s25+$0x0] =	vst.idx.msk $0xffff, v13;
	v10 =	vmul.f32 $8.000000000e+00, v17;
	v11 =	vld [tilespmem:s5+$0xFFFFFFB0];
	v17 =	vadd.s32 v0, v9  }
0xb6: {  	s23 =	simm.s32 $0x9;
	s13 =	simm.s32 $0x8670;
	[tilespmem:v16+s25+$0x0] =	vst.idx.msk $0xffff, v12;
	v20 =	vmul.f32 $8.000000000e+00, v18;
	v12 =	vld [tilespmem:s7+$0xFFFFFFC0];
	v16 =	vadd.s32 v1, v7  }
0xb7: {  	v19 =	vld [tilespmem:s13+$0xFFFFFFD0];
	v13 =	vadd.s32 v2, v5;
	v18 =	vmov s23;
	[tilespmem:v21+s25+$0x0] =	vst.idx.msk $0xffff, v10;
	v26 =	vmul.f32 $8.000000000e+00, v22  }
0xb8: {  	v14 =	vadd.s32 v3, v14;
	v10 =	vand.u32 $0x7F, v18;
	v18 =	vld [tilespmem:s11+$0xFFFFFFE0];
	v22 =	vmul.f32 $8.000000000e+00, v15;
	[tilespmem:v23+s25+$0x0] =	vst.idx.msk $0xffff, v20  }
0xb9: {  	s12 =	simm.s32 $0x8670;
	s14 =	simm.s32 $0x8;
	s7 =	simm.s32 $0xA;
	v20 =	vadd.s32 v0, v10;
	v15 =	vld [tilespmem:s8+$0xFFFFFFF0];
	v21 =	vmul.f32 $8.000000000e+00, v24;
	[tilespmem:v25+s25+$0x0] =	vst.idx.msk $0xffff, v26  }
.LBB2_6:
0xba: {  	p0 =	slt.u32 s7, $0x7E;
	[tilespmem:v17+s25+$0x0] =	vst.idx.msk $0xffff, v22;
	v22 =	vadd.s32 v1, v8;
	v11 =	vmul.f32 $8.000000000e+00, v11;
	v23 =	vld [tilespmem:s5+$0x0]  }
0xbb: {  	v17 =	vmov s14;
	s14 =	smov.u32 s7;
	v24 =	vld [tilespmem:s13+$0xFFFFFF90];
	[tilespmem:v16+s25+$0x0] =	vst.idx.msk $0xffff, v21;
	v21 =	vadd.s32 v2, v6;
	v12 =	vmul.f32 $8.000000000e+00, v12  }
0xbc: {  	v27 =	vadd.s32 v3, v4;
	v4 =	vmovc v6;
	v25 =	vand.u32 $0x7E, v17;
	v16 =	vmul.f32 $8.000000000e+00, v19;
	v26 =	vld [tilespmem:s11+$0xFFFFFFA0];
	[tilespmem:v13+s25+$0x0] =	vst.idx.msk $0xffff, v11  }
.Ltmp2:
0xbd: {  	v6 =	vmovc v8;
	v8 =	vmov v10;
	v17 =	vadd.s32 v0, v25;
	v13 =	vmul.f32 $8.000000000e+00, v18;
	v11 =	vld [tilespmem:s8+$0xFFFFFFB0];
	[tilespmem:v14+s25+$0x0] =	vst.idx.msk $0xffff, v12;
	(pc) =	sbr.rel @p0 .LBB2_6-.Ltmp2, $4  }
0xbe: {  	s16 =	sadd.s32 $0x1, s7;
	s13 =	sadd.s32 $0x80, s13;
	[tilespmem:v20+s25+$0x0] =	vst.idx.msk $0xffff, v16;
	v16 =	vadd.s32 v1, v9;
	v14 =	vmul.f32 $8.000000000e+00, v15;
	v12 =	vld [tilespmem:s5+$0xFFFFFFC0];
	s5 =	smov.u32 s8  }
0xbf: {  	v10 =	vmov s16;
	s8 =	smov.u32 s11;
	s11 =	smov.u32 s12;
	s12 =	smov.u32 s13;
	v19 =	vld [tilespmem:s13+$0xFFFFFFD0];
	[tilespmem:v22+s25+$0x0] =	vst.idx.msk $0xffff, v13;
	v13 =	vadd.s32 v2, v7;
	v23 =	vmul.f32 $8.000000000e+00, v23  }
0xc0: {  	v10 =	vand.u32 $0x7F, v10;
	v22 =	vmul.f32 $8.000000000e+00, v24;
	v18 =	vld [tilespmem:s11+$0xFFFFFFE0];
	[tilespmem:v21+s25+$0x0] =	vst.idx.msk $0xffff, v14;
	v14 =	vadd.s32 v3, v5;
	v5 =	vmovc v7  }
0xc1: {  	s7 =	sadd.s32 $0x2, s7;
	v20 =	vadd.s32 v0, v10;
	v7 =	vmovc v9;
	v9 =	vmov v25;
	v21 =	vmul.f32 $8.000000000e+00, v26;
	v15 =	vld [tilespmem:s8+$0xFFFFFFF0];
	[tilespmem:v27+s25+$0x0] =	vst.idx.msk $0xffff, v23  }
0xc2: {  	v23 =	vmov s14;
	v24 =	vld [tilespmem:s13+$0xFFFFFF90]  }
0xc3: {  	v23 =	vand.u32 $0x7E, v23  }
0xc4: {  	v25 =	vadd.s32 v0, v23;
	_ =	sdelay $0x1  }
0xc5: {  	v19 =	vmul.f32 $8.000000000e+00, v19  }
0xc6: {  	[tilespmem:v17+s25+$0x0] =	vst.idx.msk $0xffff, v22;
	v62 =	vmul.f32 $8.000000000e+00, v24  }
0xc7: {  	v22 =	vld [tilespmem:s11+$0xFFFFFFA0];
	[tilespmem:v20+s25+$0x0] =	vst.idx.msk $0xffff, v19  }
0xc8: {  	v63 =	vadd.s32 v1, v8;
	v20 =	vld [tilespmem:s12+$0xFFFFFFE0];
	[tilespmem:v25+s25+$0x0] =	vst.idx.msk $0xffff, v62  }
0xc9: {  	v28 =	vadd.s32 v1, v9;
	v29 =	vld [tilespmem:s12+$0xFFFFFFA0]  }
0xca: {  	v30 =	vadd.s32 v1, v10  }
0xcb: {  	v26 =	vadd.s32 v1, v23;
	v18 =	vmul.f32 $8.000000000e+00, v18  }
0xcc: {  	[tilespmem:v16+s25+$0x0] =	vst.idx.msk $0xffff, v21;
	v31 =	vmul.f32 $8.000000000e+00, v22  }
0xcd: {  	v32 =	vld [tilespmem:s8+$0xFFFFFFB0];
	[tilespmem:v63+s25+$0x0] =	vst.idx.msk $0xffff, v18;
	v33 =	vmul.f32 $8.000000000e+00, v20  }
0xce: {  	v34 =	vadd.s32 v2, v6;
	v35 =	vld [tilespmem:s11+$0xFFFFFFF0];
	[tilespmem:v28+s25+$0x0] =	vst.idx.msk $0xffff, v31;
	v36 =	vmul.f32 $8.000000000e+00, v29  }
0xcf: {  	v11 =	vmul.f32 $8.000000000e+00, v11;
	v37 =	vadd.s32 v2, v7;
	v38 =	vld [tilespmem:s11+$0xFFFFFFB0];
	[tilespmem:v30+s25+$0x0] =	vst.idx.msk $0xffff, v33  }
0xd0: {  	v39 =	vadd.s32 v2, v8;
	v12 =	vmul.f32 $8.000000000e+00, v12;
	v40 =	vld [tilespmem:s12+$0xFFFFFFF0];
	[tilespmem:v26+s25+$0x0] =	vst.idx.msk $0xffff, v36  }
0xd1: {  	v42 =	vadd.s32 v2, v9;
	[tilespmem:v13+s25+$0x0] =	vst.idx.msk $0xffff, v11;
	v41 =	vmul.f32 $8.000000000e+00, v15;
	v43 =	vld [tilespmem:s12+$0xFFFFFFB0]  }
0xd2: {  	v44 =	vld [tilespmem:s5+$0x0];
	v46 =	vadd.s32 v2, v10;
	[tilespmem:v14+s25+$0x0] =	vst.idx.msk $0xffff, v12;
	v45 =	vmul.f32 $8.000000000e+00, v32  }
0xd3: {  	v49 =	vadd.s32 v2, v23;
	v47 =	vld [tilespmem:s5+$0xFFFFFFC0];
	[tilespmem:v34+s25+$0x0] =	vst.idx.msk $0xffff, v41;
	v48 =	vmul.f32 $8.000000000e+00, v35  }
0xd4: {  	v4 =	vadd.s32 v3, v4;
	[tilespmem:v37+s25+$0x0] =	vst.idx.msk $0xffff, v45;
	v20 =	vld [tilespmem:s8+$0x0];
	v50 =	vmul.f32 $8.000000000e+00, v38  }
0xd5: {  	v5 =	vadd.s32 v3, v5;
	v51 =	vld [tilespmem:s8+$0xFFFFFFC0];
	[tilespmem:v39+s25+$0x0] =	vst.idx.msk $0xffff, v48;
	v52 =	vmul.f32 $8.000000000e+00, v40  }
0xd6: {  	v53 =	vadd.s32 v3, v6;
	v54 =	vld [tilespmem:s11+$0x0];
	[tilespmem:v42+s25+$0x0] =	vst.idx.msk $0xffff, v50;
	v55 =	vmul.f32 $8.000000000e+00, v43  }
0xd7: {  	v57 =	vadd.s32 v3, v7;
	v56 =	vmul.f32 $8.000000000e+00, v44;
	v58 =	vld [tilespmem:s11+$0xFFFFFFC0];
	[tilespmem:v46+s25+$0x0] =	vst.idx.msk $0xffff, v52  }
0xd8: {  	v60 =	vadd.s32 v3, v8;
	v59 =	vmul.f32 $8.000000000e+00, v47;
	v14 =	vld [tilespmem:s12+$0x0];
	[tilespmem:v49+s25+$0x0] =	vst.idx.msk $0xffff, v55  }
0xd9: {  	v61 =	vadd.s32 v3, v9;
	[tilespmem:v4+s25+$0x0] =	vst.idx.msk $0xffff, v56;
	v4 =	vmul.f32 $8.000000000e+00, v20;
	v12 =	vld [tilespmem:s12+$0xFFFFFFC0]  }
0xda: {  	v62 =	vadd.s32 v3, v10;
	[tilespmem:v5+s25+$0x0] =	vst.idx.msk $0xffff, v59;
	v5 =	vmul.f32 $8.000000000e+00, v51  }
0xdb: {  	v63 =	vadd.s32 v3, v23;
	[tilespmem:v53+s25+$0x0] =	vst.idx.msk $0xffff, v4;
	v4 =	vmul.f32 $8.000000000e+00, v54  }
0xdc: {  	[tilespmem:v57+s25+$0x0] =	vst.idx.msk $0xffff, v5;
	v5 =	vmul.f32 $8.000000000e+00, v58  }
0xdd: {  	[tilespmem:v60+s25+$0x0] =	vst.idx.msk $0xffff, v4;
	v4 =	vmul.f32 $8.000000000e+00, v14  }
0xde: {  	[tilespmem:v61+s25+$0x0] =	vst.idx.msk $0xffff, v5;
	v5 =	vmul.f32 $8.000000000e+00, v12  }
0xdf: {  	[tilespmem:v62+s25+$0x0] =	vst.idx.msk $0xffff, v4  }
0xe0: {  	[tilespmem:v63+s25+$0x0] =	vst.idx.msk $0xffff, v5  }
0xe1: {  	s22 =	simm.s32 $0x10600;
	s13 =	rddreg [dreg:$0x5]  }
0xe2: {  	[hbm4b:s13+s3] =	stream.linear.scatter [tilespmem:s22], [sflag:$0x6], $0x80, $0x38;
	[tilespmem:$0x16C00] =	vst v63  }
0xe3: {  	s23 =	simm.s32 $0x10688;
	s7 =	sadd.s32 $0x10, s13  }
0xe4: {  	[hbm4b:s7+s3] =	stream.linear.scatter [tilespmem:s23], [sflag:$0x6], $0x80, $0x38;
	[tilespmem:$0x16C00] =	vst v63  }
0xe5: {  	s14 =	simm.s32 $0x10820;
	s8 =	sadd.s32 $0x20, s13;
	s7 =	simm.s32 $0x10710  }
0xe6: {  	[hbm4b:s8+s3] =	stream.linear.scatter [tilespmem:s7], [sflag:$0x6], $0x80, $0x38;
	[tilespmem:$0x16C00] =	vst v63  }
0xe7: {  	s17 =	simm.s32 $0x108A8;
	s11 =	simm.s32 $0x10798;
	s12 =	sadd.s32 $0x30, s13  }
0xe8: {  	[hbm4b:s12+s3] =	stream.linear.scatter [tilespmem:s11], [sflag:$0x6], $0x80, $0x38;
	[tilespmem:$0x16C00] =	vst v63  }
0xe9: {  	s5 =	simm.s32 $0x440;
	s16 =	sadd.s32 $0x40, s13;
	s19 =	sadd.s32 $0x50, s13  }
0xea: {  	[hbm4b:s16+s3] =	stream.linear.scatter [tilespmem:s14], [sflag:$0x6], $0x80, $0x38;
	[tilespmem:$0x16C00] =	vst v63  }
0xeb: {  	s22 =	simm.s32 $0x10930;
	s23 =	sadd.s32 $0x60, s13;
	s8 =	simm.s32 $0x2200  }
0xec: {  	[hbm4b:s19+s3] =	stream.linear.scatter [tilespmem:s17], [sflag:$0x6], $0x80, $0x38;
	[tilespmem:$0x16C00] =	vst v63  }
0xed: {  	s7 =	sadd.s32 $0x1000, s13;
	s11 =	simm.s32 $0x109B8;
	s12 =	sadd.s32 $0x70, s13  }
0xee: {  	[hbm4b:s23+s3] =	stream.linear.scatter [tilespmem:s22], [sflag:$0x6], $0x80, $0x38;
	[tilespmem:$0x16C00] =	vst v63  }
.LBB2_8:
0xef: {  	[hbm4b:s12+s3] =	stream.linear.scatter [tilespmem:s11], [sflag:$0x6], $0x80, $0x38;
	[tilespmem:$0x16C00] =	vst v63  }
0xf0: {  	s11 =	smov.u32 s5;
	s5 =	smov.u32 s8  }
0xf1: {  	s13 =	sadd.s32 $0x1100, s8;
	s5 =	sshra.s32 s5, $0x2;
	s12 =	sadd.s32 $0x10600, s11  }
0xf2: {  	[hbm4b:s7+s3] =	stream.linear.scatter [tilespmem:s12], [sflag:$0x6], $0x80, $0x38;
	[tilespmem:$0x16C00] =	vst v63  }
0xf3: {  	p0 =	sne.s32 s8, $0x7700;
	s8 =	sadd.s32 $0x10688, s11;
	s12 =	sadd.s32 $0x10, s7  }
0xf4: {  	[hbm4b:s12+s3] =	stream.linear.scatter [tilespmem:s8], [sflag:$0x6], $0x80, $0x38;
	[tilespmem:$0x16C00] =	vst v63  }
0xf5: {  	s8 =	sadd.s32 $0x10710, s11;
	s12 =	sadd.s32 $0x20, s7  }
0xf6: {  	[hbm4b:s12+s3] =	stream.linear.scatter [tilespmem:s8], [sflag:$0x6], $0x80, $0x38;
	[tilespmem:$0x16C00] =	vst v63  }
0xf7: {  	s8 =	sadd.s32 $0x10798, s11;
	s12 =	sadd.s32 $0x30, s7  }
0xf8: {  	[hbm4b:s12+s3] =	stream.linear.scatter [tilespmem:s8], [sflag:$0x6], $0x80, $0x38;
	[tilespmem:$0x16C00] =	vst v63  }
0xf9: {  	s8 =	sadd.s32 $0x10820, s11;
	s12 =	sadd.s32 $0x40, s7  }
0xfa: {  	[hbm4b:s12+s3] =	stream.linear.scatter [tilespmem:s8], [sflag:$0x6], $0x80, $0x38;
	[tilespmem:$0x16C00] =	vst v63  }
.Ltmp3:
0xfb: {  	s8 =	sadd.s32 $0x108A8, s11;
	s12 =	sadd.s32 $0x50, s7;
	(pc) =	sbr.rel @p0 .LBB2_8-.Ltmp3, $4  }
0xfc: {  	[hbm4b:s12+s3] =	stream.linear.scatter [tilespmem:s8], [sflag:$0x6], $0x80, $0x38;
	[tilespmem:$0x16C00] =	vst v63  }
0xfd: {  	s8 =	sadd.s32 $0x10930, s11;
	s12 =	sadd.s32 $0x60, s7;
	s11 =	sadd.s32 $0x109B8, s11  }
0xfe: {  	[hbm4b:s12+s3] =	stream.linear.scatter [tilespmem:s8], [sflag:$0x6], $0x80, $0x38;
	[tilespmem:$0x16C00] =	vst v63  }
0xff: {  	s12 =	sadd.s32 $0x70, s7;
	s7 =	sadd.s32 $0x1000, s7;
	s8 =	smov.u32 s13  }
0x100: {  	[hbm4b:s12+s3] =	stream.linear.scatter [tilespmem:s11], [sflag:$0x6], $0x80, $0x38;
	[tilespmem:$0x16C00] =	vst v63  }
0x101: {  	s8 =	sadd.s32 $0x10600, s5  }
0x102: {  	[hbm4b:s7+s3] =	stream.linear.scatter [tilespmem:s8], [sflag:$0x6], $0x80, $0x38;
	[tilespmem:$0x16C00] =	vst v63  }
0x103: {  	s14 =	sadd.s32 $0x10688, s5;
	s16 =	sadd.s32 $0x10, s7  }
0x104: {  	[hbm4b:s16+s3] =	stream.linear.scatter [tilespmem:s14], [sflag:$0x6], $0x80, $0x38;
	[tilespmem:$0x16C00] =	vst v63  }
0x105: {  	s17 =	sadd.s32 $0x10710, s5;
	s19 =	sadd.s32 $0x20, s7  }
0x106: {  	[hbm4b:s19+s3] =	stream.linear.scatter [tilespmem:s17], [sflag:$0x6], $0x80, $0x38;
	[tilespmem:$0x16C00] =	vst v63  }
0x107: {  	s22 =	sadd.s32 $0x10798, s5;
	s23 =	sadd.s32 $0x30, s7  }
0x108: {  	[hbm4b:s23+s3] =	stream.linear.scatter [tilespmem:s22], [sflag:$0x6], $0x80, $0x38;
	[tilespmem:$0x16C00] =	vst v63  }
0x109: {  	s12 =	sadd.s32 $0x10820, s5;
	s13 =	sadd.s32 $0x40, s7  }
0x10a: {  	[hbm4b:s13+s3] =	stream.linear.scatter [tilespmem:s12], [sflag:$0x6], $0x80, $0x38;
	[tilespmem:$0x16C00] =	vst v63  }
0x10b: {  	s14 =	sadd.s32 $0x108A8, s5;
	s16 =	sadd.s32 $0x50, s7  }
0x10c: {  	[hbm4b:s16+s3] =	stream.linear.scatter [tilespmem:s14], [sflag:$0x6], $0x80, $0x38;
	[tilespmem:$0x16C00] =	vst v63  }
0x10d: {  	s17 =	sadd.s32 $0x10930, s5;
	s19 =	sadd.s32 $0x60, s7  }
0x10e: {  	[hbm4b:s19+s3] =	stream.linear.scatter [tilespmem:s17], [sflag:$0x6], $0x80, $0x38;
	[tilespmem:$0x16C00] =	vst v63  }
0x10f: {  	s22 =	sadd.s32 $0x109B8, s5;
	s23 =	sadd.s32 $0x70, s7;
	s5 =	simm.s32 $0x1  }
0x110: {  	[hbm4b:s23+s3] =	stream.linear.scatter [tilespmem:s22], [sflag:$0x6], $0x80, $0x38;
	[tilespmem:$0x16C00] =	vst v63  }
.LBB2_10:
0x111: {  	_ =	swait.ge [sflag:s26], $0x2000  }
0x112: {  	s7 =	sshll.u32 s5, $0x9;
	[sflag:s26] =	ssyncset.done $0x0  }
0x113: {  	s12 =	simm.s32 $0x6400;
	s13 =	sand.u32 $0x3FFFFE00, s7;
	[sflag:s26] =	ssyncadd.s32 $0xFFFFE000  }
0x114: {  	[tilespmem:s12], [sflag:$0x1] =	stream.indirect.gather [hbm4b:s4+s15], $0x40, s13, s15, $0xb8;
	[tilespmem:$0x16C00] =	vst v63  }
0x115: {  	_ =	swait.ge [sflag:s28], $0x2000  }
0x116: {  	[sflag:s28] =	ssyncset.done $0x0  }
0x117: {  	s8 =	simm.s32 $0x1;
	s7 =	simm.s32 $0xA470;
	[sflag:s28] =	ssyncadd.s32 $0xFFFFE000  }
0x118: {  	v4 =	vmov s8;
	v5 =	vld [tilespmem:s7+$0xFFFFFFD0]  }
0x119: {  	v9 =	vand.u32 $0x7F, v4  }
0x11a: {  	v4 =	vadd.s32 v0, v9  }
0x11b: {  	s14 =	simm.s32 $0x0  }
0x11c: {  	v6 =	vmov s14;
	v7 =	vld [tilespmem:s7+$0xFFFFFF90]  }
0x11d: {  	v14 =	vand.u32 $0x7E, v6;
	v5 =	vmul.f32 $8.000000000e+00, v5  }
0x11e: {  	s16 =	simm.s32 $0x3;
	s14 =	simm.s32 $0xA4F0;
	v6 =	vadd.s32 v0, v14  }
0x11f: {  	v8 =	vld [tilespmem:s14+$0xFFFFFFD0];
	[tilespmem:v4+s29+$0x0] =	vst.idx.msk $0xffff, v5;
	v4 =	vmov s16  }
0x120: {  	v4 =	vand.u32 $0x7F, v4;
	v10 =	vld [tilespmem:s7+$0xFFFFFFE0]  }
0x121: {  	v5 =	vmul.f32 $8.000000000e+00, v7;
	v7 =	vadd.s32 v0, v4  }
0x122: {  	s17 =	simm.s32 $0x2;
	v11 =	vadd.s32 v1, v9  }
0x123: {  	v12 =	vld [tilespmem:s14+$0xFFFFFF90];
	[tilespmem:v6+s29+$0x0] =	vst.idx.msk $0xffff, v5;
	v5 =	vmov s17  }
0x124: {  	v6 =	vmul.f32 $8.000000000e+00, v8;
	v5 =	vand.u32 $0x7E, v5;
	v8 =	vld [tilespmem:s7+$0xFFFFFFA0]  }
0x125: {  	s11 =	simm.s32 $0x5;
	s8 =	simm.s32 $0xA570;
	v13 =	vadd.s32 v0, v5;
	v10 =	vmul.f32 $8.000000000e+00, v10  }
0x126: {  	v15 =	vld [tilespmem:s8+$0xFFFFFFD0];
	[tilespmem:v7+s29+$0x0] =	vst.idx.msk $0xffff, v6;
	v7 =	vadd.s32 v1, v14;
	v6 =	vmov s11  }
0x127: {  	[tilespmem:v11+s29+$0x0] =	vst.idx.msk $0xffff, v10;
	v6 =	vand.u32 $0x7F, v6;
	v10 =	vld [tilespmem:s14+$0xFFFFFFE0]  }
0x128: {  	v11 =	vmul.f32 $8.000000000e+00, v12;
	v12 =	vadd.s32 v0, v6;
	v16 =	vld [tilespmem:s7+$0xFFFFFFF0]  }
0x129: {  	s19 =	simm.s32 $0x4;
	v17 =	vadd.s32 v1, v4;
	v8 =	vmul.f32 $8.000000000e+00, v8  }
0x12a: {  	v18 =	vadd.s32 v2, v9;
	[tilespmem:v13+s29+$0x0] =	vst.idx.msk $0xffff, v11;
	v11 =	vmov s19;
	v13 =	vld [tilespmem:s8+$0xFFFFFF90]  }
0x12b: {  	[tilespmem:v7+s29+$0x0] =	vst.idx.msk $0xffff, v8;
	v7 =	vand.u32 $0x7E, v11;
	v8 =	vmul.f32 $8.000000000e+00, v15;
	v11 =	vld [tilespmem:s14+$0xFFFFFFA0]  }
0x12c: {  	s12 =	simm.s32 $0x7;
	s11 =	simm.s32 $0xA5F0;
	v15 =	vadd.s32 v0, v7;
	v10 =	vmul.f32 $8.000000000e+00, v10;
	v19 =	vld [tilespmem:s7+$0xFFFFFFB0]  }
0x12d: {  	v20 =	vld [tilespmem:s11+$0xFFFFFFD0];
	[tilespmem:v12+s29+$0x0] =	vst.idx.msk $0xffff, v8;
	v12 =	vadd.s32 v1, v5;
	v16 =	vmul.f32 $8.000000000e+00, v16;
	v8 =	vmov s12  }
0x12e: {  	[tilespmem:v17+s29+$0x0] =	vst.idx.msk $0xffff, v10;
	v10 =	vadd.s32 v2, v14;
	v8 =	vand.u32 $0x7F, v8;
	v17 =	vld [tilespmem:s8+$0xFFFFFFE0]  }
0x12f: {  	v13 =	vmul.f32 $8.000000000e+00, v13;
	[tilespmem:v18+s29+$0x0] =	vst.idx.msk $0xffff, v16;
	v16 =	vadd.s32 v0, v8;
	v18 =	vld [tilespmem:s14+$0xFFFFFFF0]  }
0x130: {  	s22 =	simm.s32 $0x6;
	v21 =	vadd.s32 v1, v6;
	v11 =	vmul.f32 $8.000000000e+00, v11;
	v22 =	vld [tilespmem:s7+$0x0]  }
0x131: {  	v23 =	vadd.s32 v2, v4;
	[tilespmem:v15+s29+$0x0] =	vst.idx.msk $0xffff, v13;
	v13 =	vmul.f32 $8.000000000e+00, v19;
	v15 =	vld [tilespmem:s11+$0xFFFFFF90];
	v19 =	vmov s22  }
0x132: {  	v25 =	vadd.s32 v3, v9;
	[tilespmem:v12+s29+$0x0] =	vst.idx.msk $0xffff, v11;
	v12 =	vmul.f32 $8.000000000e+00, v20;
	v24 =	vld [tilespmem:s8+$0xFFFFFFA0];
	v9 =	vand.u32 $0x7E, v19  }
0x133: {  	[tilespmem:v10+s29+$0x0] =	vst.idx.msk $0xffff, v13;
	v10 =	vmul.f32 $8.000000000e+00, v17;
	v11 =	vld [tilespmem:s14+$0xFFFFFFB0];
	v17 =	vadd.s32 v0, v9  }
0x134: {  	s23 =	simm.s32 $0x9;
	s22 =	simm.s32 $0xA670;
	[tilespmem:v16+s29+$0x0] =	vst.idx.msk $0xffff, v12;
	v20 =	vmul.f32 $8.000000000e+00, v18;
	v12 =	vld [tilespmem:s7+$0xFFFFFFC0];
	v16 =	vadd.s32 v1, v7  }
0x135: {  	v19 =	vld [tilespmem:s22+$0xFFFFFFD0];
	v13 =	vadd.s32 v2, v5;
	v18 =	vmov s23;
	[tilespmem:v21+s29+$0x0] =	vst.idx.msk $0xffff, v10;
	v26 =	vmul.f32 $8.000000000e+00, v22  }
0x136: {  	v14 =	vadd.s32 v3, v14;
	v10 =	vand.u32 $0x7F, v18;
	v18 =	vld [tilespmem:s11+$0xFFFFFFE0];
	v22 =	vmul.f32 $8.000000000e+00, v15;
	[tilespmem:v23+s29+$0x0] =	vst.idx.msk $0xffff, v20  }
0x137: {  	s16 =	simm.s32 $0x8;
	s12 =	simm.s32 $0xA670;
	s7 =	simm.s32 $0xA;
	v20 =	vadd.s32 v0, v10;
	v15 =	vld [tilespmem:s8+$0xFFFFFFF0];
	v21 =	vmul.f32 $8.000000000e+00, v24;
	[tilespmem:v25+s29+$0x0] =	vst.idx.msk $0xffff, v26  }
.LBB2_11:
0x138: {  	p0 =	slt.u32 s7, $0x7E;
	[tilespmem:v17+s29+$0x0] =	vst.idx.msk $0xffff, v22;
	v22 =	vadd.s32 v1, v8;
	v11 =	vmul.f32 $8.000000000e+00, v11;
	v23 =	vld [tilespmem:s14+$0x0]  }
0x139: {  	v17 =	vmov s16;
	s16 =	smov.u32 s7;
	v24 =	vld [tilespmem:s22+$0xFFFFFF90];
	[tilespmem:v16+s29+$0x0] =	vst.idx.msk $0xffff, v21;
	v21 =	vadd.s32 v2, v6;
	v12 =	vmul.f32 $8.000000000e+00, v12  }
0x13a: {  	v27 =	vadd.s32 v3, v4;
	v4 =	vmovc v6;
	v25 =	vand.u32 $0x7E, v17;
	v16 =	vmul.f32 $8.000000000e+00, v19;
	v26 =	vld [tilespmem:s11+$0xFFFFFFA0];
	[tilespmem:v13+s29+$0x0] =	vst.idx.msk $0xffff, v11  }
.Ltmp4:
0x13b: {  	v6 =	vmovc v8;
	v8 =	vmov v10;
	v17 =	vadd.s32 v0, v25;
	v13 =	vmul.f32 $8.000000000e+00, v18;
	v11 =	vld [tilespmem:s8+$0xFFFFFFB0];
	[tilespmem:v14+s29+$0x0] =	vst.idx.msk $0xffff, v12;
	(pc) =	sbr.rel @p0 .LBB2_11-.Ltmp4, $4  }
0x13c: {  	s17 =	sadd.s32 $0x1, s7;
	s22 =	sadd.s32 $0x80, s22;
	[tilespmem:v20+s29+$0x0] =	vst.idx.msk $0xffff, v16;
	v16 =	vadd.s32 v1, v9;
	v14 =	vmul.f32 $8.000000000e+00, v15;
	v12 =	vld [tilespmem:s14+$0xFFFFFFC0];
	s14 =	smov.u32 s8  }
0x13d: {  	v10 =	vmov s17;
	s8 =	smov.u32 s11;
	s11 =	smov.u32 s12;
	s12 =	smov.u32 s22;
	v19 =	vld [tilespmem:s22+$0xFFFFFFD0];
	[tilespmem:v22+s29+$0x0] =	vst.idx.msk $0xffff, v13;
	v13 =	vadd.s32 v2, v7;
	v23 =	vmul.f32 $8.000000000e+00, v23  }
0x13e: {  	v10 =	vand.u32 $0x7F, v10;
	v22 =	vmul.f32 $8.000000000e+00, v24;
	v18 =	vld [tilespmem:s11+$0xFFFFFFE0];
	[tilespmem:v21+s29+$0x0] =	vst.idx.msk $0xffff, v14;
	v14 =	vadd.s32 v3, v5;
	v5 =	vmovc v7  }
0x13f: {  	s7 =	sadd.s32 $0x2, s7;
	v20 =	vadd.s32 v0, v10;
	v7 =	vmovc v9;
	v9 =	vmov v25;
	v21 =	vmul.f32 $8.000000000e+00, v26;
	v15 =	vld [tilespmem:s8+$0xFFFFFFF0];
	[tilespmem:v27+s29+$0x0] =	vst.idx.msk $0xffff, v23  }
0x140: {  	v23 =	vmov s16;
	v24 =	vld [tilespmem:s22+$0xFFFFFF90]  }
0x141: {  	v23 =	vand.u32 $0x7E, v23  }
0x142: {  	v25 =	vadd.s32 v0, v23;
	_ =	sdelay $0x1  }
0x143: {  	v19 =	vmul.f32 $8.000000000e+00, v19  }
0x144: {  	[tilespmem:v17+s29+$0x0] =	vst.idx.msk $0xffff, v22;
	v62 =	vmul.f32 $8.000000000e+00, v24  }
0x145: {  	v22 =	vld [tilespmem:s11+$0xFFFFFFA0];
	[tilespmem:v20+s29+$0x0] =	vst.idx.msk $0xffff, v19  }
0x146: {  	v63 =	vadd.s32 v1, v8;
	v20 =	vld [tilespmem:s12+$0xFFFFFFE0];
	[tilespmem:v25+s29+$0x0] =	vst.idx.msk $0xffff, v62  }
0x147: {  	v28 =	vadd.s32 v1, v9;
	v29 =	vld [tilespmem:s12+$0xFFFFFFA0]  }
0x148: {  	v30 =	vadd.s32 v1, v10  }
0x149: {  	v26 =	vadd.s32 v1, v23;
	v18 =	vmul.f32 $8.000000000e+00, v18  }
0x14a: {  	[tilespmem:v16+s29+$0x0] =	vst.idx.msk $0xffff, v21;
	v31 =	vmul.f32 $8.000000000e+00, v22  }
0x14b: {  	v32 =	vld [tilespmem:s8+$0xFFFFFFB0];
	[tilespmem:v63+s29+$0x0] =	vst.idx.msk $0xffff, v18;
	v33 =	vmul.f32 $8.000000000e+00, v20  }
0x14c: {  	v34 =	vadd.s32 v2, v6;
	v35 =	vld [tilespmem:s11+$0xFFFFFFF0];
	[tilespmem:v28+s29+$0x0] =	vst.idx.msk $0xffff, v31;
	v36 =	vmul.f32 $8.000000000e+00, v29  }
0x14d: {  	v11 =	vmul.f32 $8.000000000e+00, v11;
	v37 =	vadd.s32 v2, v7;
	v38 =	vld [tilespmem:s11+$0xFFFFFFB0];
	[tilespmem:v30+s29+$0x0] =	vst.idx.msk $0xffff, v33  }
0x14e: {  	v39 =	vadd.s32 v2, v8;
	v12 =	vmul.f32 $8.000000000e+00, v12;
	v40 =	vld [tilespmem:s12+$0xFFFFFFF0];
	[tilespmem:v26+s29+$0x0] =	vst.idx.msk $0xffff, v36  }
0x14f: {  	v42 =	vadd.s32 v2, v9;
	[tilespmem:v13+s29+$0x0] =	vst.idx.msk $0xffff, v11;
	v41 =	vmul.f32 $8.000000000e+00, v15;
	v43 =	vld [tilespmem:s12+$0xFFFFFFB0]  }
0x150: {  	v44 =	vld [tilespmem:s14+$0x0];
	v46 =	vadd.s32 v2, v10;
	[tilespmem:v14+s29+$0x0] =	vst.idx.msk $0xffff, v12;
	v45 =	vmul.f32 $8.000000000e+00, v32  }
0x151: {  	v49 =	vadd.s32 v2, v23;
	v47 =	vld [tilespmem:s14+$0xFFFFFFC0];
	[tilespmem:v34+s29+$0x0] =	vst.idx.msk $0xffff, v41;
	v48 =	vmul.f32 $8.000000000e+00, v35  }
0x152: {  	v4 =	vadd.s32 v3, v4;
	[tilespmem:v37+s29+$0x0] =	vst.idx.msk $0xffff, v45;
	v20 =	vld [tilespmem:s8+$0x0];
	v50 =	vmul.f32 $8.000000000e+00, v38  }
0x153: {  	v5 =	vadd.s32 v3, v5;
	v51 =	vld [tilespmem:s8+$0xFFFFFFC0];
	[tilespmem:v39+s29+$0x0] =	vst.idx.msk $0xffff, v48;
	v52 =	vmul.f32 $8.000000000e+00, v40  }
0x154: {  	v53 =	vadd.s32 v3, v6;
	v54 =	vld [tilespmem:s11+$0x0];
	[tilespmem:v42+s29+$0x0] =	vst.idx.msk $0xffff, v50;
	v55 =	vmul.f32 $8.000000000e+00, v43  }
0x155: {  	v57 =	vadd.s32 v3, v7;
	v56 =	vmul.f32 $8.000000000e+00, v44;
	v58 =	vld [tilespmem:s11+$0xFFFFFFC0];
	[tilespmem:v46+s29+$0x0] =	vst.idx.msk $0xffff, v52  }
0x156: {  	v60 =	vadd.s32 v3, v8;
	v59 =	vmul.f32 $8.000000000e+00, v47;
	v14 =	vld [tilespmem:s12+$0x0];
	[tilespmem:v49+s29+$0x0] =	vst.idx.msk $0xffff, v55  }
0x157: {  	v61 =	vadd.s32 v3, v9;
	[tilespmem:v4+s29+$0x0] =	vst.idx.msk $0xffff, v56;
	v4 =	vmul.f32 $8.000000000e+00, v20;
	v12 =	vld [tilespmem:s12+$0xFFFFFFC0]  }
0x158: {  	v62 =	vadd.s32 v3, v10;
	[tilespmem:v5+s29+$0x0] =	vst.idx.msk $0xffff, v59;
	v5 =	vmul.f32 $8.000000000e+00, v51  }
0x159: {  	v63 =	vadd.s32 v3, v23;
	[tilespmem:v53+s29+$0x0] =	vst.idx.msk $0xffff, v4;
	v4 =	vmul.f32 $8.000000000e+00, v54  }
0x15a: {  	[tilespmem:v57+s29+$0x0] =	vst.idx.msk $0xffff, v5;
	v5 =	vmul.f32 $8.000000000e+00, v58  }
0x15b: {  	s22 =	sshll.u32 s5, $0x14;
	[tilespmem:v60+s29+$0x0] =	vst.idx.msk $0xffff, v4;
	v4 =	vmul.f32 $8.000000000e+00, v14  }
0x15c: {  	s7 =	sadd.s32 s9, s22;
	[tilespmem:v61+s29+$0x0] =	vst.idx.msk $0xffff, v5;
	v5 =	vmul.f32 $8.000000000e+00, v12  }
0x15d: {  	s7 =	sshrl.u32 s7, $0x3;
	[tilespmem:v62+s29+$0x0] =	vst.idx.msk $0xffff, v4  }
0x15e: {  	s8 =	sadd.s32 s2, s7;
	s11 =	simm.s32 $0x12800;
	[tilespmem:v63+s29+$0x0] =	vst.idx.msk $0xffff, v5  }
0x15f: {  	[hbm4b:s8+s3] =	stream.linear.scatter [tilespmem:s11], [sflag:$0x7], $0x80, $0x38;
	[tilespmem:$0x16C00] =	vst v63  }
0x160: {  	s14 =	sadd.s32 $0x10, s8;
	s12 =	simm.s32 $0x12888  }
0x161: {  	[hbm4b:s14+s3] =	stream.linear.scatter [tilespmem:s12], [sflag:$0x7], $0x80, $0x38;
	[tilespmem:$0x16C00] =	vst v63  }
0x162: {  	s16 =	simm.s32 $0x12910;
	s19 =	simm.s32 $0x12998;
	s17 =	sadd.s32 $0x20, s8  }
0x163: {  	[hbm4b:s17+s3] =	stream.linear.scatter [tilespmem:s16], [sflag:$0x7], $0x80, $0x38;
	[tilespmem:$0x16C00] =	vst v63  }
0x164: {  	s7 =	simm.s32 $0x440;
	s23 =	sadd.s32 $0x30, s8;
	s11 =	simm.s32 $0x2200  }
0x165: {  	[hbm4b:s23+s3] =	stream.linear.scatter [tilespmem:s19], [sflag:$0x7], $0x80, $0x38;
	[tilespmem:$0x16C00] =	vst v63  }
0x166: {  	s12 =	simm.s32 $0x12A20;
	s14 =	sadd.s32 $0x40, s8;
	s16 =	simm.s32 $0x12AA8  }
0x167: {  	[hbm4b:s14+s3] =	stream.linear.scatter [tilespmem:s12], [sflag:$0x7], $0x80, $0x38;
	[tilespmem:$0x16C00] =	vst v63  }
0x168: {  	s17 =	sadd.s32 $0x50, s8;
	s19 =	simm.s32 $0x12B30;
	s23 =	sadd.s32 $0x60, s8  }
0x169: {  	[hbm4b:s17+s3] =	stream.linear.scatter [tilespmem:s16], [sflag:$0x7], $0x80, $0x38;
	[tilespmem:$0x16C00] =	vst v63  }
0x16a: {  	s12 =	simm.s32 $0x12BB8;
	s14 =	sadd.s32 $0x70, s8;
	s8 =	sadd.s32 $0x1000, s8  }
0x16b: {  	[hbm4b:s23+s3] =	stream.linear.scatter [tilespmem:s19], [sflag:$0x7], $0x80, $0x38;
	[tilespmem:$0x16C00] =	vst v63  }
.LBB2_13:
0x16c: {  	[hbm4b:s14+s3] =	stream.linear.scatter [tilespmem:s12], [sflag:$0x7], $0x80, $0x38;
	[tilespmem:$0x16C00] =	vst v63  }
0x16d: {  	s12 =	smov.u32 s7;
	s7 =	smov.u32 s11  }
0x16e: {  	s16 =	sadd.s32 $0x1100, s11;
	s7 =	sshra.s32 s7, $0x2;
	s14 =	sadd.s32 $0x12800, s12  }
0x16f: {  	[hbm4b:s8+s3] =	stream.linear.scatter [tilespmem:s14], [sflag:$0x7], $0x80, $0x38;
	[tilespmem:$0x16C00] =	vst v63  }
0x170: {  	p0 =	sne.s32 s11, $0x7700;
	s11 =	sadd.s32 $0x12888, s12;
	s14 =	sadd.s32 $0x10, s8  }
0x171: {  	[hbm4b:s14+s3] =	stream.linear.scatter [tilespmem:s11], [sflag:$0x7], $0x80, $0x38;
	[tilespmem:$0x16C00] =	vst v63  }
0x172: {  	s11 =	sadd.s32 $0x12910, s12;
	s14 =	sadd.s32 $0x20, s8  }
0x173: {  	[hbm4b:s14+s3] =	stream.linear.scatter [tilespmem:s11], [sflag:$0x7], $0x80, $0x38;
	[tilespmem:$0x16C00] =	vst v63  }
0x174: {  	s11 =	sadd.s32 $0x12998, s12;
	s14 =	sadd.s32 $0x30, s8  }
0x175: {  	[hbm4b:s14+s3] =	stream.linear.scatter [tilespmem:s11], [sflag:$0x7], $0x80, $0x38;
	[tilespmem:$0x16C00] =	vst v63  }
0x176: {  	s11 =	sadd.s32 $0x12A20, s12;
	s14 =	sadd.s32 $0x40, s8  }
0x177: {  	[hbm4b:s14+s3] =	stream.linear.scatter [tilespmem:s11], [sflag:$0x7], $0x80, $0x38;
	[tilespmem:$0x16C00] =	vst v63  }
.Ltmp5:
0x178: {  	s11 =	sadd.s32 $0x12AA8, s12;
	s14 =	sadd.s32 $0x50, s8;
	(pc) =	sbr.rel @p0 .LBB2_13-.Ltmp5, $4  }
0x179: {  	[hbm4b:s14+s3] =	stream.linear.scatter [tilespmem:s11], [sflag:$0x7], $0x80, $0x38;
	[tilespmem:$0x16C00] =	vst v63  }
0x17a: {  	s11 =	sadd.s32 $0x12B30, s12;
	s14 =	sadd.s32 $0x60, s8;
	s12 =	sadd.s32 $0x12BB8, s12  }
0x17b: {  	[hbm4b:s14+s3] =	stream.linear.scatter [tilespmem:s11], [sflag:$0x7], $0x80, $0x38;
	[tilespmem:$0x16C00] =	vst v63  }
0x17c: {  	s14 =	sadd.s32 $0x70, s8;
	s8 =	sadd.s32 $0x1000, s8;
	s11 =	smov.u32 s16  }
0x17d: {  	[hbm4b:s14+s3] =	stream.linear.scatter [tilespmem:s12], [sflag:$0x7], $0x80, $0x38;
	[tilespmem:$0x16C00] =	vst v63  }
0x17e: {  	s11 =	sadd.s32 $0x12800, s7  }
0x17f: {  	[hbm4b:s8+s3] =	stream.linear.scatter [tilespmem:s11], [sflag:$0x7], $0x80, $0x38;
	[tilespmem:$0x16C00] =	vst v63  }
0x180: {  	s12 =	sadd.s32 $0x12888, s7;
	s14 =	sadd.s32 $0x10, s8  }
0x181: {  	[hbm4b:s14+s3] =	stream.linear.scatter [tilespmem:s12], [sflag:$0x7], $0x80, $0x38;
	[tilespmem:$0x16C00] =	vst v63  }
0x182: {  	s16 =	sadd.s32 $0x12910, s7;
	s17 =	sadd.s32 $0x20, s8  }
0x183: {  	[hbm4b:s17+s3] =	stream.linear.scatter [tilespmem:s16], [sflag:$0x7], $0x80, $0x38;
	[tilespmem:$0x16C00] =	vst v63  }
0x184: {  	s19 =	sadd.s32 $0x12998, s7;
	s23 =	sadd.s32 $0x30, s8  }
0x185: {  	[hbm4b:s23+s3] =	stream.linear.scatter [tilespmem:s19], [sflag:$0x7], $0x80, $0x38;
	[tilespmem:$0x16C00] =	vst v63  }
0x186: {  	s12 =	sadd.s32 $0x12A20, s7;
	s14 =	sadd.s32 $0x40, s8  }
0x187: {  	[hbm4b:s14+s3] =	stream.linear.scatter [tilespmem:s12], [sflag:$0x7], $0x80, $0x38;
	[tilespmem:$0x16C00] =	vst v63  }
0x188: {  	s16 =	sadd.s32 $0x12AA8, s7;
	s17 =	sadd.s32 $0x50, s8  }
0x189: {  	[hbm4b:s17+s3] =	stream.linear.scatter [tilespmem:s16], [sflag:$0x7], $0x80, $0x38;
	[tilespmem:$0x16C00] =	vst v63  }
0x18a: {  	s19 =	sadd.s32 $0x12B30, s7;
	s23 =	sadd.s32 $0x60, s8  }
0x18b: {  	[hbm4b:s23+s3] =	stream.linear.scatter [tilespmem:s19], [sflag:$0x7], $0x80, $0x38;
	[tilespmem:$0x16C00] =	vst v63  }
0x18c: {  	s14 =	sadd.s32 $0x12BB8, s7;
	s16 =	sadd.s32 $0x70, s8;
	s17 =	sshll.u32 s5, $0x2  }
0x18d: {  	[hbm4b:s16+s3] =	stream.linear.scatter [tilespmem:s14], [sflag:$0x7], $0x80, $0x38;
	[tilespmem:$0x16C00] =	vst v63  }
0x18e: {  	s14 =	sor.u32 $0x1, s17;
	_ =	swait.ge [sflag:s30], $0x2000  }
0x18f: {  	s7 =	sshll.u32 s14, $0x7;
	[sflag:s30] =	ssyncset.done $0x0  }
0x190: {  	s19 =	simm.s32 $0x8400;
	s7 =	sand.u32 $0x3FFFFE80, s7;
	[sflag:s30] =	ssyncadd.s32 $0xFFFFE000  }
0x191: {  	[tilespmem:s19], [sflag:$0x2] =	stream.indirect.gather [hbm4b:s4+s15], $0x40, s7, s15, $0xb8;
	[tilespmem:$0x16C00] =	vst v63  }
0x192: {  	_ =	swait.ge [sflag:s31], $0x2000  }
0x193: {  	[sflag:s31] =	ssyncset.done $0x0  }
0x194: {  	s23 =	simm.s32 $0x1;
	s7 =	simm.s32 $0xC470;
	[sflag:s31] =	ssyncadd.s32 $0xFFFFE000  }
0x195: {  	v4 =	vmov s23;
	v5 =	vld [tilespmem:s7+$0xFFFFFFD0]  }
0x196: {  	v9 =	vand.u32 $0x7F, v4  }
0x197: {  	v4 =	vadd.s32 v0, v9  }
0x198: {  	s11 =	simm.s32 $0x0  }
0x199: {  	v6 =	vmov s11;
	v7 =	vld [tilespmem:s7+$0xFFFFFF90]  }
0x19a: {  	v14 =	vand.u32 $0x7E, v6;
	v5 =	vmul.f32 $8.000000000e+00, v5  }
0x19b: {  	v6 =	vadd.s32 v0, v14;
	s12 =	simm.s32 $0x3;
	s8 =	simm.s32 $0xC4F0  }
0x19c: {  	v8 =	vld [tilespmem:s8+$0xFFFFFFD0];
	[tilespmem:v4+s1+$0x0] =	vst.idx.msk $0xffff, v5;
	v4 =	vmov s12  }
0x19d: {  	v4 =	vand.u32 $0x7F, v4;
	v10 =	vld [tilespmem:s7+$0xFFFFFFE0]  }
0x19e: {  	v5 =	vmul.f32 $8.000000000e+00, v7;
	v7 =	vadd.s32 v0, v4  }
0x19f: {  	s16 =	simm.s32 $0x2;
	v11 =	vadd.s32 v1, v9  }
0x1a0: {  	v12 =	vld [tilespmem:s8+$0xFFFFFF90];
	[tilespmem:v6+s1+$0x0] =	vst.idx.msk $0xffff, v5;
	v5 =	vmov s16  }
0x1a1: {  	v6 =	vmul.f32 $8.000000000e+00, v8;
	v5 =	vand.u32 $0x7E, v5;
	v8 =	vld [tilespmem:s7+$0xFFFFFFA0]  }
0x1a2: {  	s11 =	simm.s32 $0xC570;
	s17 =	simm.s32 $0x5;
	v13 =	vadd.s32 v0, v5;
	v10 =	vmul.f32 $8.000000000e+00, v10  }
0x1a3: {  	v15 =	vld [tilespmem:s11+$0xFFFFFFD0];
	[tilespmem:v7+s1+$0x0] =	vst.idx.msk $0xffff, v6;
	v7 =	vadd.s32 v1, v14;
	v6 =	vmov s17  }
0x1a4: {  	[tilespmem:v11+s1+$0x0] =	vst.idx.msk $0xffff, v10;
	v6 =	vand.u32 $0x7F, v6;
	v10 =	vld [tilespmem:s8+$0xFFFFFFE0]  }
0x1a5: {  	v11 =	vmul.f32 $8.000000000e+00, v12;
	v12 =	vadd.s32 v0, v6;
	v16 =	vld [tilespmem:s7+$0xFFFFFFF0]  }
0x1a6: {  	s19 =	simm.s32 $0x4;
	v17 =	vadd.s32 v1, v4;
	v8 =	vmul.f32 $8.000000000e+00, v8  }
0x1a7: {  	v18 =	vadd.s32 v2, v9;
	[tilespmem:v13+s1+$0x0] =	vst.idx.msk $0xffff, v11;
	v11 =	vmov s19;
	v13 =	vld [tilespmem:s11+$0xFFFFFF90]  }
0x1a8: {  	[tilespmem:v7+s1+$0x0] =	vst.idx.msk $0xffff, v8;
	v7 =	vand.u32 $0x7E, v11;
	v8 =	vmul.f32 $8.000000000e+00, v15;
	v11 =	vld [tilespmem:s8+$0xFFFFFFA0]  }
0x1a9: {  	s12 =	simm.s32 $0xC5F0;
	s16 =	simm.s32 $0x7;
	v15 =	vadd.s32 v0, v7;
	v10 =	vmul.f32 $8.000000000e+00, v10;
	v19 =	vld [tilespmem:s7+$0xFFFFFFB0]  }
0x1aa: {  	v20 =	vld [tilespmem:s12+$0xFFFFFFD0];
	[tilespmem:v12+s1+$0x0] =	vst.idx.msk $0xffff, v8;
	v12 =	vadd.s32 v1, v5;
	v16 =	vmul.f32 $8.000000000e+00, v16;
	v8 =	vmov s16  }
0x1ab: {  	[tilespmem:v17+s1+$0x0] =	vst.idx.msk $0xffff, v10;
	v10 =	vadd.s32 v2, v14;
	v8 =	vand.u32 $0x7F, v8;
	v17 =	vld [tilespmem:s11+$0xFFFFFFE0]  }
0x1ac: {  	v13 =	vmul.f32 $8.000000000e+00, v13;
	[tilespmem:v18+s1+$0x0] =	vst.idx.msk $0xffff, v16;
	v16 =	vadd.s32 v0, v8;
	v18 =	vld [tilespmem:s8+$0xFFFFFFF0]  }
0x1ad: {  	s23 =	simm.s32 $0x6;
	v21 =	vadd.s32 v1, v6;
	v11 =	vmul.f32 $8.000000000e+00, v11;
	v22 =	vld [tilespmem:s7+$0x0]  }
0x1ae: {  	v23 =	vadd.s32 v2, v4;
	[tilespmem:v15+s1+$0x0] =	vst.idx.msk $0xffff, v13;
	v13 =	vmul.f32 $8.000000000e+00, v19;
	v15 =	vld [tilespmem:s12+$0xFFFFFF90];
	v19 =	vmov s23  }
0x1af: {  	v25 =	vadd.s32 v3, v9;
	[tilespmem:v12+s1+$0x0] =	vst.idx.msk $0xffff, v11;
	v12 =	vmul.f32 $8.000000000e+00, v20;
	v24 =	vld [tilespmem:s11+$0xFFFFFFA0];
	v9 =	vand.u32 $0x7E, v19  }
0x1b0: {  	[tilespmem:v10+s1+$0x0] =	vst.idx.msk $0xffff, v13;
	v10 =	vmul.f32 $8.000000000e+00, v17;
	v11 =	vld [tilespmem:s8+$0xFFFFFFB0];
	v17 =	vadd.s32 v0, v9  }
0x1b1: {  	s17 =	simm.s32 $0x9;
	s16 =	simm.s32 $0xC670;
	[tilespmem:v16+s1+$0x0] =	vst.idx.msk $0xffff, v12;
	v20 =	vmul.f32 $8.000000000e+00, v18;
	v12 =	vld [tilespmem:s7+$0xFFFFFFC0];
	v16 =	vadd.s32 v1, v7  }
0x1b2: {  	v19 =	vld [tilespmem:s16+$0xFFFFFFD0];
	v13 =	vadd.s32 v2, v5;
	v18 =	vmov s17;
	[tilespmem:v21+s1+$0x0] =	vst.idx.msk $0xffff, v10;
	v26 =	vmul.f32 $8.000000000e+00, v22  }
0x1b3: {  	v14 =	vadd.s32 v3, v14;
	v10 =	vand.u32 $0x7F, v18;
	v18 =	vld [tilespmem:s12+$0xFFFFFFE0];
	v22 =	vmul.f32 $8.000000000e+00, v15;
	[tilespmem:v23+s1+$0x0] =	vst.idx.msk $0xffff, v20  }
0x1b4: {  	s19 =	simm.s32 $0x8;
	s17 =	simm.s32 $0xA;
	s7 =	simm.s32 $0xC670;
	v20 =	vadd.s32 v0, v10;
	v15 =	vld [tilespmem:s11+$0xFFFFFFF0];
	v21 =	vmul.f32 $8.000000000e+00, v24;
	[tilespmem:v25+s1+$0x0] =	vst.idx.msk $0xffff, v26  }
.LBB2_15:
0x1b5: {  	p0 =	slt.u32 s17, $0x7E;
	[tilespmem:v17+s1+$0x0] =	vst.idx.msk $0xffff, v22;
	v22 =	vadd.s32 v1, v8;
	v11 =	vmul.f32 $8.000000000e+00, v11;
	v23 =	vld [tilespmem:s8+$0x0]  }
0x1b6: {  	v17 =	vmov s19;
	s19 =	smov.u32 s17;
	v24 =	vld [tilespmem:s16+$0xFFFFFF90];
	[tilespmem:v16+s1+$0x0] =	vst.idx.msk $0xffff, v21;
	v21 =	vadd.s32 v2, v6;
	v12 =	vmul.f32 $8.000000000e+00, v12  }
0x1b7: {  	v27 =	vadd.s32 v3, v4;
	v4 =	vmovc v6;
	v25 =	vand.u32 $0x7E, v17;
	v16 =	vmul.f32 $8.000000000e+00, v19;
	v26 =	vld [tilespmem:s12+$0xFFFFFFA0];
	[tilespmem:v13+s1+$0x0] =	vst.idx.msk $0xffff, v11  }
.Ltmp6:
0x1b8: {  	v6 =	vmovc v8;
	v8 =	vmov v10;
	v17 =	vadd.s32 v0, v25;
	v13 =	vmul.f32 $8.000000000e+00, v18;
	v11 =	vld [tilespmem:s11+$0xFFFFFFB0];
	[tilespmem:v14+s1+$0x0] =	vst.idx.msk $0xffff, v12;
	(pc) =	sbr.rel @p0 .LBB2_15-.Ltmp6, $4  }
0x1b9: {  	s23 =	sadd.s32 $0x1, s17;
	s16 =	sadd.s32 $0x80, s16;
	[tilespmem:v20+s1+$0x0] =	vst.idx.msk $0xffff, v16;
	v16 =	vadd.s32 v1, v9;
	v14 =	vmul.f32 $8.000000000e+00, v15;
	v12 =	vld [tilespmem:s8+$0xFFFFFFC0];
	s8 =	smov.u32 s11  }
0x1ba: {  	v10 =	vmov s23;
	s11 =	smov.u32 s12;
	s12 =	smov.u32 s7;
	s7 =	smov.u32 s16;
	v19 =	vld [tilespmem:s16+$0xFFFFFFD0];
	[tilespmem:v22+s1+$0x0] =	vst.idx.msk $0xffff, v13;
	v13 =	vadd.s32 v2, v7;
	v23 =	vmul.f32 $8.000000000e+00, v23  }
0x1bb: {  	v10 =	vand.u32 $0x7F, v10;
	v22 =	vmul.f32 $8.000000000e+00, v24;
	v18 =	vld [tilespmem:s12+$0xFFFFFFE0];
	[tilespmem:v21+s1+$0x0] =	vst.idx.msk $0xffff, v14;
	v14 =	vadd.s32 v3, v5;
	v5 =	vmovc v7  }
0x1bc: {  	s17 =	sadd.s32 $0x2, s17;
	v20 =	vadd.s32 v0, v10;
	v7 =	vmovc v9;
	v9 =	vmov v25;
	v21 =	vmul.f32 $8.000000000e+00, v26;
	v15 =	vld [tilespmem:s11+$0xFFFFFFF0];
	[tilespmem:v27+s1+$0x0] =	vst.idx.msk $0xffff, v23  }
0x1bd: {  	v23 =	vmov s19;
	v24 =	vld [tilespmem:s16+$0xFFFFFF90]  }
0x1be: {  	v23 =	vand.u32 $0x7E, v23  }
0x1bf: {  	v25 =	vadd.s32 v0, v23;
	_ =	sdelay $0x1  }
0x1c0: {  	v19 =	vmul.f32 $8.000000000e+00, v19  }
0x1c1: {  	[tilespmem:v17+s1+$0x0] =	vst.idx.msk $0xffff, v22;
	v62 =	vmul.f32 $8.000000000e+00, v24  }
0x1c2: {  	v22 =	vld [tilespmem:s12+$0xFFFFFFA0];
	[tilespmem:v20+s1+$0x0] =	vst.idx.msk $0xffff, v19  }
0x1c3: {  	v63 =	vadd.s32 v1, v8;
	v20 =	vld [tilespmem:s7+$0xFFFFFFE0];
	[tilespmem:v25+s1+$0x0] =	vst.idx.msk $0xffff, v62  }
0x1c4: {  	v28 =	vadd.s32 v1, v9;
	v29 =	vld [tilespmem:s7+$0xFFFFFFA0]  }
0x1c5: {  	v30 =	vadd.s32 v1, v10  }
0x1c6: {  	v26 =	vadd.s32 v1, v23;
	v18 =	vmul.f32 $8.000000000e+00, v18  }
0x1c7: {  	[tilespmem:v16+s1+$0x0] =	vst.idx.msk $0xffff, v21;
	v31 =	vmul.f32 $8.000000000e+00, v22  }
0x1c8: {  	v32 =	vld [tilespmem:s11+$0xFFFFFFB0];
	[tilespmem:v63+s1+$0x0] =	vst.idx.msk $0xffff, v18;
	v33 =	vmul.f32 $8.000000000e+00, v20  }
0x1c9: {  	v34 =	vadd.s32 v2, v6;
	v35 =	vld [tilespmem:s12+$0xFFFFFFF0];
	[tilespmem:v28+s1+$0x0] =	vst.idx.msk $0xffff, v31;
	v36 =	vmul.f32 $8.000000000e+00, v29  }
0x1ca: {  	v11 =	vmul.f32 $8.000000000e+00, v11;
	v37 =	vadd.s32 v2, v7;
	v38 =	vld [tilespmem:s12+$0xFFFFFFB0];
	[tilespmem:v30+s1+$0x0] =	vst.idx.msk $0xffff, v33  }
0x1cb: {  	v39 =	vadd.s32 v2, v8;
	v12 =	vmul.f32 $8.000000000e+00, v12;
	v40 =	vld [tilespmem:s7+$0xFFFFFFF0];
	[tilespmem:v26+s1+$0x0] =	vst.idx.msk $0xffff, v36  }
0x1cc: {  	v42 =	vadd.s32 v2, v9;
	[tilespmem:v13+s1+$0x0] =	vst.idx.msk $0xffff, v11;
	v41 =	vmul.f32 $8.000000000e+00, v15;
	v43 =	vld [tilespmem:s7+$0xFFFFFFB0]  }
0x1cd: {  	v44 =	vld [tilespmem:s8+$0x0];
	v46 =	vadd.s32 v2, v10;
	[tilespmem:v14+s1+$0x0] =	vst.idx.msk $0xffff, v12;
	v45 =	vmul.f32 $8.000000000e+00, v32  }
0x1ce: {  	v49 =	vadd.s32 v2, v23;
	v47 =	vld [tilespmem:s8+$0xFFFFFFC0];
	[tilespmem:v34+s1+$0x0] =	vst.idx.msk $0xffff, v41;
	v48 =	vmul.f32 $8.000000000e+00, v35  }
0x1cf: {  	v4 =	vadd.s32 v3, v4;
	[tilespmem:v37+s1+$0x0] =	vst.idx.msk $0xffff, v45;
	v20 =	vld [tilespmem:s11+$0x0];
	v50 =	vmul.f32 $8.000000000e+00, v38  }
0x1d0: {  	v5 =	vadd.s32 v3, v5;
	v51 =	vld [tilespmem:s11+$0xFFFFFFC0];
	[tilespmem:v39+s1+$0x0] =	vst.idx.msk $0xffff, v48;
	v52 =	vmul.f32 $8.000000000e+00, v40  }
0x1d1: {  	v53 =	vadd.s32 v3, v6;
	v54 =	vld [tilespmem:s12+$0x0];
	[tilespmem:v42+s1+$0x0] =	vst.idx.msk $0xffff, v50;
	v55 =	vmul.f32 $8.000000000e+00, v43  }
0x1d2: {  	v57 =	vadd.s32 v3, v7;
	v56 =	vmul.f32 $8.000000000e+00, v44;
	v58 =	vld [tilespmem:s12+$0xFFFFFFC0];
	[tilespmem:v46+s1+$0x0] =	vst.idx.msk $0xffff, v52  }
0x1d3: {  	v60 =	vadd.s32 v3, v8;
	v59 =	vmul.f32 $8.000000000e+00, v47;
	v14 =	vld [tilespmem:s7+$0x0];
	[tilespmem:v49+s1+$0x0] =	vst.idx.msk $0xffff, v55  }
0x1d4: {  	v61 =	vadd.s32 v3, v9;
	[tilespmem:v4+s1+$0x0] =	vst.idx.msk $0xffff, v56;
	v4 =	vmul.f32 $8.000000000e+00, v20;
	v12 =	vld [tilespmem:s7+$0xFFFFFFC0]  }
0x1d5: {  	v62 =	vadd.s32 v3, v10;
	[tilespmem:v5+s1+$0x0] =	vst.idx.msk $0xffff, v59;
	v5 =	vmul.f32 $8.000000000e+00, v51  }
0x1d6: {  	v63 =	vadd.s32 v3, v23;
	[tilespmem:v53+s1+$0x0] =	vst.idx.msk $0xffff, v4;
	v4 =	vmul.f32 $8.000000000e+00, v54  }
0x1d7: {  	[tilespmem:v57+s1+$0x0] =	vst.idx.msk $0xffff, v5;
	v5 =	vmul.f32 $8.000000000e+00, v58  }
0x1d8: {  	[tilespmem:v60+s1+$0x0] =	vst.idx.msk $0xffff, v4;
	v4 =	vmul.f32 $8.000000000e+00, v14  }
0x1d9: {  	s19 =	sadd.s32 s10, s22;
	[tilespmem:v61+s1+$0x0] =	vst.idx.msk $0xffff, v5;
	v5 =	vmul.f32 $8.000000000e+00, v12  }
0x1da: {  	s7 =	sshrl.u32 s19, $0x3;
	[tilespmem:v62+s1+$0x0] =	vst.idx.msk $0xffff, v4  }
0x1db: {  	s23 =	simm.s32 $0x14A00;
	s8 =	sadd.s32 s2, s7;
	[tilespmem:v63+s1+$0x0] =	vst.idx.msk $0xffff, v5  }
0x1dc: {  	[hbm4b:s8+s3] =	stream.linear.scatter [tilespmem:s23], [sflag:$0x8], $0x80, $0x38;
	[tilespmem:$0x16C00] =	vst v63  }
0x1dd: {  	s11 =	simm.s32 $0x14A88;
	s12 =	sadd.s32 $0x10, s8  }
0x1de: {  	[hbm4b:s12+s3] =	stream.linear.scatter [tilespmem:s11], [sflag:$0x8], $0x80, $0x38;
	[tilespmem:$0x16C00] =	vst v63  }
0x1df: {  	s16 =	simm.s32 $0x14B10;
	s19 =	simm.s32 $0x14B98;
	s17 =	sadd.s32 $0x20, s8  }
0x1e0: {  	[hbm4b:s17+s3] =	stream.linear.scatter [tilespmem:s16], [sflag:$0x8], $0x80, $0x38;
	[tilespmem:$0x16C00] =	vst v63  }
0x1e1: {  	s7 =	simm.s32 $0x440;
	s23 =	sadd.s32 $0x30, s8;
	s11 =	simm.s32 $0x14C20  }
0x1e2: {  	[hbm4b:s23+s3] =	stream.linear.scatter [tilespmem:s19], [sflag:$0x8], $0x80, $0x38;
	[tilespmem:$0x16C00] =	vst v63  }
0x1e3: {  	s12 =	sadd.s32 $0x40, s8;
	s16 =	simm.s32 $0x14CA8;
	s17 =	sadd.s32 $0x50, s8  }
0x1e4: {  	[hbm4b:s12+s3] =	stream.linear.scatter [tilespmem:s11], [sflag:$0x8], $0x80, $0x38;
	[tilespmem:$0x16C00] =	vst v63  }
0x1e5: {  	s19 =	simm.s32 $0x14D30;
	s23 =	sadd.s32 $0x60, s8;
	s11 =	simm.s32 $0x2200  }
0x1e6: {  	[hbm4b:s17+s3] =	stream.linear.scatter [tilespmem:s16], [sflag:$0x8], $0x80, $0x38;
	[tilespmem:$0x16C00] =	vst v63  }
0x1e7: {  	s12 =	simm.s32 $0x14DB8;
	s16 =	sadd.s32 $0x70, s8;
	s8 =	sadd.s32 $0x1000, s8  }
0x1e8: {  	[hbm4b:s23+s3] =	stream.linear.scatter [tilespmem:s19], [sflag:$0x8], $0x80, $0x38;
	[tilespmem:$0x16C00] =	vst v63  }
.LBB2_17:
0x1e9: {  	[hbm4b:s16+s3] =	stream.linear.scatter [tilespmem:s12], [sflag:$0x8], $0x80, $0x38;
	[tilespmem:$0x16C00] =	vst v63  }
0x1ea: {  	s12 =	smov.u32 s7;
	s7 =	smov.u32 s11  }
0x1eb: {  	s17 =	sadd.s32 $0x1100, s11;
	s7 =	sshra.s32 s7, $0x2;
	s16 =	sadd.s32 $0x14A00, s12  }
0x1ec: {  	[hbm4b:s8+s3] =	stream.linear.scatter [tilespmem:s16], [sflag:$0x8], $0x80, $0x38;
	[tilespmem:$0x16C00] =	vst v63  }
0x1ed: {  	p0 =	sne.s32 s11, $0x7700;
	s11 =	sadd.s32 $0x14A88, s12;
	s16 =	sadd.s32 $0x10, s8  }
0x1ee: {  	[hbm4b:s16+s3] =	stream.linear.scatter [tilespmem:s11], [sflag:$0x8], $0x80, $0x38;
	[tilespmem:$0x16C00] =	vst v63  }
0x1ef: {  	s11 =	sadd.s32 $0x14B10, s12;
	s16 =	sadd.s32 $0x20, s8  }
0x1f0: {  	[hbm4b:s16+s3] =	stream.linear.scatter [tilespmem:s11], [sflag:$0x8], $0x80, $0x38;
	[tilespmem:$0x16C00] =	vst v63  }
0x1f1: {  	s11 =	sadd.s32 $0x14B98, s12;
	s16 =	sadd.s32 $0x30, s8  }
0x1f2: {  	[hbm4b:s16+s3] =	stream.linear.scatter [tilespmem:s11], [sflag:$0x8], $0x80, $0x38;
	[tilespmem:$0x16C00] =	vst v63  }
0x1f3: {  	s11 =	sadd.s32 $0x14C20, s12;
	s16 =	sadd.s32 $0x40, s8  }
0x1f4: {  	[hbm4b:s16+s3] =	stream.linear.scatter [tilespmem:s11], [sflag:$0x8], $0x80, $0x38;
	[tilespmem:$0x16C00] =	vst v63  }
.Ltmp7:
0x1f5: {  	s11 =	sadd.s32 $0x14CA8, s12;
	s16 =	sadd.s32 $0x50, s8;
	(pc) =	sbr.rel @p0 .LBB2_17-.Ltmp7, $4  }
0x1f6: {  	[hbm4b:s16+s3] =	stream.linear.scatter [tilespmem:s11], [sflag:$0x8], $0x80, $0x38;
	[tilespmem:$0x16C00] =	vst v63  }
0x1f7: {  	s11 =	sadd.s32 $0x14D30, s12;
	s16 =	sadd.s32 $0x60, s8;
	s12 =	sadd.s32 $0x14DB8, s12  }
0x1f8: {  	[hbm4b:s16+s3] =	stream.linear.scatter [tilespmem:s11], [sflag:$0x8], $0x80, $0x38;
	[tilespmem:$0x16C00] =	vst v63  }
0x1f9: {  	s16 =	sadd.s32 $0x70, s8;
	s8 =	sadd.s32 $0x1000, s8;
	s11 =	smov.u32 s17  }
0x1fa: {  	[hbm4b:s16+s3] =	stream.linear.scatter [tilespmem:s12], [sflag:$0x8], $0x80, $0x38;
	[tilespmem:$0x16C00] =	vst v63  }
0x1fb: {  	s11 =	sadd.s32 $0x14A00, s7  }
0x1fc: {  	[hbm4b:s8+s3] =	stream.linear.scatter [tilespmem:s11], [sflag:$0x8], $0x80, $0x38;
	[tilespmem:$0x16C00] =	vst v63  }
0x1fd: {  	s16 =	sadd.s32 $0x14A88, s7;
	s17 =	sadd.s32 $0x10, s8  }
0x1fe: {  	[hbm4b:s17+s3] =	stream.linear.scatter [tilespmem:s16], [sflag:$0x8], $0x80, $0x38;
	[tilespmem:$0x16C00] =	vst v63  }
0x1ff: {  	s19 =	sadd.s32 $0x14B10, s7;
	s23 =	sadd.s32 $0x20, s8  }
0x200: {  	[hbm4b:s23+s3] =	stream.linear.scatter [tilespmem:s19], [sflag:$0x8], $0x80, $0x38;
	[tilespmem:$0x16C00] =	vst v63  }
0x201: {  	s16 =	sadd.s32 $0x14B98, s7;
	s17 =	sadd.s32 $0x30, s8  }
0x202: {  	[hbm4b:s17+s3] =	stream.linear.scatter [tilespmem:s16], [sflag:$0x8], $0x80, $0x38;
	[tilespmem:$0x16C00] =	vst v63  }
0x203: {  	s19 =	sadd.s32 $0x14C20, s7;
	s23 =	sadd.s32 $0x40, s8  }
0x204: {  	[hbm4b:s23+s3] =	stream.linear.scatter [tilespmem:s19], [sflag:$0x8], $0x80, $0x38;
	[tilespmem:$0x16C00] =	vst v63  }
0x205: {  	s12 =	sadd.s32 $0x14CA8, s7;
	s16 =	sadd.s32 $0x50, s8  }
0x206: {  	[hbm4b:s16+s3] =	stream.linear.scatter [tilespmem:s12], [sflag:$0x8], $0x80, $0x38;
	[tilespmem:$0x16C00] =	vst v63  }
0x207: {  	s17 =	sadd.s32 $0x14D30, s7;
	s19 =	sadd.s32 $0x60, s8  }
0x208: {  	[hbm4b:s19+s3] =	stream.linear.scatter [tilespmem:s17], [sflag:$0x8], $0x80, $0x38;
	[tilespmem:$0x16C00] =	vst v63  }
0x209: {  	s11 =	sadd.s32 $0x70, s8;
	s23 =	sadd.s32 $0x14DB8, s7  }
0x20a: {  	[hbm4b:s11+s3] =	stream.linear.scatter [tilespmem:s23], [sflag:$0x8], $0x80, $0x38;
	[tilespmem:$0x16C00] =	vst v63  }
0x20b: {  	_ =	swait.ge [sflag:s0], $0x2000  }
0x20c: {  	[sflag:s0] =	ssyncset.done $0x0  }
0x20d: {  	s12 =	sadd.s32 $0x100, s13;
	s16 =	simm.s32 $0xA400;
	[sflag:s0] =	ssyncadd.s32 $0xFFFFE000  }
0x20e: {  	[tilespmem:s16], [sflag:$0x3] =	stream.indirect.gather [hbm4b:s4+s15], $0x40, s12, s15, $0xb8;
	[tilespmem:$0x16C00] =	vst v63  }
0x20f: {  	_ =	swait.ge [sflag:s20], $0x2000  }
0x210: {  	[sflag:s20] =	ssyncset.done $0x0  }
0x211: {  	s7 =	simm.s32 $0x6440;
	s17 =	simm.s32 $0x1;
	[sflag:s20] =	ssyncadd.s32 $0xFFFFE000  }
0x212: {  	v4 =	vmov s17;
	v5 =	vld [tilespmem:s7+$0x0]  }
0x213: {  	v9 =	vand.u32 $0x7F, v4  }
0x214: {  	v4 =	vadd.s32 v0, v9  }
0x215: {  	s19 =	simm.s32 $0x0  }
0x216: {  	v6 =	vmov s19;
	v7 =	vld [tilespmem:s7+$0xFFFFFFC0]  }
0x217: {  	v14 =	vand.u32 $0x7E, v6;
	v5 =	vmul.f32 $8.000000000e+00, v5  }
0x218: {  	s8 =	simm.s32 $0x64C0;
	s23 =	simm.s32 $0x3;
	v6 =	vadd.s32 v0, v14  }
0x219: {  	v8 =	vld [tilespmem:s8+$0x0];
	[tilespmem:v4+s21+$0x0] =	vst.idx.msk $0xffff, v5;
	v4 =	vmov s23  }
0x21a: {  	v4 =	vand.u32 $0x7F, v4;
	v10 =	vld [tilespmem:s7+$0x10]  }
0x21b: {  	v5 =	vmul.f32 $8.000000000e+00, v7;
	v7 =	vadd.s32 v0, v4  }
0x21c: {  	v11 =	vadd.s32 v1, v9;
	s12 =	simm.s32 $0x2  }
0x21d: {  	v12 =	vld [tilespmem:s8+$0xFFFFFFC0];
	[tilespmem:v6+s21+$0x0] =	vst.idx.msk $0xffff, v5;
	v5 =	vmov s12  }
0x21e: {  	v6 =	vmul.f32 $8.000000000e+00, v8;
	v5 =	vand.u32 $0x7E, v5;
	v8 =	vld [tilespmem:s7+$0xFFFFFFD0]  }
0x21f: {  	s11 =	simm.s32 $0x6540;
	s16 =	simm.s32 $0x5;
	v13 =	vadd.s32 v0, v5;
	v10 =	vmul.f32 $8.000000000e+00, v10  }
0x220: {  	v15 =	vld [tilespmem:s11+$0x0];
	[tilespmem:v7+s21+$0x0] =	vst.idx.msk $0xffff, v6;
	v7 =	vadd.s32 v1, v14;
	v6 =	vmov s16  }
0x221: {  	[tilespmem:v11+s21+$0x0] =	vst.idx.msk $0xffff, v10;
	v6 =	vand.u32 $0x7F, v6;
	v10 =	vld [tilespmem:s8+$0x10]  }
0x222: {  	v11 =	vmul.f32 $8.000000000e+00, v12;
	v12 =	vadd.s32 v0, v6;
	v16 =	vld [tilespmem:s7+$0x20]  }
0x223: {  	s17 =	simm.s32 $0x4;
	v17 =	vadd.s32 v1, v4;
	v8 =	vmul.f32 $8.000000000e+00, v8  }
0x224: {  	v18 =	vadd.s32 v2, v9;
	[tilespmem:v13+s21+$0x0] =	vst.idx.msk $0xffff, v11;
	v11 =	vmov s17;
	v13 =	vld [tilespmem:s11+$0xFFFFFFC0]  }
0x225: {  	[tilespmem:v7+s21+$0x0] =	vst.idx.msk $0xffff, v8;
	v7 =	vand.u32 $0x7E, v11;
	v8 =	vmul.f32 $8.000000000e+00, v15;
	v11 =	vld [tilespmem:s8+$0xFFFFFFD0]  }
0x226: {  	s19 =	simm.s32 $0x7;
	s12 =	simm.s32 $0x65C0;
	v15 =	vadd.s32 v0, v7;
	v10 =	vmul.f32 $8.000000000e+00, v10;
	v19 =	vld [tilespmem:s7+$0xFFFFFFE0]  }
0x227: {  	v20 =	vld [tilespmem:s12+$0x0];
	[tilespmem:v12+s21+$0x0] =	vst.idx.msk $0xffff, v8;
	v12 =	vadd.s32 v1, v5;
	v16 =	vmul.f32 $8.000000000e+00, v16;
	v8 =	vmov s19  }
0x228: {  	[tilespmem:v17+s21+$0x0] =	vst.idx.msk $0xffff, v10;
	v10 =	vadd.s32 v2, v14;
	v8 =	vand.u32 $0x7F, v8;
	v17 =	vld [tilespmem:s11+$0x10]  }
0x229: {  	v13 =	vmul.f32 $8.000000000e+00, v13;
	[tilespmem:v18+s21+$0x0] =	vst.idx.msk $0xffff, v16;
	v16 =	vadd.s32 v0, v8;
	v18 =	vld [tilespmem:s8+$0x20]  }
0x22a: {  	s23 =	simm.s32 $0x6;
	v21 =	vadd.s32 v1, v6;
	v11 =	vmul.f32 $8.000000000e+00, v11;
	v22 =	vld [tilespmem:s7+$0x30]  }
0x22b: {  	v23 =	vadd.s32 v2, v4;
	[tilespmem:v15+s21+$0x0] =	vst.idx.msk $0xffff, v13;
	v13 =	vmul.f32 $8.000000000e+00, v19;
	v15 =	vld [tilespmem:s12+$0xFFFFFFC0];
	v19 =	vmov s23  }
0x22c: {  	v25 =	vadd.s32 v3, v9;
	[tilespmem:v12+s21+$0x0] =	vst.idx.msk $0xffff, v11;
	v12 =	vmul.f32 $8.000000000e+00, v20;
	v24 =	vld [tilespmem:s11+$0xFFFFFFD0];
	v9 =	vand.u32 $0x7E, v19  }
0x22d: {  	[tilespmem:v10+s21+$0x0] =	vst.idx.msk $0xffff, v13;
	v10 =	vmul.f32 $8.000000000e+00, v17;
	v11 =	vld [tilespmem:s8+$0xFFFFFFE0];
	v17 =	vadd.s32 v0, v9  }
0x22e: {  	s16 =	simm.s32 $0x6640;
	s17 =	simm.s32 $0x9;
	[tilespmem:v16+s21+$0x0] =	vst.idx.msk $0xffff, v12;
	v20 =	vmul.f32 $8.000000000e+00, v18;
	v12 =	vld [tilespmem:s7+$0xFFFFFFF0];
	v16 =	vadd.s32 v1, v7  }
0x22f: {  	v19 =	vld [tilespmem:s16+$0x0];
	v13 =	vadd.s32 v2, v5;
	v18 =	vmov s17;
	[tilespmem:v21+s21+$0x0] =	vst.idx.msk $0xffff, v10;
	v26 =	vmul.f32 $8.000000000e+00, v22  }
0x230: {  	v14 =	vadd.s32 v3, v14;
	v10 =	vand.u32 $0x7F, v18;
	v18 =	vld [tilespmem:s12+$0x10];
	v22 =	vmul.f32 $8.000000000e+00, v15;
	[tilespmem:v23+s21+$0x0] =	vst.idx.msk $0xffff, v20  }
0x231: {  	s19 =	simm.s32 $0x8;
	s17 =	simm.s32 $0xA;
	s7 =	simm.s32 $0x6640;
	v20 =	vadd.s32 v0, v10;
	v15 =	vld [tilespmem:s11+$0x20];
	v21 =	vmul.f32 $8.000000000e+00, v24;
	[tilespmem:v25+s21+$0x0] =	vst.idx.msk $0xffff, v26  }
.LBB2_19:
0x232: {  	p0 =	slt.u32 s17, $0x7E;
	[tilespmem:v17+s21+$0x0] =	vst.idx.msk $0xffff, v22;
	v22 =	vadd.s32 v1, v8;
	v11 =	vmul.f32 $8.000000000e+00, v11;
	v23 =	vld [tilespmem:s8+$0x30]  }
0x233: {  	v17 =	vmov s19;
	s19 =	smov.u32 s17;
	v24 =	vld [tilespmem:s16+$0xFFFFFFC0];
	[tilespmem:v16+s21+$0x0] =	vst.idx.msk $0xffff, v21;
	v21 =	vadd.s32 v2, v6;
	v12 =	vmul.f32 $8.000000000e+00, v12  }
0x234: {  	v27 =	vadd.s32 v3, v4;
	v4 =	vmovc v6;
	v25 =	vand.u32 $0x7E, v17;
	v16 =	vmul.f32 $8.000000000e+00, v19;
	v26 =	vld [tilespmem:s12+$0xFFFFFFD0];
	[tilespmem:v13+s21+$0x0] =	vst.idx.msk $0xffff, v11  }
.Ltmp8:
0x235: {  	v6 =	vmovc v8;
	v8 =	vmov v10;
	v17 =	vadd.s32 v0, v25;
	v13 =	vmul.f32 $8.000000000e+00, v18;
	v11 =	vld [tilespmem:s11+$0xFFFFFFE0];
	[tilespmem:v14+s21+$0x0] =	vst.idx.msk $0xffff, v12;
	(pc) =	sbr.rel @p0 .LBB2_19-.Ltmp8, $4  }
0x236: {  	s23 =	sadd.s32 $0x1, s17;
	s16 =	sadd.s32 $0x80, s16;
	[tilespmem:v20+s21+$0x0] =	vst.idx.msk $0xffff, v16;
	v16 =	vadd.s32 v1, v9;
	v14 =	vmul.f32 $8.000000000e+00, v15;
	v12 =	vld [tilespmem:s8+$0xFFFFFFF0];
	s8 =	smov.u32 s11  }
0x237: {  	v10 =	vmov s23;
	s11 =	smov.u32 s12;
	s12 =	smov.u32 s7;
	s7 =	smov.u32 s16;
	v19 =	vld [tilespmem:s16+$0x0];
	[tilespmem:v22+s21+$0x0] =	vst.idx.msk $0xffff, v13;
	v13 =	vadd.s32 v2, v7;
	v23 =	vmul.f32 $8.000000000e+00, v23  }
0x238: {  	v10 =	vand.u32 $0x7F, v10;
	v22 =	vmul.f32 $8.000000000e+00, v24;
	v18 =	vld [tilespmem:s12+$0x10];
	[tilespmem:v21+s21+$0x0] =	vst.idx.msk $0xffff, v14;
	v14 =	vadd.s32 v3, v5;
	v5 =	vmovc v7  }
0x239: {  	s17 =	sadd.s32 $0x2, s17;
	v20 =	vadd.s32 v0, v10;
	v7 =	vmovc v9;
	v9 =	vmov v25;
	v21 =	vmul.f32 $8.000000000e+00, v26;
	v15 =	vld [tilespmem:s11+$0x20];
	[tilespmem:v27+s21+$0x0] =	vst.idx.msk $0xffff, v23  }
0x23a: {  	v23 =	vmov s19;
	v24 =	vld [tilespmem:s16+$0xFFFFFFC0]  }
0x23b: {  	v23 =	vand.u32 $0x7E, v23  }
0x23c: {  	v25 =	vadd.s32 v0, v23;
	_ =	sdelay $0x1  }
0x23d: {  	v19 =	vmul.f32 $8.000000000e+00, v19  }
0x23e: {  	[tilespmem:v17+s21+$0x0] =	vst.idx.msk $0xffff, v22;
	v62 =	vmul.f32 $8.000000000e+00, v24  }
0x23f: {  	v22 =	vld [tilespmem:s12+$0xFFFFFFD0];
	[tilespmem:v20+s21+$0x0] =	vst.idx.msk $0xffff, v19  }
0x240: {  	v63 =	vadd.s32 v1, v8;
	v20 =	vld [tilespmem:s7+$0x10];
	[tilespmem:v25+s21+$0x0] =	vst.idx.msk $0xffff, v62  }
0x241: {  	v28 =	vadd.s32 v1, v9;
	v29 =	vld [tilespmem:s7+$0xFFFFFFD0]  }
0x242: {  	v30 =	vadd.s32 v1, v10  }
0x243: {  	v26 =	vadd.s32 v1, v23;
	v18 =	vmul.f32 $8.000000000e+00, v18  }
0x244: {  	[tilespmem:v16+s21+$0x0] =	vst.idx.msk $0xffff, v21;
	v31 =	vmul.f32 $8.000000000e+00, v22  }
0x245: {  	v32 =	vld [tilespmem:s11+$0xFFFFFFE0];
	[tilespmem:v63+s21+$0x0] =	vst.idx.msk $0xffff, v18;
	v33 =	vmul.f32 $8.000000000e+00, v20  }
0x246: {  	v34 =	vadd.s32 v2, v6;
	v35 =	vld [tilespmem:s12+$0x20];
	[tilespmem:v28+s21+$0x0] =	vst.idx.msk $0xffff, v31;
	v36 =	vmul.f32 $8.000000000e+00, v29  }
0x247: {  	v11 =	vmul.f32 $8.000000000e+00, v11;
	v37 =	vadd.s32 v2, v7;
	v38 =	vld [tilespmem:s12+$0xFFFFFFE0];
	[tilespmem:v30+s21+$0x0] =	vst.idx.msk $0xffff, v33  }
0x248: {  	v39 =	vadd.s32 v2, v8;
	v12 =	vmul.f32 $8.000000000e+00, v12;
	v40 =	vld [tilespmem:s7+$0x20];
	[tilespmem:v26+s21+$0x0] =	vst.idx.msk $0xffff, v36  }
0x249: {  	v42 =	vadd.s32 v2, v9;
	[tilespmem:v13+s21+$0x0] =	vst.idx.msk $0xffff, v11;
	v41 =	vmul.f32 $8.000000000e+00, v15;
	v43 =	vld [tilespmem:s7+$0xFFFFFFE0]  }
0x24a: {  	v44 =	vld [tilespmem:s8+$0x30];
	v46 =	vadd.s32 v2, v10;
	[tilespmem:v14+s21+$0x0] =	vst.idx.msk $0xffff, v12;
	v45 =	vmul.f32 $8.000000000e+00, v32  }
0x24b: {  	v49 =	vadd.s32 v2, v23;
	v47 =	vld [tilespmem:s8+$0xFFFFFFF0];
	[tilespmem:v34+s21+$0x0] =	vst.idx.msk $0xffff, v41;
	v48 =	vmul.f32 $8.000000000e+00, v35  }
0x24c: {  	v4 =	vadd.s32 v3, v4;
	[tilespmem:v37+s21+$0x0] =	vst.idx.msk $0xffff, v45;
	v20 =	vld [tilespmem:s11+$0x30];
	v50 =	vmul.f32 $8.000000000e+00, v38  }
0x24d: {  	v5 =	vadd.s32 v3, v5;
	v51 =	vld [tilespmem:s11+$0xFFFFFFF0];
	[tilespmem:v39+s21+$0x0] =	vst.idx.msk $0xffff, v48;
	v52 =	vmul.f32 $8.000000000e+00, v40  }
0x24e: {  	v53 =	vadd.s32 v3, v6;
	v54 =	vld [tilespmem:s12+$0x30];
	[tilespmem:v42+s21+$0x0] =	vst.idx.msk $0xffff, v50;
	v55 =	vmul.f32 $8.000000000e+00, v43  }
0x24f: {  	v57 =	vadd.s32 v3, v7;
	v56 =	vmul.f32 $8.000000000e+00, v44;
	v58 =	vld [tilespmem:s12+$0xFFFFFFF0];
	[tilespmem:v46+s21+$0x0] =	vst.idx.msk $0xffff, v52  }
0x250: {  	v60 =	vadd.s32 v3, v8;
	v59 =	vmul.f32 $8.000000000e+00, v47;
	v14 =	vld [tilespmem:s7+$0x30];
	[tilespmem:v49+s21+$0x0] =	vst.idx.msk $0xffff, v55  }
0x251: {  	v61 =	vadd.s32 v3, v9;
	[tilespmem:v4+s21+$0x0] =	vst.idx.msk $0xffff, v56;
	v4 =	vmul.f32 $8.000000000e+00, v20;
	v12 =	vld [tilespmem:s7+$0xFFFFFFF0]  }
0x252: {  	v62 =	vadd.s32 v3, v10;
	[tilespmem:v5+s21+$0x0] =	vst.idx.msk $0xffff, v59;
	v5 =	vmul.f32 $8.000000000e+00, v51  }
0x253: {  	v63 =	vadd.s32 v3, v23;
	[tilespmem:v53+s21+$0x0] =	vst.idx.msk $0xffff, v4;
	v4 =	vmul.f32 $8.000000000e+00, v54  }
0x254: {  	[tilespmem:v57+s21+$0x0] =	vst.idx.msk $0xffff, v5;
	v5 =	vmul.f32 $8.000000000e+00, v58  }
0x255: {  	[tilespmem:v60+s21+$0x0] =	vst.idx.msk $0xffff, v4;
	v4 =	vmul.f32 $8.000000000e+00, v14  }
0x256: {  	s8 =	sor.u32 s6, s22;
	[tilespmem:v61+s21+$0x0] =	vst.idx.msk $0xffff, v5;
	v5 =	vmul.f32 $8.000000000e+00, v12  }
0x257: {  	s7 =	sshrl.u32 s8, $0x3;
	[tilespmem:v62+s21+$0x0] =	vst.idx.msk $0xffff, v4  }
0x258: {  	s11 =	simm.s32 $0xE400;
	s8 =	sadd.s32 s2, s7;
	[tilespmem:v63+s21+$0x0] =	vst.idx.msk $0xffff, v5  }
0x259: {  	[hbm4b:s8+s3] =	stream.linear.scatter [tilespmem:s11], [sflag:$0x5], $0x80, $0x38;
	[tilespmem:$0x16C00] =	vst v63  }
0x25a: {  	s12 =	simm.s32 $0xE488;
	s16 =	sadd.s32 $0x10, s8  }
0x25b: {  	[hbm4b:s16+s3] =	stream.linear.scatter [tilespmem:s12], [sflag:$0x5], $0x80, $0x38;
	[tilespmem:$0x16C00] =	vst v63  }
0x25c: {  	s17 =	simm.s32 $0xE510;
	s22 =	simm.s32 $0xE598;
	s19 =	sadd.s32 $0x20, s8  }
0x25d: {  	[hbm4b:s19+s3] =	stream.linear.scatter [tilespmem:s17], [sflag:$0x5], $0x80, $0x38;
	[tilespmem:$0x16C00] =	vst v63  }
0x25e: {  	s7 =	simm.s32 $0x440;
	s23 =	sadd.s32 $0x30, s8;
	s11 =	simm.s32 $0x2200  }
0x25f: {  	[hbm4b:s23+s3] =	stream.linear.scatter [tilespmem:s22], [sflag:$0x5], $0x80, $0x38;
	[tilespmem:$0x16C00] =	vst v63  }
0x260: {  	s12 =	simm.s32 $0xE620;
	s16 =	sadd.s32 $0x40, s8;
	s17 =	simm.s32 $0xE6A8  }
0x261: {  	[hbm4b:s16+s3] =	stream.linear.scatter [tilespmem:s12], [sflag:$0x5], $0x80, $0x38;
	[tilespmem:$0x16C00] =	vst v63  }
0x262: {  	s19 =	sadd.s32 $0x50, s8;
	s22 =	simm.s32 $0xE730;
	s23 =	sadd.s32 $0x60, s8  }
0x263: {  	[hbm4b:s19+s3] =	stream.linear.scatter [tilespmem:s17], [sflag:$0x5], $0x80, $0x38;
	[tilespmem:$0x16C00] =	vst v63  }
0x264: {  	s12 =	simm.s32 $0xE7B8;
	s16 =	sadd.s32 $0x70, s8;
	s8 =	sadd.s32 $0x1000, s8  }
0x265: {  	[hbm4b:s23+s3] =	stream.linear.scatter [tilespmem:s22], [sflag:$0x5], $0x80, $0x38;
	[tilespmem:$0x16C00] =	vst v63  }
.LBB2_21:
0x266: {  	[hbm4b:s16+s3] =	stream.linear.scatter [tilespmem:s12], [sflag:$0x5], $0x80, $0x38;
	[tilespmem:$0x16C00] =	vst v63  }
0x267: {  	s12 =	smov.u32 s7;
	s7 =	smov.u32 s11  }
0x268: {  	s17 =	sadd.s32 $0x1100, s11;
	s7 =	sshra.s32 s7, $0x2;
	s16 =	sadd.s32 $0xE400, s12  }
0x269: {  	[hbm4b:s8+s3] =	stream.linear.scatter [tilespmem:s16], [sflag:$0x5], $0x80, $0x38;
	[tilespmem:$0x16C00] =	vst v63  }
0x26a: {  	p0 =	sne.s32 s11, $0x7700;
	s11 =	sadd.s32 $0xE488, s12;
	s16 =	sadd.s32 $0x10, s8  }
0x26b: {  	[hbm4b:s16+s3] =	stream.linear.scatter [tilespmem:s11], [sflag:$0x5], $0x80, $0x38;
	[tilespmem:$0x16C00] =	vst v63  }
0x26c: {  	s11 =	sadd.s32 $0xE510, s12;
	s16 =	sadd.s32 $0x20, s8  }
0x26d: {  	[hbm4b:s16+s3] =	stream.linear.scatter [tilespmem:s11], [sflag:$0x5], $0x80, $0x38;
	[tilespmem:$0x16C00] =	vst v63  }
0x26e: {  	s11 =	sadd.s32 $0xE598, s12;
	s16 =	sadd.s32 $0x30, s8  }
0x26f: {  	[hbm4b:s16+s3] =	stream.linear.scatter [tilespmem:s11], [sflag:$0x5], $0x80, $0x38;
	[tilespmem:$0x16C00] =	vst v63  }
0x270: {  	s11 =	sadd.s32 $0xE620, s12;
	s16 =	sadd.s32 $0x40, s8  }
0x271: {  	[hbm4b:s16+s3] =	stream.linear.scatter [tilespmem:s11], [sflag:$0x5], $0x80, $0x38;
	[tilespmem:$0x16C00] =	vst v63  }
.Ltmp9:
0x272: {  	s11 =	sadd.s32 $0xE6A8, s12;
	s16 =	sadd.s32 $0x50, s8;
	(pc) =	sbr.rel @p0 .LBB2_21-.Ltmp9, $4  }
0x273: {  	[hbm4b:s16+s3] =	stream.linear.scatter [tilespmem:s11], [sflag:$0x5], $0x80, $0x38;
	[tilespmem:$0x16C00] =	vst v63  }
0x274: {  	s11 =	sadd.s32 $0xE730, s12;
	s16 =	sadd.s32 $0x60, s8;
	s12 =	sadd.s32 $0xE7B8, s12  }
0x275: {  	[hbm4b:s16+s3] =	stream.linear.scatter [tilespmem:s11], [sflag:$0x5], $0x80, $0x38;
	[tilespmem:$0x16C00] =	vst v63  }
0x276: {  	s16 =	sadd.s32 $0x70, s8;
	s8 =	sadd.s32 $0x1000, s8;
	s11 =	smov.u32 s17  }
0x277: {  	[hbm4b:s16+s3] =	stream.linear.scatter [tilespmem:s12], [sflag:$0x5], $0x80, $0x38;
	[tilespmem:$0x16C00] =	vst v63  }
0x278: {  	s11 =	sadd.s32 $0xE400, s7  }
0x279: {  	[hbm4b:s8+s3] =	stream.linear.scatter [tilespmem:s11], [sflag:$0x5], $0x80, $0x38;
	[tilespmem:$0x16C00] =	vst v63  }
0x27a: {  	s12 =	sadd.s32 $0xE488, s7;
	s16 =	sadd.s32 $0x10, s8  }
0x27b: {  	[hbm4b:s16+s3] =	stream.linear.scatter [tilespmem:s12], [sflag:$0x5], $0x80, $0x38;
	[tilespmem:$0x16C00] =	vst v63  }
0x27c: {  	s17 =	sadd.s32 $0xE510, s7;
	s19 =	sadd.s32 $0x20, s8  }
0x27d: {  	[hbm4b:s19+s3] =	stream.linear.scatter [tilespmem:s17], [sflag:$0x5], $0x80, $0x38;
	[tilespmem:$0x16C00] =	vst v63  }
0x27e: {  	s22 =	sadd.s32 $0xE598, s7;
	s23 =	sadd.s32 $0x30, s8  }
0x27f: {  	[hbm4b:s23+s3] =	stream.linear.scatter [tilespmem:s22], [sflag:$0x5], $0x80, $0x38;
	[tilespmem:$0x16C00] =	vst v63  }
0x280: {  	s12 =	sadd.s32 $0xE620, s7;
	s16 =	sadd.s32 $0x40, s8  }
0x281: {  	[hbm4b:s16+s3] =	stream.linear.scatter [tilespmem:s12], [sflag:$0x5], $0x80, $0x38;
	[tilespmem:$0x16C00] =	vst v63  }
0x282: {  	s17 =	sadd.s32 $0xE6A8, s7;
	s19 =	sadd.s32 $0x50, s8  }
0x283: {  	[hbm4b:s19+s3] =	stream.linear.scatter [tilespmem:s17], [sflag:$0x5], $0x80, $0x38;
	[tilespmem:$0x16C00] =	vst v63  }
0x284: {  	s22 =	sadd.s32 $0xE730, s7;
	s23 =	sadd.s32 $0x60, s8  }
0x285: {  	[hbm4b:s23+s3] =	stream.linear.scatter [tilespmem:s22], [sflag:$0x5], $0x80, $0x38;
	[tilespmem:$0x16C00] =	vst v63  }
0x286: {  	s16 =	sadd.s32 $0xE7B8, s7;
	s17 =	sadd.s32 $0x70, s8  }
0x287: {  	[hbm4b:s17+s3] =	stream.linear.scatter [tilespmem:s16], [sflag:$0x5], $0x80, $0x38;
	[tilespmem:$0x16C00] =	vst v63  }
0x288: {  	_ =	swait.ge [sflag:s18], $0x2000  }
0x289: {  	[sflag:s18] =	ssyncset.done $0x0  }
0x28a: {  	s19 =	sadd.s32 $0x180, s13;
	s22 =	simm.s32 $0xC400;
	[sflag:s18] =	ssyncadd.s32 $0xFFFFE000  }
0x28b: {  	[tilespmem:s22], [sflag:$0x4] =	stream.indirect.gather [hbm4b:s4+s15], $0x40, s19, s15, $0xb8;
	[tilespmem:$0x16C00] =	vst v63  }
0x28c: {  	_ =	swait.ge [sflag:s24], $0x2000  }
0x28d: {  	[sflag:s24] =	ssyncset.done $0x0  }
0x28e: {  	s7 =	simm.s32 $0x8470;
	s23 =	simm.s32 $0x1;
	[sflag:s24] =	ssyncadd.s32 $0xFFFFE000  }
0x28f: {  	v4 =	vmov s23;
	v5 =	vld [tilespmem:s7+$0xFFFFFFD0]  }
0x290: {  	v9 =	vand.u32 $0x7F, v4  }
0x291: {  	v4 =	vadd.s32 v0, v9  }
0x292: {  	s11 =	simm.s32 $0x0  }
0x293: {  	v6 =	vmov s11;
	v7 =	vld [tilespmem:s7+$0xFFFFFF90]  }
0x294: {  	v14 =	vand.u32 $0x7E, v6;
	v5 =	vmul.f32 $8.000000000e+00, v5  }
0x295: {  	v6 =	vadd.s32 v0, v14;
	s12 =	simm.s32 $0x3;
	s8 =	simm.s32 $0x84F0  }
0x296: {  	v8 =	vld [tilespmem:s8+$0xFFFFFFD0];
	[tilespmem:v4+s25+$0x0] =	vst.idx.msk $0xffff, v5;
	v4 =	vmov s12  }
0x297: {  	v4 =	vand.u32 $0x7F, v4;
	v10 =	vld [tilespmem:s7+$0xFFFFFFE0]  }
0x298: {  	v5 =	vmul.f32 $8.000000000e+00, v7;
	v7 =	vadd.s32 v0, v4  }
0x299: {  	s13 =	simm.s32 $0x2;
	v11 =	vadd.s32 v1, v9  }
0x29a: {  	v12 =	vld [tilespmem:s8+$0xFFFFFF90];
	[tilespmem:v6+s25+$0x0] =	vst.idx.msk $0xffff, v5;
	v5 =	vmov s13  }
0x29b: {  	v6 =	vmul.f32 $8.000000000e+00, v8;
	v5 =	vand.u32 $0x7E, v5;
	v8 =	vld [tilespmem:s7+$0xFFFFFFA0]  }
0x29c: {  	s11 =	simm.s32 $0x8570;
	s16 =	simm.s32 $0x5;
	v13 =	vadd.s32 v0, v5;
	v10 =	vmul.f32 $8.000000000e+00, v10  }
0x29d: {  	v15 =	vld [tilespmem:s11+$0xFFFFFFD0];
	[tilespmem:v7+s25+$0x0] =	vst.idx.msk $0xffff, v6;
	v7 =	vadd.s32 v1, v14;
	v6 =	vmov s16  }
0x29e: {  	[tilespmem:v11+s25+$0x0] =	vst.idx.msk $0xffff, v10;
	v6 =	vand.u32 $0x7F, v6;
	v10 =	vld [tilespmem:s8+$0xFFFFFFE0]  }
0x29f: {  	v11 =	vmul.f32 $8.000000000e+00, v12;
	v12 =	vadd.s32 v0, v6;
	v16 =	vld [tilespmem:s7+$0xFFFFFFF0]  }
0x2a0: {  	s17 =	simm.s32 $0x4;
	v17 =	vadd.s32 v1, v4;
	v8 =	vmul.f32 $8.000000000e+00, v8  }
0x2a1: {  	v18 =	vadd.s32 v2, v9;
	[tilespmem:v13+s25+$0x0] =	vst.idx.msk $0xffff, v11;
	v11 =	vmov s17;
	v13 =	vld [tilespmem:s11+$0xFFFFFF90]  }
0x2a2: {  	[tilespmem:v7+s25+$0x0] =	vst.idx.msk $0xffff, v8;
	v7 =	vand.u32 $0x7E, v11;
	v8 =	vmul.f32 $8.000000000e+00, v15;
	v11 =	vld [tilespmem:s8+$0xFFFFFFA0]  }
0x2a3: {  	s19 =	simm.s32 $0x7;
	s12 =	simm.s32 $0x85F0;
	v15 =	vadd.s32 v0, v7;
	v10 =	vmul.f32 $8.000000000e+00, v10;
	v19 =	vld [tilespmem:s7+$0xFFFFFFB0]  }
0x2a4: {  	v20 =	vld [tilespmem:s12+$0xFFFFFFD0];
	[tilespmem:v12+s25+$0x0] =	vst.idx.msk $0xffff, v8;
	v12 =	vadd.s32 v1, v5;
	v16 =	vmul.f32 $8.000000000e+00, v16;
	v8 =	vmov s19  }
0x2a5: {  	[tilespmem:v17+s25+$0x0] =	vst.idx.msk $0xffff, v10;
	v10 =	vadd.s32 v2, v14;
	v8 =	vand.u32 $0x7F, v8;
	v17 =	vld [tilespmem:s11+$0xFFFFFFE0]  }
0x2a6: {  	v13 =	vmul.f32 $8.000000000e+00, v13;
	[tilespmem:v18+s25+$0x0] =	vst.idx.msk $0xffff, v16;
	v16 =	vadd.s32 v0, v8;
	v18 =	vld [tilespmem:s8+$0xFFFFFFF0]  }
0x2a7: {  	s22 =	simm.s32 $0x6;
	v21 =	vadd.s32 v1, v6;
	v11 =	vmul.f32 $8.000000000e+00, v11;
	v22 =	vld [tilespmem:s7+$0x0]  }
0x2a8: {  	v23 =	vadd.s32 v2, v4;
	[tilespmem:v15+s25+$0x0] =	vst.idx.msk $0xffff, v13;
	v13 =	vmul.f32 $8.000000000e+00, v19;
	v15 =	vld [tilespmem:s12+$0xFFFFFF90];
	v19 =	vmov s22  }
0x2a9: {  	v25 =	vadd.s32 v3, v9;
	[tilespmem:v12+s25+$0x0] =	vst.idx.msk $0xffff, v11;
	v12 =	vmul.f32 $8.000000000e+00, v20;
	v24 =	vld [tilespmem:s11+$0xFFFFFFA0];
	v9 =	vand.u32 $0x7E, v19  }
0x2aa: {  	[tilespmem:v10+s25+$0x0] =	vst.idx.msk $0xffff, v13;
	v10 =	vmul.f32 $8.000000000e+00, v17;
	v11 =	vld [tilespmem:s8+$0xFFFFFFB0];
	v17 =	vadd.s32 v0, v9  }
0x2ab: {  	s23 =	simm.s32 $0x9;
	s13 =	simm.s32 $0x8670;
	[tilespmem:v16+s25+$0x0] =	vst.idx.msk $0xffff, v12;
	v20 =	vmul.f32 $8.000000000e+00, v18;
	v12 =	vld [tilespmem:s7+$0xFFFFFFC0];
	v16 =	vadd.s32 v1, v7  }
0x2ac: {  	v19 =	vld [tilespmem:s13+$0xFFFFFFD0];
	v13 =	vadd.s32 v2, v5;
	v18 =	vmov s23;
	[tilespmem:v21+s25+$0x0] =	vst.idx.msk $0xffff, v10;
	v26 =	vmul.f32 $8.000000000e+00, v22  }
0x2ad: {  	v14 =	vadd.s32 v3, v14;
	v10 =	vand.u32 $0x7F, v18;
	v18 =	vld [tilespmem:s12+$0xFFFFFFE0];
	v22 =	vmul.f32 $8.000000000e+00, v15;
	[tilespmem:v23+s25+$0x0] =	vst.idx.msk $0xffff, v20  }
0x2ae: {  	s16 =	simm.s32 $0xA;
	s17 =	simm.s32 $0x8;
	s7 =	simm.s32 $0x8670;
	v20 =	vadd.s32 v0, v10;
	v15 =	vld [tilespmem:s11+$0xFFFFFFF0];
	v21 =	vmul.f32 $8.000000000e+00, v24;
	[tilespmem:v25+s25+$0x0] =	vst.idx.msk $0xffff, v26  }
.LBB2_23:
0x2af: {  	p0 =	slt.u32 s16, $0x7E;
	[tilespmem:v17+s25+$0x0] =	vst.idx.msk $0xffff, v22;
	v22 =	vadd.s32 v1, v8;
	v11 =	vmul.f32 $8.000000000e+00, v11;
	v23 =	vld [tilespmem:s8+$0x0]  }
0x2b0: {  	v17 =	vmov s17;
	s17 =	smov.u32 s16;
	v24 =	vld [tilespmem:s13+$0xFFFFFF90];
	[tilespmem:v16+s25+$0x0] =	vst.idx.msk $0xffff, v21;
	v21 =	vadd.s32 v2, v6;
	v12 =	vmul.f32 $8.000000000e+00, v12  }
0x2b1: {  	v27 =	vadd.s32 v3, v4;
	v4 =	vmovc v6;
	v25 =	vand.u32 $0x7E, v17;
	v16 =	vmul.f32 $8.000000000e+00, v19;
	v26 =	vld [tilespmem:s12+$0xFFFFFFA0];
	[tilespmem:v13+s25+$0x0] =	vst.idx.msk $0xffff, v11  }
.Ltmp10:
0x2b2: {  	v6 =	vmovc v8;
	v8 =	vmov v10;
	v17 =	vadd.s32 v0, v25;
	v13 =	vmul.f32 $8.000000000e+00, v18;
	v11 =	vld [tilespmem:s11+$0xFFFFFFB0];
	[tilespmem:v14+s25+$0x0] =	vst.idx.msk $0xffff, v12;
	(pc) =	sbr.rel @p0 .LBB2_23-.Ltmp10, $4  }
0x2b3: {  	s19 =	sadd.s32 $0x1, s16;
	s13 =	sadd.s32 $0x80, s13;
	[tilespmem:v20+s25+$0x0] =	vst.idx.msk $0xffff, v16;
	v16 =	vadd.s32 v1, v9;
	v14 =	vmul.f32 $8.000000000e+00, v15;
	v12 =	vld [tilespmem:s8+$0xFFFFFFC0];
	s8 =	smov.u32 s11  }
0x2b4: {  	v10 =	vmov s19;
	s11 =	smov.u32 s12;
	s12 =	smov.u32 s7;
	s7 =	smov.u32 s13;
	v19 =	vld [tilespmem:s13+$0xFFFFFFD0];
	[tilespmem:v22+s25+$0x0] =	vst.idx.msk $0xffff, v13;
	v13 =	vadd.s32 v2, v7;
	v23 =	vmul.f32 $8.000000000e+00, v23  }
0x2b5: {  	v10 =	vand.u32 $0x7F, v10;
	v22 =	vmul.f32 $8.000000000e+00, v24;
	v18 =	vld [tilespmem:s12+$0xFFFFFFE0];
	[tilespmem:v21+s25+$0x0] =	vst.idx.msk $0xffff, v14;
	v14 =	vadd.s32 v3, v5;
	v5 =	vmovc v7  }
0x2b6: {  	s16 =	sadd.s32 $0x2, s16;
	v20 =	vadd.s32 v0, v10;
	v7 =	vmovc v9;
	v9 =	vmov v25;
	v21 =	vmul.f32 $8.000000000e+00, v26;
	v15 =	vld [tilespmem:s11+$0xFFFFFFF0];
	[tilespmem:v27+s25+$0x0] =	vst.idx.msk $0xffff, v23  }
0x2b7: {  	v23 =	vmov s17;
	v24 =	vld [tilespmem:s13+$0xFFFFFF90]  }
0x2b8: {  	v23 =	vand.u32 $0x7E, v23  }
0x2b9: {  	v25 =	vadd.s32 v0, v23;
	_ =	sdelay $0x1  }
0x2ba: {  	v19 =	vmul.f32 $8.000000000e+00, v19  }
0x2bb: {  	[tilespmem:v17+s25+$0x0] =	vst.idx.msk $0xffff, v22;
	v62 =	vmul.f32 $8.000000000e+00, v24  }
0x2bc: {  	v22 =	vld [tilespmem:s12+$0xFFFFFFA0];
	[tilespmem:v20+s25+$0x0] =	vst.idx.msk $0xffff, v19  }
0x2bd: {  	v63 =	vadd.s32 v1, v8;
	v20 =	vld [tilespmem:s7+$0xFFFFFFE0];
	[tilespmem:v25+s25+$0x0] =	vst.idx.msk $0xffff, v62  }
0x2be: {  	v28 =	vadd.s32 v1, v9;
	v29 =	vld [tilespmem:s7+$0xFFFFFFA0]  }
0x2bf: {  	v30 =	vadd.s32 v1, v10  }
0x2c0: {  	v26 =	vadd.s32 v1, v23;
	v18 =	vmul.f32 $8.000000000e+00, v18  }
0x2c1: {  	[tilespmem:v16+s25+$0x0] =	vst.idx.msk $0xffff, v21;
	v31 =	vmul.f32 $8.000000000e+00, v22  }
0x2c2: {  	v32 =	vld [tilespmem:s11+$0xFFFFFFB0];
	[tilespmem:v63+s25+$0x0] =	vst.idx.msk $0xffff, v18;
	v33 =	vmul.f32 $8.000000000e+00, v20  }
0x2c3: {  	v34 =	vadd.s32 v2, v6;
	v35 =	vld [tilespmem:s12+$0xFFFFFFF0];
	[tilespmem:v28+s25+$0x0] =	vst.idx.msk $0xffff, v31;
	v36 =	vmul.f32 $8.000000000e+00, v29  }
0x2c4: {  	v11 =	vmul.f32 $8.000000000e+00, v11;
	v37 =	vadd.s32 v2, v7;
	v38 =	vld [tilespmem:s12+$0xFFFFFFB0];
	[tilespmem:v30+s25+$0x0] =	vst.idx.msk $0xffff, v33  }
0x2c5: {  	v39 =	vadd.s32 v2, v8;
	v12 =	vmul.f32 $8.000000000e+00, v12;
	v40 =	vld [tilespmem:s7+$0xFFFFFFF0];
	[tilespmem:v26+s25+$0x0] =	vst.idx.msk $0xffff, v36  }
0x2c6: {  	v42 =	vadd.s32 v2, v9;
	[tilespmem:v13+s25+$0x0] =	vst.idx.msk $0xffff, v11;
	v41 =	vmul.f32 $8.000000000e+00, v15;
	v43 =	vld [tilespmem:s7+$0xFFFFFFB0]  }
0x2c7: {  	v44 =	vld [tilespmem:s8+$0x0];
	v46 =	vadd.s32 v2, v10;
	[tilespmem:v14+s25+$0x0] =	vst.idx.msk $0xffff, v12;
	v45 =	vmul.f32 $8.000000000e+00, v32  }
0x2c8: {  	v49 =	vadd.s32 v2, v23;
	v47 =	vld [tilespmem:s8+$0xFFFFFFC0];
	[tilespmem:v34+s25+$0x0] =	vst.idx.msk $0xffff, v41;
	v48 =	vmul.f32 $8.000000000e+00, v35  }
0x2c9: {  	v4 =	vadd.s32 v3, v4;
	[tilespmem:v37+s25+$0x0] =	vst.idx.msk $0xffff, v45;
	v20 =	vld [tilespmem:s11+$0x0];
	v50 =	vmul.f32 $8.000000000e+00, v38  }
0x2ca: {  	v5 =	vadd.s32 v3, v5;
	v51 =	vld [tilespmem:s11+$0xFFFFFFC0];
	[tilespmem:v39+s25+$0x0] =	vst.idx.msk $0xffff, v48;
	v52 =	vmul.f32 $8.000000000e+00, v40  }
0x2cb: {  	v53 =	vadd.s32 v3, v6;
	v54 =	vld [tilespmem:s12+$0x0];
	[tilespmem:v42+s25+$0x0] =	vst.idx.msk $0xffff, v50;
	v55 =	vmul.f32 $8.000000000e+00, v43  }
0x2cc: {  	v57 =	vadd.s32 v3, v7;
	v56 =	vmul.f32 $8.000000000e+00, v44;
	v58 =	vld [tilespmem:s12+$0xFFFFFFC0];
	[tilespmem:v46+s25+$0x0] =	vst.idx.msk $0xffff, v52  }
0x2cd: {  	v60 =	vadd.s32 v3, v8;
	v59 =	vmul.f32 $8.000000000e+00, v47;
	v14 =	vld [tilespmem:s7+$0x0];
	[tilespmem:v49+s25+$0x0] =	vst.idx.msk $0xffff, v55  }
0x2ce: {  	v61 =	vadd.s32 v3, v9;
	[tilespmem:v4+s25+$0x0] =	vst.idx.msk $0xffff, v56;
	v4 =	vmul.f32 $8.000000000e+00, v20;
	v12 =	vld [tilespmem:s7+$0xFFFFFFC0]  }
0x2cf: {  	v62 =	vadd.s32 v3, v10;
	[tilespmem:v5+s25+$0x0] =	vst.idx.msk $0xffff, v59;
	v5 =	vmul.f32 $8.000000000e+00, v51  }
0x2d0: {  	v63 =	vadd.s32 v3, v23;
	[tilespmem:v53+s25+$0x0] =	vst.idx.msk $0xffff, v4;
	v4 =	vmul.f32 $8.000000000e+00, v54  }
0x2d1: {  	[tilespmem:v57+s25+$0x0] =	vst.idx.msk $0xffff, v5;
	v5 =	vmul.f32 $8.000000000e+00, v58  }
0x2d2: {  	s14 =	sshll.u32 s14, $0x12;
	[tilespmem:v60+s25+$0x0] =	vst.idx.msk $0xffff, v4;
	v4 =	vmul.f32 $8.000000000e+00, v14  }
0x2d3: {  	[tilespmem:v61+s25+$0x0] =	vst.idx.msk $0xffff, v5;
	s7 =	sor.u32 s6, s14;
	v5 =	vmul.f32 $8.000000000e+00, v12  }
0x2d4: {  	s7 =	sshrl.u32 s7, $0x3;
	[tilespmem:v62+s25+$0x0] =	vst.idx.msk $0xffff, v4  }
0x2d5: {  	s16 =	simm.s32 $0x10600;
	s8 =	sadd.s32 s2, s7;
	[tilespmem:v63+s25+$0x0] =	vst.idx.msk $0xffff, v5  }
0x2d6: {  	[hbm4b:s8+s3] =	stream.linear.scatter [tilespmem:s16], [sflag:$0x6], $0x80, $0x38;
	[tilespmem:$0x16C00] =	vst v63  }
0x2d7: {  	s17 =	simm.s32 $0x10688;
	s19 =	sadd.s32 $0x10, s8  }
0x2d8: {  	[hbm4b:s19+s3] =	stream.linear.scatter [tilespmem:s17], [sflag:$0x6], $0x80, $0x38;
	[tilespmem:$0x16C00] =	vst v63  }
0x2d9: {  	s22 =	simm.s32 $0x10710;
	s11 =	simm.s32 $0x2200;
	s23 =	sadd.s32 $0x20, s8  }
0x2da: {  	[hbm4b:s23+s3] =	stream.linear.scatter [tilespmem:s22], [sflag:$0x6], $0x80, $0x38;
	[tilespmem:$0x16C00] =	vst v63  }
0x2db: {  	s12 =	simm.s32 $0x10798;
	s14 =	simm.s32 $0x10820;
	s13 =	sadd.s32 $0x30, s8  }
0x2dc: {  	[hbm4b:s13+s3] =	stream.linear.scatter [tilespmem:s12], [sflag:$0x6], $0x80, $0x38;
	[tilespmem:$0x16C00] =	vst v63  }
0x2dd: {  	s7 =	simm.s32 $0x440;
	s16 =	sadd.s32 $0x40, s8;
	s17 =	simm.s32 $0x108A8  }
0x2de: {  	[hbm4b:s16+s3] =	stream.linear.scatter [tilespmem:s14], [sflag:$0x6], $0x80, $0x38;
	[tilespmem:$0x16C00] =	vst v63  }
0x2df: {  	s19 =	sadd.s32 $0x50, s8;
	s22 =	simm.s32 $0x10930;
	s23 =	sadd.s32 $0x60, s8  }
0x2e0: {  	[hbm4b:s19+s3] =	stream.linear.scatter [tilespmem:s17], [sflag:$0x6], $0x80, $0x38;
	[tilespmem:$0x16C00] =	vst v63  }
0x2e1: {  	s12 =	simm.s32 $0x109B8;
	s13 =	sadd.s32 $0x70, s8;
	s8 =	sadd.s32 $0x1000, s8  }
0x2e2: {  	[hbm4b:s23+s3] =	stream.linear.scatter [tilespmem:s22], [sflag:$0x6], $0x80, $0x38;
	[tilespmem:$0x16C00] =	vst v63  }
.LBB2_25:
0x2e3: {  	[hbm4b:s13+s3] =	stream.linear.scatter [tilespmem:s12], [sflag:$0x6], $0x80, $0x38;
	[tilespmem:$0x16C00] =	vst v63  }
0x2e4: {  	s12 =	smov.u32 s7;
	s7 =	smov.u32 s11  }
0x2e5: {  	s14 =	sadd.s32 $0x1100, s11;
	s7 =	sshra.s32 s7, $0x2;
	s13 =	sadd.s32 $0x10600, s12  }
0x2e6: {  	[hbm4b:s8+s3] =	stream.linear.scatter [tilespmem:s13], [sflag:$0x6], $0x80, $0x38;
	[tilespmem:$0x16C00] =	vst v63  }
0x2e7: {  	p0 =	sne.s32 s11, $0x7700;
	s11 =	sadd.s32 $0x10688, s12;
	s13 =	sadd.s32 $0x10, s8  }
0x2e8: {  	[hbm4b:s13+s3] =	stream.linear.scatter [tilespmem:s11], [sflag:$0x6], $0x80, $0x38;
	[tilespmem:$0x16C00] =	vst v63  }
0x2e9: {  	s11 =	sadd.s32 $0x10710, s12;
	s13 =	sadd.s32 $0x20, s8  }
0x2ea: {  	[hbm4b:s13+s3] =	stream.linear.scatter [tilespmem:s11], [sflag:$0x6], $0x80, $0x38;
	[tilespmem:$0x16C00] =	vst v63  }
0x2eb: {  	s11 =	sadd.s32 $0x10798, s12;
	s13 =	sadd.s32 $0x30, s8  }
0x2ec: {  	[hbm4b:s13+s3] =	stream.linear.scatter [tilespmem:s11], [sflag:$0x6], $0x80, $0x38;
	[tilespmem:$0x16C00] =	vst v63  }
0x2ed: {  	s11 =	sadd.s32 $0x10820, s12;
	s13 =	sadd.s32 $0x40, s8  }
0x2ee: {  	[hbm4b:s13+s3] =	stream.linear.scatter [tilespmem:s11], [sflag:$0x6], $0x80, $0x38;
	[tilespmem:$0x16C00] =	vst v63  }
.Ltmp11:
0x2ef: {  	s11 =	sadd.s32 $0x108A8, s12;
	s13 =	sadd.s32 $0x50, s8;
	(pc) =	sbr.rel @p0 .LBB2_25-.Ltmp11, $4  }
0x2f0: {  	[hbm4b:s13+s3] =	stream.linear.scatter [tilespmem:s11], [sflag:$0x6], $0x80, $0x38;
	[tilespmem:$0x16C00] =	vst v63  }
0x2f1: {  	s11 =	sadd.s32 $0x10930, s12;
	s13 =	sadd.s32 $0x60, s8;
	s12 =	sadd.s32 $0x109B8, s12  }
0x2f2: {  	[hbm4b:s13+s3] =	stream.linear.scatter [tilespmem:s11], [sflag:$0x6], $0x80, $0x38;
	[tilespmem:$0x16C00] =	vst v63  }
0x2f3: {  	s13 =	sadd.s32 $0x70, s8;
	s8 =	sadd.s32 $0x1000, s8;
	s11 =	smov.u32 s14  }
0x2f4: {  	[hbm4b:s13+s3] =	stream.linear.scatter [tilespmem:s12], [sflag:$0x6], $0x80, $0x38;
	[tilespmem:$0x16C00] =	vst v63  }
0x2f5: {  	s11 =	sadd.s32 $0x10600, s7  }
0x2f6: {  	[hbm4b:s8+s3] =	stream.linear.scatter [tilespmem:s11], [sflag:$0x6], $0x80, $0x38;
	[tilespmem:$0x16C00] =	vst v63  }
0x2f7: {  	s14 =	sadd.s32 $0x10688, s7;
	s16 =	sadd.s32 $0x10, s8  }
0x2f8: {  	[hbm4b:s16+s3] =	stream.linear.scatter [tilespmem:s14], [sflag:$0x6], $0x80, $0x38;
	[tilespmem:$0x16C00] =	vst v63  }
0x2f9: {  	s17 =	sadd.s32 $0x10710, s7;
	s19 =	sadd.s32 $0x20, s8  }
0x2fa: {  	[hbm4b:s19+s3] =	stream.linear.scatter [tilespmem:s17], [sflag:$0x6], $0x80, $0x38;
	[tilespmem:$0x16C00] =	vst v63  }
0x2fb: {  	s22 =	sadd.s32 $0x10798, s7;
	s23 =	sadd.s32 $0x30, s8  }
0x2fc: {  	[hbm4b:s23+s3] =	stream.linear.scatter [tilespmem:s22], [sflag:$0x6], $0x80, $0x38;
	[tilespmem:$0x16C00] =	vst v63  }
0x2fd: {  	s12 =	sadd.s32 $0x10820, s7;
	s13 =	sadd.s32 $0x40, s8;
	s5 =	sadd.s32 $0x1, s5  }
0x2fe: {  	[hbm4b:s13+s3] =	stream.linear.scatter [tilespmem:s12], [sflag:$0x6], $0x80, $0x38;
	[tilespmem:$0x16C00] =	vst v63  }
0x2ff: {  	p0 =	sne.s32 s5, $0x32;
	s14 =	sadd.s32 $0x108A8, s7;
	s16 =	sadd.s32 $0x50, s8  }
0x300: {  	[hbm4b:s16+s3] =	stream.linear.scatter [tilespmem:s14], [sflag:$0x6], $0x80, $0x38;
	[tilespmem:$0x16C00] =	vst v63  }
.Ltmp12:
0x301: {  	_ = 	snop;
	(pc) =	sbr.rel @p0 .LBB2_10-.Ltmp12, $4  }
0x302: {  	s17 =	sadd.s32 $0x10930, s7;
	s19 =	sadd.s32 $0x60, s8  }
0x303: {  	[hbm4b:s19+s3] =	stream.linear.scatter [tilespmem:s17], [sflag:$0x6], $0x80, $0x38;
	[tilespmem:$0x16C00] =	vst v63  }
0x304: {  	s22 =	sadd.s32 $0x109B8, s7;
	s23 =	sadd.s32 $0x70, s8  }
0x305: {  	[hbm4b:s23+s3] =	stream.linear.scatter [tilespmem:s22], [sflag:$0x6], $0x80, $0x38;
	[tilespmem:$0x16C00] =	vst v63  }
0x306: {  	_ =	swait.ge [sflag:s28], $0x2000  }
0x307: {  	[sflag:s28] =	ssyncset.done $0x0  }
0x308: {  	s7 =	simm.s32 $0xA470;
	s5 =	simm.s32 $0x1;
	[sflag:s28] =	ssyncadd.s32 $0xFFFFE000  }
0x309: {  	v4 =	vmov s5;
	v5 =	vld [tilespmem:s7+$0xFFFFFFD0]  }
0x30a: {  	v9 =	vand.u32 $0x7F, v4  }
0x30b: {  	v4 =	vadd.s32 v0, v9  }
0x30c: {  	s17 =	simm.s32 $0x0  }
0x30d: {  	v6 =	vmov s17;
	v7 =	vld [tilespmem:s7+$0xFFFFFF90]  }
0x30e: {  	v14 =	vand.u32 $0x7E, v6;
	v5 =	vmul.f32 $8.000000000e+00, v5  }
0x30f: {  	s8 =	simm.s32 $0x3;
	s5 =	simm.s32 $0xA4F0;
	v6 =	vadd.s32 v0, v14  }
0x310: {  	v8 =	vld [tilespmem:s5+$0xFFFFFFD0];
	[tilespmem:v4+s29+$0x0] =	vst.idx.msk $0xffff, v5;
	v4 =	vmov s8  }
0x311: {  	v4 =	vand.u32 $0x7F, v4;
	v10 =	vld [tilespmem:s7+$0xFFFFFFE0]  }
0x312: {  	v5 =	vmul.f32 $8.000000000e+00, v7;
	v7 =	vadd.s32 v0, v4  }
0x313: {  	s19 =	simm.s32 $0x2;
	v11 =	vadd.s32 v1, v9  }
0x314: {  	v12 =	vld [tilespmem:s5+$0xFFFFFF90];
	[tilespmem:v6+s29+$0x0] =	vst.idx.msk $0xffff, v5;
	v5 =	vmov s19  }
0x315: {  	v6 =	vmul.f32 $8.000000000e+00, v8;
	v5 =	vand.u32 $0x7E, v5;
	v8 =	vld [tilespmem:s7+$0xFFFFFFA0]  }
0x316: {  	s11 =	simm.s32 $0x5;
	s8 =	simm.s32 $0xA570;
	v13 =	vadd.s32 v0, v5;
	v10 =	vmul.f32 $8.000000000e+00, v10  }
0x317: {  	v15 =	vld [tilespmem:s8+$0xFFFFFFD0];
	[tilespmem:v7+s29+$0x0] =	vst.idx.msk $0xffff, v6;
	v7 =	vadd.s32 v1, v14;
	v6 =	vmov s11  }
0x318: {  	[tilespmem:v11+s29+$0x0] =	vst.idx.msk $0xffff, v10;
	v6 =	vand.u32 $0x7F, v6;
	v10 =	vld [tilespmem:s5+$0xFFFFFFE0]  }
0x319: {  	v11 =	vmul.f32 $8.000000000e+00, v12;
	v12 =	vadd.s32 v0, v6;
	v16 =	vld [tilespmem:s7+$0xFFFFFFF0]  }
0x31a: {  	s22 =	simm.s32 $0x4;
	v17 =	vadd.s32 v1, v4;
	v8 =	vmul.f32 $8.000000000e+00, v8  }
0x31b: {  	v18 =	vadd.s32 v2, v9;
	[tilespmem:v13+s29+$0x0] =	vst.idx.msk $0xffff, v11;
	v11 =	vmov s22;
	v13 =	vld [tilespmem:s8+$0xFFFFFF90]  }
0x31c: {  	[tilespmem:v7+s29+$0x0] =	vst.idx.msk $0xffff, v8;
	v7 =	vand.u32 $0x7E, v11;
	v8 =	vmul.f32 $8.000000000e+00, v15;
	v11 =	vld [tilespmem:s5+$0xFFFFFFA0]  }
0x31d: {  	s12 =	simm.s32 $0x7;
	s11 =	simm.s32 $0xA5F0;
	v15 =	vadd.s32 v0, v7;
	v10 =	vmul.f32 $8.000000000e+00, v10;
	v19 =	vld [tilespmem:s7+$0xFFFFFFB0]  }
0x31e: {  	v20 =	vld [tilespmem:s11+$0xFFFFFFD0];
	[tilespmem:v12+s29+$0x0] =	vst.idx.msk $0xffff, v8;
	v12 =	vadd.s32 v1, v5;
	v16 =	vmul.f32 $8.000000000e+00, v16;
	v8 =	vmov s12  }
0x31f: {  	[tilespmem:v17+s29+$0x0] =	vst.idx.msk $0xffff, v10;
	v10 =	vadd.s32 v2, v14;
	v8 =	vand.u32 $0x7F, v8;
	v17 =	vld [tilespmem:s8+$0xFFFFFFE0]  }
0x320: {  	v13 =	vmul.f32 $8.000000000e+00, v13;
	[tilespmem:v18+s29+$0x0] =	vst.idx.msk $0xffff, v16;
	v16 =	vadd.s32 v0, v8;
	v18 =	vld [tilespmem:s5+$0xFFFFFFF0]  }
0x321: {  	s23 =	simm.s32 $0x6;
	v21 =	vadd.s32 v1, v6;
	v11 =	vmul.f32 $8.000000000e+00, v11;
	v22 =	vld [tilespmem:s7+$0x0]  }
0x322: {  	v23 =	vadd.s32 v2, v4;
	[tilespmem:v15+s29+$0x0] =	vst.idx.msk $0xffff, v13;
	v13 =	vmul.f32 $8.000000000e+00, v19;
	v15 =	vld [tilespmem:s11+$0xFFFFFF90];
	v19 =	vmov s23  }
0x323: {  	v25 =	vadd.s32 v3, v9;
	[tilespmem:v12+s29+$0x0] =	vst.idx.msk $0xffff, v11;
	v12 =	vmul.f32 $8.000000000e+00, v20;
	v24 =	vld [tilespmem:s8+$0xFFFFFFA0];
	v9 =	vand.u32 $0x7E, v19  }
0x324: {  	[tilespmem:v10+s29+$0x0] =	vst.idx.msk $0xffff, v13;
	v10 =	vmul.f32 $8.000000000e+00, v17;
	v11 =	vld [tilespmem:s5+$0xFFFFFFB0];
	v17 =	vadd.s32 v0, v9  }
0x325: {  	s13 =	simm.s32 $0x9;
	s12 =	simm.s32 $0xA670;
	[tilespmem:v16+s29+$0x0] =	vst.idx.msk $0xffff, v12;
	v20 =	vmul.f32 $8.000000000e+00, v18;
	v12 =	vld [tilespmem:s7+$0xFFFFFFC0];
	v16 =	vadd.s32 v1, v7  }
0x326: {  	v19 =	vld [tilespmem:s12+$0xFFFFFFD0];
	v13 =	vadd.s32 v2, v5;
	v18 =	vmov s13;
	[tilespmem:v21+s29+$0x0] =	vst.idx.msk $0xffff, v10;
	v26 =	vmul.f32 $8.000000000e+00, v22  }
0x327: {  	v14 =	vadd.s32 v3, v14;
	v10 =	vand.u32 $0x7F, v18;
	v18 =	vld [tilespmem:s11+$0xFFFFFFE0];
	v22 =	vmul.f32 $8.000000000e+00, v15;
	[tilespmem:v23+s29+$0x0] =	vst.idx.msk $0xffff, v20  }
0x328: {  	s14 =	simm.s32 $0x8;
	s13 =	simm.s32 $0xA;
	s7 =	simm.s32 $0xA670;
	v20 =	vadd.s32 v0, v10;
	v15 =	vld [tilespmem:s8+$0xFFFFFFF0];
	v21 =	vmul.f32 $8.000000000e+00, v24;
	[tilespmem:v25+s29+$0x0] =	vst.idx.msk $0xffff, v26  }
.LBB2_28:
0x329: {  	p0 =	slt.u32 s13, $0x7E;
	[tilespmem:v17+s29+$0x0] =	vst.idx.msk $0xffff, v22;
	v22 =	vadd.s32 v1, v8;
	v11 =	vmul.f32 $8.000000000e+00, v11;
	v23 =	vld [tilespmem:s5+$0x0]  }
0x32a: {  	v17 =	vmov s14;
	s14 =	smov.u32 s13;
	v24 =	vld [tilespmem:s12+$0xFFFFFF90];
	[tilespmem:v16+s29+$0x0] =	vst.idx.msk $0xffff, v21;
	v21 =	vadd.s32 v2, v6;
	v12 =	vmul.f32 $8.000000000e+00, v12  }
0x32b: {  	v27 =	vadd.s32 v3, v4;
	v4 =	vmovc v6;
	v25 =	vand.u32 $0x7E, v17;
	v16 =	vmul.f32 $8.000000000e+00, v19;
	v26 =	vld [tilespmem:s11+$0xFFFFFFA0];
	[tilespmem:v13+s29+$0x0] =	vst.idx.msk $0xffff, v11  }
.Ltmp13:
0x32c: {  	v6 =	vmovc v8;
	v8 =	vmov v10;
	v17 =	vadd.s32 v0, v25;
	v13 =	vmul.f32 $8.000000000e+00, v18;
	v11 =	vld [tilespmem:s8+$0xFFFFFFB0];
	[tilespmem:v14+s29+$0x0] =	vst.idx.msk $0xffff, v12;
	(pc) =	sbr.rel @p0 .LBB2_28-.Ltmp13, $4  }
0x32d: {  	s16 =	sadd.s32 $0x1, s13;
	s12 =	sadd.s32 $0x80, s12;
	[tilespmem:v20+s29+$0x0] =	vst.idx.msk $0xffff, v16;
	v16 =	vadd.s32 v1, v9;
	v14 =	vmul.f32 $8.000000000e+00, v15;
	v12 =	vld [tilespmem:s5+$0xFFFFFFC0];
	s5 =	smov.u32 s8  }
0x32e: {  	v10 =	vmov s16;
	s8 =	smov.u32 s11;
	s11 =	smov.u32 s7;
	s7 =	smov.u32 s12;
	v19 =	vld [tilespmem:s12+$0xFFFFFFD0];
	[tilespmem:v22+s29+$0x0] =	vst.idx.msk $0xffff, v13;
	v13 =	vadd.s32 v2, v7;
	v23 =	vmul.f32 $8.000000000e+00, v23  }
0x32f: {  	v10 =	vand.u32 $0x7F, v10;
	v22 =	vmul.f32 $8.000000000e+00, v24;
	v18 =	vld [tilespmem:s11+$0xFFFFFFE0];
	[tilespmem:v21+s29+$0x0] =	vst.idx.msk $0xffff, v14;
	v14 =	vadd.s32 v3, v5;
	v5 =	vmovc v7  }
0x330: {  	s13 =	sadd.s32 $0x2, s13;
	v20 =	vadd.s32 v0, v10;
	v7 =	vmovc v9;
	v9 =	vmov v25;
	v21 =	vmul.f32 $8.000000000e+00, v26;
	v15 =	vld [tilespmem:s8+$0xFFFFFFF0];
	[tilespmem:v27+s29+$0x0] =	vst.idx.msk $0xffff, v23  }
0x331: {  	v23 =	vmov s14;
	v24 =	vld [tilespmem:s12+$0xFFFFFF90]  }
0x332: {  	v23 =	vand.u32 $0x7E, v23  }
0x333: {  	v25 =	vadd.s32 v0, v23;
	_ =	sdelay $0x1  }
0x334: {  	v19 =	vmul.f32 $8.000000000e+00, v19  }
0x335: {  	[tilespmem:v17+s29+$0x0] =	vst.idx.msk $0xffff, v22;
	v62 =	vmul.f32 $8.000000000e+00, v24  }
0x336: {  	v22 =	vld [tilespmem:s11+$0xFFFFFFA0];
	[tilespmem:v20+s29+$0x0] =	vst.idx.msk $0xffff, v19  }
0x337: {  	v63 =	vadd.s32 v1, v8;
	v20 =	vld [tilespmem:s7+$0xFFFFFFE0];
	[tilespmem:v25+s29+$0x0] =	vst.idx.msk $0xffff, v62  }
0x338: {  	v28 =	vadd.s32 v1, v9;
	v29 =	vld [tilespmem:s7+$0xFFFFFFA0]  }
0x339: {  	v30 =	vadd.s32 v1, v10  }
0x33a: {  	v26 =	vadd.s32 v1, v23;
	v18 =	vmul.f32 $8.000000000e+00, v18  }
0x33b: {  	[tilespmem:v16+s29+$0x0] =	vst.idx.msk $0xffff, v21;
	v31 =	vmul.f32 $8.000000000e+00, v22  }
0x33c: {  	v32 =	vld [tilespmem:s8+$0xFFFFFFB0];
	[tilespmem:v63+s29+$0x0] =	vst.idx.msk $0xffff, v18;
	v33 =	vmul.f32 $8.000000000e+00, v20  }
0x33d: {  	v34 =	vadd.s32 v2, v6;
	v35 =	vld [tilespmem:s11+$0xFFFFFFF0];
	[tilespmem:v28+s29+$0x0] =	vst.idx.msk $0xffff, v31;
	v36 =	vmul.f32 $8.000000000e+00, v29  }
0x33e: {  	v11 =	vmul.f32 $8.000000000e+00, v11;
	v37 =	vadd.s32 v2, v7;
	v38 =	vld [tilespmem:s11+$0xFFFFFFB0];
	[tilespmem:v30+s29+$0x0] =	vst.idx.msk $0xffff, v33  }
0x33f: {  	v39 =	vadd.s32 v2, v8;
	v12 =	vmul.f32 $8.000000000e+00, v12;
	v40 =	vld [tilespmem:s7+$0xFFFFFFF0];
	[tilespmem:v26+s29+$0x0] =	vst.idx.msk $0xffff, v36  }
0x340: {  	v42 =	vadd.s32 v2, v9;
	[tilespmem:v13+s29+$0x0] =	vst.idx.msk $0xffff, v11;
	v41 =	vmul.f32 $8.000000000e+00, v15;
	v43 =	vld [tilespmem:s7+$0xFFFFFFB0]  }
0x341: {  	v44 =	vld [tilespmem:s5+$0x0];
	v46 =	vadd.s32 v2, v10;
	[tilespmem:v14+s29+$0x0] =	vst.idx.msk $0xffff, v12;
	v45 =	vmul.f32 $8.000000000e+00, v32  }
0x342: {  	v49 =	vadd.s32 v2, v23;
	v47 =	vld [tilespmem:s5+$0xFFFFFFC0];
	[tilespmem:v34+s29+$0x0] =	vst.idx.msk $0xffff, v41;
	v48 =	vmul.f32 $8.000000000e+00, v35  }
0x343: {  	v4 =	vadd.s32 v3, v4;
	[tilespmem:v37+s29+$0x0] =	vst.idx.msk $0xffff, v45;
	v20 =	vld [tilespmem:s8+$0x0];
	v50 =	vmul.f32 $8.000000000e+00, v38  }
0x344: {  	v5 =	vadd.s32 v3, v5;
	v51 =	vld [tilespmem:s8+$0xFFFFFFC0];
	[tilespmem:v39+s29+$0x0] =	vst.idx.msk $0xffff, v48;
	v52 =	vmul.f32 $8.000000000e+00, v40  }
0x345: {  	v53 =	vadd.s32 v3, v6;
	v54 =	vld [tilespmem:s11+$0x0];
	[tilespmem:v42+s29+$0x0] =	vst.idx.msk $0xffff, v50;
	v55 =	vmul.f32 $8.000000000e+00, v43  }
0x346: {  	v57 =	vadd.s32 v3, v7;
	v56 =	vmul.f32 $8.000000000e+00, v44;
	v58 =	vld [tilespmem:s11+$0xFFFFFFC0];
	[tilespmem:v46+s29+$0x0] =	vst.idx.msk $0xffff, v52  }
0x347: {  	v60 =	vadd.s32 v3, v8;
	v59 =	vmul.f32 $8.000000000e+00, v47;
	v14 =	vld [tilespmem:s7+$0x0];
	[tilespmem:v49+s29+$0x0] =	vst.idx.msk $0xffff, v55  }
0x348: {  	v61 =	vadd.s32 v3, v9;
	[tilespmem:v4+s29+$0x0] =	vst.idx.msk $0xffff, v56;
	v4 =	vmul.f32 $8.000000000e+00, v20;
	v12 =	vld [tilespmem:s7+$0xFFFFFFC0]  }
0x349: {  	v62 =	vadd.s32 v3, v10;
	[tilespmem:v5+s29+$0x0] =	vst.idx.msk $0xffff, v59;
	v5 =	vmul.f32 $8.000000000e+00, v51  }
0x34a: {  	v63 =	vadd.s32 v3, v23;
	[tilespmem:v53+s29+$0x0] =	vst.idx.msk $0xffff, v4;
	v4 =	vmul.f32 $8.000000000e+00, v54  }
0x34b: {  	[tilespmem:v57+s29+$0x0] =	vst.idx.msk $0xffff, v5;
	v5 =	vmul.f32 $8.000000000e+00, v58  }
0x34c: {  	[tilespmem:v60+s29+$0x0] =	vst.idx.msk $0xffff, v4;
	v4 =	vmul.f32 $8.000000000e+00, v14  }
0x34d: {  	[tilespmem:v61+s29+$0x0] =	vst.idx.msk $0xffff, v5;
	v5 =	vmul.f32 $8.000000000e+00, v12  }
0x34e: {  	[tilespmem:v62+s29+$0x0] =	vst.idx.msk $0xffff, v4  }
0x34f: {  	[tilespmem:v63+s29+$0x0] =	vst.idx.msk $0xffff, v5  }
0x350: {  	s19 =	simm.s32 $0x12800;
	s13 =	rddreg [dreg:$0x6]  }
0x351: {  	[hbm4b:s13+s3] =	stream.linear.scatter [tilespmem:s19], [sflag:$0x7], $0x80, $0x38;
	[tilespmem:$0x16C00] =	vst v63  }
0x352: {  	s22 =	simm.s32 $0x12888;
	s23 =	sadd.s32 $0x10, s13  }
0x353: {  	[hbm4b:s23+s3] =	stream.linear.scatter [tilespmem:s22], [sflag:$0x7], $0x80, $0x38;
	[tilespmem:$0x16C00] =	vst v63  }
0x354: {  	s14 =	simm.s32 $0x12A20;
	s7 =	simm.s32 $0x12910;
	s8 =	sadd.s32 $0x20, s13  }
0x355: {  	[hbm4b:s8+s3] =	stream.linear.scatter [tilespmem:s7], [sflag:$0x7], $0x80, $0x38;
	[tilespmem:$0x16C00] =	vst v63  }
0x356: {  	s17 =	simm.s32 $0x12AA8;
	s11 =	simm.s32 $0x12998;
	s12 =	sadd.s32 $0x30, s13  }
0x357: {  	[hbm4b:s12+s3] =	stream.linear.scatter [tilespmem:s11], [sflag:$0x7], $0x80, $0x38;
	[tilespmem:$0x16C00] =	vst v63  }
0x358: {  	s5 =	simm.s32 $0x440;
	s16 =	sadd.s32 $0x40, s13;
	s19 =	sadd.s32 $0x50, s13  }
0x359: {  	[hbm4b:s16+s3] =	stream.linear.scatter [tilespmem:s14], [sflag:$0x7], $0x80, $0x38;
	[tilespmem:$0x16C00] =	vst v63  }
0x35a: {  	s22 =	simm.s32 $0x12B30;
	s23 =	sadd.s32 $0x60, s13;
	s8 =	simm.s32 $0x2200  }
0x35b: {  	[hbm4b:s19+s3] =	stream.linear.scatter [tilespmem:s17], [sflag:$0x7], $0x80, $0x38;
	[tilespmem:$0x16C00] =	vst v63  }
0x35c: {  	s7 =	sadd.s32 $0x1000, s13;
	s11 =	simm.s32 $0x12BB8;
	s12 =	sadd.s32 $0x70, s13  }
0x35d: {  	[hbm4b:s23+s3] =	stream.linear.scatter [tilespmem:s22], [sflag:$0x7], $0x80, $0x38;
	[tilespmem:$0x16C00] =	vst v63  }
.LBB2_30:
0x35e: {  	[hbm4b:s12+s3] =	stream.linear.scatter [tilespmem:s11], [sflag:$0x7], $0x80, $0x38;
	[tilespmem:$0x16C00] =	vst v63  }
0x35f: {  	s11 =	smov.u32 s5;
	s5 =	smov.u32 s8  }
0x360: {  	s13 =	sadd.s32 $0x1100, s8;
	s5 =	sshra.s32 s5, $0x2;
	s12 =	sadd.s32 $0x12800, s11  }
0x361: {  	[hbm4b:s7+s3] =	stream.linear.scatter [tilespmem:s12], [sflag:$0x7], $0x80, $0x38;
	[tilespmem:$0x16C00] =	vst v63  }
0x362: {  	p0 =	sne.s32 s8, $0x7700;
	s8 =	sadd.s32 $0x12888, s11;
	s12 =	sadd.s32 $0x10, s7  }
0x363: {  	[hbm4b:s12+s3] =	stream.linear.scatter [tilespmem:s8], [sflag:$0x7], $0x80, $0x38;
	[tilespmem:$0x16C00] =	vst v63  }
0x364: {  	s8 =	sadd.s32 $0x12910, s11;
	s12 =	sadd.s32 $0x20, s7  }
0x365: {  	[hbm4b:s12+s3] =	stream.linear.scatter [tilespmem:s8], [sflag:$0x7], $0x80, $0x38;
	[tilespmem:$0x16C00] =	vst v63  }
0x366: {  	s8 =	sadd.s32 $0x12998, s11;
	s12 =	sadd.s32 $0x30, s7  }
0x367: {  	[hbm4b:s12+s3] =	stream.linear.scatter [tilespmem:s8], [sflag:$0x7], $0x80, $0x38;
	[tilespmem:$0x16C00] =	vst v63  }
0x368: {  	s8 =	sadd.s32 $0x12A20, s11;
	s12 =	sadd.s32 $0x40, s7  }
0x369: {  	[hbm4b:s12+s3] =	stream.linear.scatter [tilespmem:s8], [sflag:$0x7], $0x80, $0x38;
	[tilespmem:$0x16C00] =	vst v63  }
.Ltmp14:
0x36a: {  	s8 =	sadd.s32 $0x12AA8, s11;
	s12 =	sadd.s32 $0x50, s7;
	(pc) =	sbr.rel @p0 .LBB2_30-.Ltmp14, $4  }
0x36b: {  	[hbm4b:s12+s3] =	stream.linear.scatter [tilespmem:s8], [sflag:$0x7], $0x80, $0x38;
	[tilespmem:$0x16C00] =	vst v63  }
0x36c: {  	s8 =	sadd.s32 $0x12B30, s11;
	s12 =	sadd.s32 $0x60, s7;
	s11 =	sadd.s32 $0x12BB8, s11  }
0x36d: {  	[hbm4b:s12+s3] =	stream.linear.scatter [tilespmem:s8], [sflag:$0x7], $0x80, $0x38;
	[tilespmem:$0x16C00] =	vst v63  }
0x36e: {  	s12 =	sadd.s32 $0x70, s7;
	s7 =	sadd.s32 $0x1000, s7;
	s8 =	smov.u32 s13  }
0x36f: {  	[hbm4b:s12+s3] =	stream.linear.scatter [tilespmem:s11], [sflag:$0x7], $0x80, $0x38;
	[tilespmem:$0x16C00] =	vst v63  }
0x370: {  	s8 =	sadd.s32 $0x12800, s5  }
0x371: {  	[hbm4b:s7+s3] =	stream.linear.scatter [tilespmem:s8], [sflag:$0x7], $0x80, $0x38;
	[tilespmem:$0x16C00] =	vst v63  }
0x372: {  	s17 =	sadd.s32 $0x12888, s5;
	s19 =	sadd.s32 $0x10, s7  }
0x373: {  	[hbm4b:s19+s3] =	stream.linear.scatter [tilespmem:s17], [sflag:$0x7], $0x80, $0x38;
	[tilespmem:$0x16C00] =	vst v63  }
0x374: {  	s22 =	sadd.s32 $0x12910, s5;
	s23 =	sadd.s32 $0x20, s7  }
0x375: {  	[hbm4b:s23+s3] =	stream.linear.scatter [tilespmem:s22], [sflag:$0x7], $0x80, $0x38;
	[tilespmem:$0x16C00] =	vst v63  }
0x376: {  	s12 =	sadd.s32 $0x12998, s5;
	s13 =	sadd.s32 $0x30, s7  }
0x377: {  	[hbm4b:s13+s3] =	stream.linear.scatter [tilespmem:s12], [sflag:$0x7], $0x80, $0x38;
	[tilespmem:$0x16C00] =	vst v63  }
0x378: {  	s14 =	sadd.s32 $0x12A20, s5;
	s16 =	sadd.s32 $0x40, s7  }
0x379: {  	[hbm4b:s16+s3] =	stream.linear.scatter [tilespmem:s14], [sflag:$0x7], $0x80, $0x38;
	[tilespmem:$0x16C00] =	vst v63  }
0x37a: {  	s17 =	sadd.s32 $0x12AA8, s5;
	s19 =	sadd.s32 $0x50, s7  }
0x37b: {  	[hbm4b:s19+s3] =	stream.linear.scatter [tilespmem:s17], [sflag:$0x7], $0x80, $0x38;
	[tilespmem:$0x16C00] =	vst v63  }
0x37c: {  	s22 =	sadd.s32 $0x12B30, s5;
	s23 =	sadd.s32 $0x60, s7  }
0x37d: {  	[hbm4b:s23+s3] =	stream.linear.scatter [tilespmem:s22], [sflag:$0x7], $0x80, $0x38;
	[tilespmem:$0x16C00] =	vst v63  }
0x37e: {  	s11 =	sadd.s32 $0x70, s7;
	s8 =	sadd.s32 $0x12BB8, s5  }
0x37f: {  	[hbm4b:s11+s3] =	stream.linear.scatter [tilespmem:s8], [sflag:$0x7], $0x80, $0x38;
	[tilespmem:$0x16C00] =	vst v63  }
0x380: {  	_ =	swait.ge [sflag:s31], $0x2000  }
0x381: {  	[sflag:s31] =	ssyncset.done $0x0  }
0x382: {  	s7 =	simm.s32 $0xC470;
	s12 =	simm.s32 $0x1;
	[sflag:s31] =	ssyncadd.s32 $0xFFFFE000  }
0x383: {  	v4 =	vmov s12;
	v5 =	vld [tilespmem:s7+$0xFFFFFFD0]  }
0x384: {  	v9 =	vand.u32 $0x7F, v4  }
0x385: {  	v4 =	vadd.s32 v0, v9  }
0x386: {  	s13 =	simm.s32 $0x0  }
0x387: {  	v6 =	vmov s13;
	v7 =	vld [tilespmem:s7+$0xFFFFFF90]  }
0x388: {  	v14 =	vand.u32 $0x7E, v6;
	v5 =	vmul.f32 $8.000000000e+00, v5  }
0x389: {  	s5 =	simm.s32 $0xC4F0;
	s14 =	simm.s32 $0x3;
	v6 =	vadd.s32 v0, v14  }
0x38a: {  	v8 =	vld [tilespmem:s5+$0xFFFFFFD0];
	[tilespmem:v4+s1+$0x0] =	vst.idx.msk $0xffff, v5;
	v4 =	vmov s14  }
0x38b: {  	v4 =	vand.u32 $0x7F, v4;
	v10 =	vld [tilespmem:s7+$0xFFFFFFE0]  }
0x38c: {  	v5 =	vmul.f32 $8.000000000e+00, v7;
	v7 =	vadd.s32 v0, v4  }
0x38d: {  	s16 =	simm.s32 $0x2;
	v11 =	vadd.s32 v1, v9  }
0x38e: {  	v12 =	vld [tilespmem:s5+$0xFFFFFF90];
	[tilespmem:v6+s1+$0x0] =	vst.idx.msk $0xffff, v5;
	v5 =	vmov s16  }
0x38f: {  	v6 =	vmul.f32 $8.000000000e+00, v8;
	v5 =	vand.u32 $0x7E, v5;
	v8 =	vld [tilespmem:s7+$0xFFFFFFA0]  }
0x390: {  	s17 =	simm.s32 $0x5;
	s8 =	simm.s32 $0xC570;
	v13 =	vadd.s32 v0, v5;
	v10 =	vmul.f32 $8.000000000e+00, v10  }
0x391: {  	v15 =	vld [tilespmem:s8+$0xFFFFFFD0];
	[tilespmem:v7+s1+$0x0] =	vst.idx.msk $0xffff, v6;
	v7 =	vadd.s32 v1, v14;
	v6 =	vmov s17  }
0x392: {  	[tilespmem:v11+s1+$0x0] =	vst.idx.msk $0xffff, v10;
	v6 =	vand.u32 $0x7F, v6;
	v10 =	vld [tilespmem:s5+$0xFFFFFFE0]  }
0x393: {  	v11 =	vmul.f32 $8.000000000e+00, v12;
	v12 =	vadd.s32 v0, v6;
	v16 =	vld [tilespmem:s7+$0xFFFFFFF0]  }
0x394: {  	s19 =	simm.s32 $0x4;
	v17 =	vadd.s32 v1, v4;
	v8 =	vmul.f32 $8.000000000e+00, v8  }
0x395: {  	v18 =	vadd.s32 v2, v9;
	[tilespmem:v13+s1+$0x0] =	vst.idx.msk $0xffff, v11;
	v11 =	vmov s19;
	v13 =	vld [tilespmem:s8+$0xFFFFFF90]  }
0x396: {  	[tilespmem:v7+s1+$0x0] =	vst.idx.msk $0xffff, v8;
	v7 =	vand.u32 $0x7E, v11;
	v8 =	vmul.f32 $8.000000000e+00, v15;
	v11 =	vld [tilespmem:s5+$0xFFFFFFA0]  }
0x397: {  	s22 =	simm.s32 $0x7;
	s11 =	simm.s32 $0xC5F0;
	v15 =	vadd.s32 v0, v7;
	v10 =	vmul.f32 $8.000000000e+00, v10;
	v19 =	vld [tilespmem:s7+$0xFFFFFFB0]  }
0x398: {  	v20 =	vld [tilespmem:s11+$0xFFFFFFD0];
	[tilespmem:v12+s1+$0x0] =	vst.idx.msk $0xffff, v8;
	v12 =	vadd.s32 v1, v5;
	v16 =	vmul.f32 $8.000000000e+00, v16;
	v8 =	vmov s22  }
0x399: {  	[tilespmem:v17+s1+$0x0] =	vst.idx.msk $0xffff, v10;
	v10 =	vadd.s32 v2, v14;
	v8 =	vand.u32 $0x7F, v8;
	v17 =	vld [tilespmem:s8+$0xFFFFFFE0]  }
0x39a: {  	v13 =	vmul.f32 $8.000000000e+00, v13;
	[tilespmem:v18+s1+$0x0] =	vst.idx.msk $0xffff, v16;
	v16 =	vadd.s32 v0, v8;
	v18 =	vld [tilespmem:s5+$0xFFFFFFF0]  }
0x39b: {  	s23 =	simm.s32 $0x6;
	v21 =	vadd.s32 v1, v6;
	v11 =	vmul.f32 $8.000000000e+00, v11;
	v22 =	vld [tilespmem:s7+$0x0]  }
0x39c: {  	v23 =	vadd.s32 v2, v4;
	[tilespmem:v15+s1+$0x0] =	vst.idx.msk $0xffff, v13;
	v13 =	vmul.f32 $8.000000000e+00, v19;
	v15 =	vld [tilespmem:s11+$0xFFFFFF90];
	v19 =	vmov s23  }
0x39d: {  	v25 =	vadd.s32 v3, v9;
	[tilespmem:v12+s1+$0x0] =	vst.idx.msk $0xffff, v11;
	v12 =	vmul.f32 $8.000000000e+00, v20;
	v24 =	vld [tilespmem:s8+$0xFFFFFFA0];
	v9 =	vand.u32 $0x7E, v19  }
0x39e: {  	[tilespmem:v10+s1+$0x0] =	vst.idx.msk $0xffff, v13;
	v10 =	vmul.f32 $8.000000000e+00, v17;
	v11 =	vld [tilespmem:s5+$0xFFFFFFB0];
	v17 =	vadd.s32 v0, v9  }
0x39f: {  	s13 =	simm.s32 $0x9;
	s12 =	simm.s32 $0xC670;
	[tilespmem:v16+s1+$0x0] =	vst.idx.msk $0xffff, v12;
	v20 =	vmul.f32 $8.000000000e+00, v18;
	v12 =	vld [tilespmem:s7+$0xFFFFFFC0];
	v16 =	vadd.s32 v1, v7  }
0x3a0: {  	v19 =	vld [tilespmem:s12+$0xFFFFFFD0];
	v13 =	vadd.s32 v2, v5;
	v18 =	vmov s13;
	[tilespmem:v21+s1+$0x0] =	vst.idx.msk $0xffff, v10;
	v26 =	vmul.f32 $8.000000000e+00, v22  }
0x3a1: {  	v14 =	vadd.s32 v3, v14;
	v10 =	vand.u32 $0x7F, v18;
	v18 =	vld [tilespmem:s11+$0xFFFFFFE0];
	v22 =	vmul.f32 $8.000000000e+00, v15;
	[tilespmem:v23+s1+$0x0] =	vst.idx.msk $0xffff, v20  }
0x3a2: {  	s14 =	simm.s32 $0x8;
	s13 =	simm.s32 $0xA;
	s7 =	simm.s32 $0xC670;
	v20 =	vadd.s32 v0, v10;
	v15 =	vld [tilespmem:s8+$0xFFFFFFF0];
	v21 =	vmul.f32 $8.000000000e+00, v24;
	[tilespmem:v25+s1+$0x0] =	vst.idx.msk $0xffff, v26  }
.LBB2_32:
0x3a3: {  	p0 =	slt.u32 s13, $0x7E;
	[tilespmem:v17+s1+$0x0] =	vst.idx.msk $0xffff, v22;
	v22 =	vadd.s32 v1, v8;
	v11 =	vmul.f32 $8.000000000e+00, v11;
	v23 =	vld [tilespmem:s5+$0x0]  }
0x3a4: {  	v17 =	vmov s14;
	s14 =	smov.u32 s13;
	v24 =	vld [tilespmem:s12+$0xFFFFFF90];
	[tilespmem:v16+s1+$0x0] =	vst.idx.msk $0xffff, v21;
	v21 =	vadd.s32 v2, v6;
	v12 =	vmul.f32 $8.000000000e+00, v12  }
0x3a5: {  	v27 =	vadd.s32 v3, v4;
	v4 =	vmovc v6;
	v25 =	vand.u32 $0x7E, v17;
	v16 =	vmul.f32 $8.000000000e+00, v19;
	v26 =	vld [tilespmem:s11+$0xFFFFFFA0];
	[tilespmem:v13+s1+$0x0] =	vst.idx.msk $0xffff, v11  }
.Ltmp15:
0x3a6: {  	v6 =	vmovc v8;
	v8 =	vmov v10;
	v17 =	vadd.s32 v0, v25;
	v13 =	vmul.f32 $8.000000000e+00, v18;
	v11 =	vld [tilespmem:s8+$0xFFFFFFB0];
	[tilespmem:v14+s1+$0x0] =	vst.idx.msk $0xffff, v12;
	(pc) =	sbr.rel @p0 .LBB2_32-.Ltmp15, $4  }
0x3a7: {  	s16 =	sadd.s32 $0x1, s13;
	s12 =	sadd.s32 $0x80, s12;
	[tilespmem:v20+s1+$0x0] =	vst.idx.msk $0xffff, v16;
	v16 =	vadd.s32 v1, v9;
	v14 =	vmul.f32 $8.000000000e+00, v15;
	v12 =	vld [tilespmem:s5+$0xFFFFFFC0];
	s5 =	smov.u32 s8  }
0x3a8: {  	v10 =	vmov s16;
	s8 =	smov.u32 s11;
	s11 =	smov.u32 s7;
	s7 =	smov.u32 s12;
	v19 =	vld [tilespmem:s12+$0xFFFFFFD0];
	[tilespmem:v22+s1+$0x0] =	vst.idx.msk $0xffff, v13;
	v13 =	vadd.s32 v2, v7;
	v23 =	vmul.f32 $8.000000000e+00, v23  }
0x3a9: {  	v10 =	vand.u32 $0x7F, v10;
	v22 =	vmul.f32 $8.000000000e+00, v24;
	v18 =	vld [tilespmem:s11+$0xFFFFFFE0];
	[tilespmem:v21+s1+$0x0] =	vst.idx.msk $0xffff, v14;
	v14 =	vadd.s32 v3, v5;
	v5 =	vmovc v7  }
0x3aa: {  	s13 =	sadd.s32 $0x2, s13;
	v20 =	vadd.s32 v0, v10;
	v7 =	vmovc v9;
	v9 =	vmov v25;
	v21 =	vmul.f32 $8.000000000e+00, v26;
	v15 =	vld [tilespmem:s8+$0xFFFFFFF0];
	[tilespmem:v27+s1+$0x0] =	vst.idx.msk $0xffff, v23  }
0x3ab: {  	v23 =	vmov s14;
	v24 =	vld [tilespmem:s12+$0xFFFFFF90]  }
0x3ac: {  	v23 =	vand.u32 $0x7E, v23  }
0x3ad: {  	v25 =	vadd.s32 v0, v23;
	_ =	sdelay $0x1  }
0x3ae: {  	v19 =	vmul.f32 $8.000000000e+00, v19  }
0x3af: {  	[tilespmem:v17+s1+$0x0] =	vst.idx.msk $0xffff, v22;
	v62 =	vmul.f32 $8.000000000e+00, v24  }
0x3b0: {  	v22 =	vld [tilespmem:s11+$0xFFFFFFA0];
	[tilespmem:v20+s1+$0x0] =	vst.idx.msk $0xffff, v19  }
0x3b1: {  	v63 =	vadd.s32 v1, v8;
	v20 =	vld [tilespmem:s7+$0xFFFFFFE0];
	[tilespmem:v25+s1+$0x0] =	vst.idx.msk $0xffff, v62  }
0x3b2: {  	v28 =	vadd.s32 v1, v9;
	v29 =	vld [tilespmem:s7+$0xFFFFFFA0]  }
0x3b3: {  	v30 =	vadd.s32 v1, v10  }
0x3b4: {  	v26 =	vadd.s32 v1, v23;
	v18 =	vmul.f32 $8.000000000e+00, v18  }
0x3b5: {  	[tilespmem:v16+s1+$0x0] =	vst.idx.msk $0xffff, v21;
	v31 =	vmul.f32 $8.000000000e+00, v22  }
0x3b6: {  	v32 =	vld [tilespmem:s8+$0xFFFFFFB0];
	[tilespmem:v63+s1+$0x0] =	vst.idx.msk $0xffff, v18;
	v33 =	vmul.f32 $8.000000000e+00, v20  }
0x3b7: {  	v34 =	vadd.s32 v2, v6;
	v35 =	vld [tilespmem:s11+$0xFFFFFFF0];
	[tilespmem:v28+s1+$0x0] =	vst.idx.msk $0xffff, v31;
	v36 =	vmul.f32 $8.000000000e+00, v29  }
0x3b8: {  	v11 =	vmul.f32 $8.000000000e+00, v11;
	v37 =	vadd.s32 v2, v7;
	v38 =	vld [tilespmem:s11+$0xFFFFFFB0];
	[tilespmem:v30+s1+$0x0] =	vst.idx.msk $0xffff, v33  }
0x3b9: {  	v39 =	vadd.s32 v2, v8;
	v12 =	vmul.f32 $8.000000000e+00, v12;
	v40 =	vld [tilespmem:s7+$0xFFFFFFF0];
	[tilespmem:v26+s1+$0x0] =	vst.idx.msk $0xffff, v36  }
0x3ba: {  	v42 =	vadd.s32 v2, v9;
	[tilespmem:v13+s1+$0x0] =	vst.idx.msk $0xffff, v11;
	v41 =	vmul.f32 $8.000000000e+00, v15;
	v43 =	vld [tilespmem:s7+$0xFFFFFFB0]  }
0x3bb: {  	v44 =	vld [tilespmem:s5+$0x0];
	v46 =	vadd.s32 v2, v10;
	[tilespmem:v14+s1+$0x0] =	vst.idx.msk $0xffff, v12;
	v45 =	vmul.f32 $8.000000000e+00, v32  }
0x3bc: {  	v49 =	vadd.s32 v2, v23;
	v47 =	vld [tilespmem:s5+$0xFFFFFFC0];
	[tilespmem:v34+s1+$0x0] =	vst.idx.msk $0xffff, v41;
	v48 =	vmul.f32 $8.000000000e+00, v35  }
0x3bd: {  	v4 =	vadd.s32 v3, v4;
	[tilespmem:v37+s1+$0x0] =	vst.idx.msk $0xffff, v45;
	v20 =	vld [tilespmem:s8+$0x0];
	v50 =	vmul.f32 $8.000000000e+00, v38  }
0x3be: {  	v5 =	vadd.s32 v3, v5;
	v51 =	vld [tilespmem:s8+$0xFFFFFFC0];
	[tilespmem:v39+s1+$0x0] =	vst.idx.msk $0xffff, v48;
	v52 =	vmul.f32 $8.000000000e+00, v40  }
0x3bf: {  	v53 =	vadd.s32 v3, v6;
	v54 =	vld [tilespmem:s11+$0x0];
	[tilespmem:v42+s1+$0x0] =	vst.idx.msk $0xffff, v50;
	v55 =	vmul.f32 $8.000000000e+00, v43  }
0x3c0: {  	v57 =	vadd.s32 v3, v7;
	v56 =	vmul.f32 $8.000000000e+00, v44;
	v58 =	vld [tilespmem:s11+$0xFFFFFFC0];
	[tilespmem:v46+s1+$0x0] =	vst.idx.msk $0xffff, v52  }
0x3c1: {  	v60 =	vadd.s32 v3, v8;
	v59 =	vmul.f32 $8.000000000e+00, v47;
	v14 =	vld [tilespmem:s7+$0x0];
	[tilespmem:v49+s1+$0x0] =	vst.idx.msk $0xffff, v55  }
0x3c2: {  	v61 =	vadd.s32 v3, v9;
	[tilespmem:v4+s1+$0x0] =	vst.idx.msk $0xffff, v56;
	v4 =	vmul.f32 $8.000000000e+00, v20;
	v12 =	vld [tilespmem:s7+$0xFFFFFFC0]  }
0x3c3: {  	v62 =	vadd.s32 v3, v10;
	[tilespmem:v5+s1+$0x0] =	vst.idx.msk $0xffff, v59;
	v5 =	vmul.f32 $8.000000000e+00, v51  }
0x3c4: {  	v63 =	vadd.s32 v3, v23;
	[tilespmem:v53+s1+$0x0] =	vst.idx.msk $0xffff, v4;
	v4 =	vmul.f32 $8.000000000e+00, v54  }
0x3c5: {  	[tilespmem:v57+s1+$0x0] =	vst.idx.msk $0xffff, v5;
	v5 =	vmul.f32 $8.000000000e+00, v58  }
0x3c6: {  	[tilespmem:v60+s1+$0x0] =	vst.idx.msk $0xffff, v4;
	v4 =	vmul.f32 $8.000000000e+00, v14  }
0x3c7: {  	[tilespmem:v61+s1+$0x0] =	vst.idx.msk $0xffff, v5;
	v5 =	vmul.f32 $8.000000000e+00, v12  }
0x3c8: {  	[tilespmem:v62+s1+$0x0] =	vst.idx.msk $0xffff, v4  }
0x3c9: {  	[tilespmem:v63+s1+$0x0] =	vst.idx.msk $0xffff, v5  }
0x3ca: {  	s19 =	simm.s32 $0x14A00;
	s13 =	rddreg [dreg:$0x7]  }
0x3cb: {  	[hbm4b:s13+s3] =	stream.linear.scatter [tilespmem:s19], [sflag:$0x8], $0x80, $0x38;
	[tilespmem:$0x16C00] =	vst v63  }
0x3cc: {  	s22 =	simm.s32 $0x14A88;
	s23 =	sadd.s32 $0x10, s13  }
0x3cd: {  	[hbm4b:s23+s3] =	stream.linear.scatter [tilespmem:s22], [sflag:$0x8], $0x80, $0x38;
	[tilespmem:$0x16C00] =	vst v63  }
0x3ce: {  	s14 =	simm.s32 $0x14C20;
	s7 =	simm.s32 $0x14B10;
	s8 =	sadd.s32 $0x20, s13  }
0x3cf: {  	[hbm4b:s8+s3] =	stream.linear.scatter [tilespmem:s7], [sflag:$0x8], $0x80, $0x38;
	[tilespmem:$0x16C00] =	vst v63  }
0x3d0: {  	s17 =	simm.s32 $0x14CA8;
	s11 =	simm.s32 $0x14B98;
	s12 =	sadd.s32 $0x30, s13  }
0x3d1: {  	[hbm4b:s12+s3] =	stream.linear.scatter [tilespmem:s11], [sflag:$0x8], $0x80, $0x38;
	[tilespmem:$0x16C00] =	vst v63  }
0x3d2: {  	s5 =	simm.s32 $0x440;
	s16 =	sadd.s32 $0x40, s13;
	s19 =	sadd.s32 $0x50, s13  }
0x3d3: {  	[hbm4b:s16+s3] =	stream.linear.scatter [tilespmem:s14], [sflag:$0x8], $0x80, $0x38;
	[tilespmem:$0x16C00] =	vst v63  }
0x3d4: {  	s22 =	simm.s32 $0x14D30;
	s23 =	sadd.s32 $0x60, s13;
	s8 =	simm.s32 $0x2200  }
0x3d5: {  	[hbm4b:s19+s3] =	stream.linear.scatter [tilespmem:s17], [sflag:$0x8], $0x80, $0x38;
	[tilespmem:$0x16C00] =	vst v63  }
0x3d6: {  	s7 =	sadd.s32 $0x1000, s13;
	s11 =	simm.s32 $0x14DB8;
	s12 =	sadd.s32 $0x70, s13  }
0x3d7: {  	[hbm4b:s23+s3] =	stream.linear.scatter [tilespmem:s22], [sflag:$0x8], $0x80, $0x38;
	[tilespmem:$0x16C00] =	vst v63  }
.LBB2_34:
0x3d8: {  	[hbm4b:s12+s3] =	stream.linear.scatter [tilespmem:s11], [sflag:$0x8], $0x80, $0x38;
	[tilespmem:$0x16C00] =	vst v63  }
0x3d9: {  	s11 =	smov.u32 s5;
	s5 =	smov.u32 s8  }
0x3da: {  	s13 =	sadd.s32 $0x1100, s8;
	s5 =	sshra.s32 s5, $0x2;
	s12 =	sadd.s32 $0x14A00, s11  }
0x3db: {  	[hbm4b:s7+s3] =	stream.linear.scatter [tilespmem:s12], [sflag:$0x8], $0x80, $0x38;
	[tilespmem:$0x16C00] =	vst v63  }
0x3dc: {  	p0 =	sne.s32 s8, $0x7700;
	s8 =	sadd.s32 $0x14A88, s11;
	s12 =	sadd.s32 $0x10, s7  }
0x3dd: {  	[hbm4b:s12+s3] =	stream.linear.scatter [tilespmem:s8], [sflag:$0x8], $0x80, $0x38;
	[tilespmem:$0x16C00] =	vst v63  }
0x3de: {  	s8 =	sadd.s32 $0x14B10, s11;
	s12 =	sadd.s32 $0x20, s7  }
0x3df: {  	[hbm4b:s12+s3] =	stream.linear.scatter [tilespmem:s8], [sflag:$0x8], $0x80, $0x38;
	[tilespmem:$0x16C00] =	vst v63  }
0x3e0: {  	s8 =	sadd.s32 $0x14B98, s11;
	s12 =	sadd.s32 $0x30, s7  }
0x3e1: {  	[hbm4b:s12+s3] =	stream.linear.scatter [tilespmem:s8], [sflag:$0x8], $0x80, $0x38;
	[tilespmem:$0x16C00] =	vst v63  }
0x3e2: {  	s8 =	sadd.s32 $0x14C20, s11;
	s12 =	sadd.s32 $0x40, s7  }
0x3e3: {  	[hbm4b:s12+s3] =	stream.linear.scatter [tilespmem:s8], [sflag:$0x8], $0x80, $0x38;
	[tilespmem:$0x16C00] =	vst v63  }
.Ltmp16:
0x3e4: {  	s8 =	sadd.s32 $0x14CA8, s11;
	s12 =	sadd.s32 $0x50, s7;
	(pc) =	sbr.rel @p0 .LBB2_34-.Ltmp16, $4  }
0x3e5: {  	[hbm4b:s12+s3] =	stream.linear.scatter [tilespmem:s8], [sflag:$0x8], $0x80, $0x38;
	[tilespmem:$0x16C00] =	vst v63  }
0x3e6: {  	s8 =	sadd.s32 $0x14D30, s11;
	s12 =	sadd.s32 $0x60, s7;
	s11 =	sadd.s32 $0x14DB8, s11  }
0x3e7: {  	[hbm4b:s12+s3] =	stream.linear.scatter [tilespmem:s8], [sflag:$0x8], $0x80, $0x38;
	[tilespmem:$0x16C00] =	vst v63  }
0x3e8: {  	s12 =	sadd.s32 $0x70, s7;
	s7 =	sadd.s32 $0x1000, s7;
	s8 =	smov.u32 s13  }
0x3e9: {  	[hbm4b:s12+s3] =	stream.linear.scatter [tilespmem:s11], [sflag:$0x8], $0x80, $0x38;
	[tilespmem:$0x16C00] =	vst v63  }
0x3ea: {  	s8 =	sadd.s32 $0x14A00, s5  }
0x3eb: {  	[hbm4b:s7+s3] =	stream.linear.scatter [tilespmem:s8], [sflag:$0x8], $0x80, $0x38;
	[tilespmem:$0x16C00] =	vst v63  }
0x3ec: {  	s12 =	sadd.s32 $0x14A88, s5;
	s13 =	sadd.s32 $0x10, s7  }
0x3ed: {  	[hbm4b:s13+s3] =	stream.linear.scatter [tilespmem:s12], [sflag:$0x8], $0x80, $0x38;
	[tilespmem:$0x16C00] =	vst v63  }
0x3ee: {  	s14 =	sadd.s32 $0x14B10, s5;
	s16 =	sadd.s32 $0x20, s7  }
0x3ef: {  	[hbm4b:s16+s3] =	stream.linear.scatter [tilespmem:s14], [sflag:$0x8], $0x80, $0x38;
	[tilespmem:$0x16C00] =	vst v63  }
0x3f0: {  	s17 =	sadd.s32 $0x14B98, s5;
	s19 =	sadd.s32 $0x30, s7  }
0x3f1: {  	[hbm4b:s19+s3] =	stream.linear.scatter [tilespmem:s17], [sflag:$0x8], $0x80, $0x38;
	[tilespmem:$0x16C00] =	vst v63  }
0x3f2: {  	s22 =	sadd.s32 $0x14C20, s5;
	s23 =	sadd.s32 $0x40, s7  }
0x3f3: {  	[hbm4b:s23+s3] =	stream.linear.scatter [tilespmem:s22], [sflag:$0x8], $0x80, $0x38;
	[tilespmem:$0x16C00] =	vst v63  }
0x3f4: {  	s12 =	sadd.s32 $0x14CA8, s5;
	s13 =	sadd.s32 $0x50, s7  }
0x3f5: {  	[hbm4b:s13+s3] =	stream.linear.scatter [tilespmem:s12], [sflag:$0x8], $0x80, $0x38;
	[tilespmem:$0x16C00] =	vst v63  }
0x3f6: {  	s14 =	sadd.s32 $0x14D30, s5;
	s16 =	sadd.s32 $0x60, s7  }
0x3f7: {  	[hbm4b:s16+s3] =	stream.linear.scatter [tilespmem:s14], [sflag:$0x8], $0x80, $0x38;
	[tilespmem:$0x16C00] =	vst v63  }
0x3f8: {  	s17 =	sadd.s32 $0x14DB8, s5;
	s19 =	sadd.s32 $0x70, s7  }
0x3f9: {  	[hbm4b:s19+s3] =	stream.linear.scatter [tilespmem:s17], [sflag:$0x8], $0x80, $0x38;
	[tilespmem:$0x16C00] =	vst v63  }
0x3fa: {  	_ =	swait.ge [sflag:s26], $0x2000  }
0x3fb: {  	[sflag:s26] =	ssyncset.done $0x0  }
0x3fc: {  	[sflag:s26] =	ssyncadd.s32 $0xFFFFE000  }
0x3fd: {  	_ =	swait.ge [sflag:s30], $0x2000  }
0x3fe: {  	[sflag:s30] =	ssyncset.done $0x0  }
0x3ff: {  	[sflag:s30] =	ssyncadd.s32 $0xFFFFE000  }
0x400: {  	_ =	swait.ge [sflag:s0], $0x2000  }
0x401: {  	[sflag:s0] =	ssyncset.done $0x0  }
0x402: {  	[sflag:s0] =	ssyncadd.s32 $0xFFFFE000  }
0x403: {  	_ =	swait.ge [sflag:s18], $0x2000  }
0x404: {  	s22 =	rddreg [dreg:$0x9]  }
0x405: {  	s23 =	rddreg [dreg:$0x8];
	s7 =	sadd.s32 $0x1, s22  }
0x406: {  	p0 =	sne.s32 s7, s23  }
.Ltmp17:
0x407: {  	_ = 	snop;
	(pc) =	sbr.rel @p0 .LBB2_1-.Ltmp17, $3  }
0x408: {  	_ =	sdelay $0x1  }
0x409: {  	[sflag:s18] =	ssyncset.done $0x0  }
0x40a: {  	[sflag:s18] =	ssyncadd.s32 $0xFFFFE000  }
0x40b: {  	_ =	sfence.sel $0x180000  }
0x40c: {  	[bflag:$0x0] =	sbarrier.arrive $0xFFFF  }
0x40d: {  	_ =	strace $0x90000047  }
0x40e: {  	s0 =	stileid.u32;
	[bflag:$0x2] =	sbarrier.arrive $0xFFFF  }
0x40f: {  	p0 =	sne.s32 s0, $0x0;
	s0 =	rddreg [dreg:$0x2]  }
0x410: {  	s0 =	sadd.s32 @!p0 $0x100000, s0  }
0x411: {  	[sflag:s0] =	ssyncadd.tile.s32 @!p0 $0x1;
	_ =	shalt  }
.Lfunc_end2:
_tile_overlayer_lowered:
.L_overlay_start_2:
0x412: {  	(tag) =	ssettag $0x2  }
0x413: {  	s0 =	rddreg [dreg:$0x0];
	s2 =	stileid.u32  }
0x414: {  	s1 =	rddreg [dreg:$0x1];
	p0 =	sne.s32 s2, $0x0  }
0x415: {  	s3 =	rddreg [dreg:$0x2];
	[bflag:$0x3] =	sbarrier.arrive $0xFFFF;
	s2 =	simm.s32 @!p0 $0x1C09  }
0x416: {  	[timem:s3], [sflag:s2] =	dma.local @!p0 [hbm:s0], s1  }
0x417: {  	s0 =	simm.s32 @!p0 $0x9  }
0x418: {  	_ =	swait.ge @!p0 [sflag:s0], s1  }
0x419: {  	s1 =	ssub.s32 @!p0 $0x0, s1;
	[sflag:s0] =	ssyncset.done @!p0 $0x0  }
0x41a: {  	[sflag:s0] =	ssyncadd.s32 @!p0 s1  }
0x41b: {  	[bflag:$0x3] =	sbarrier.arrive $0xFFFF  }
0x41c: {  	_ =	shalt  }

</sc_bundles>
